<compile_context>
chip_gen: v7x
topology: tpu7x:2x2x1
jax: 0.10.2.dev20260603
libtpu: 0.0.44.dev20260713+nightly
codegen_flags: <defaults>
</compile_context>

<pallas_src>
import functools

import jax
import jax.numpy as jnp
from jax import lax
from jax.experimental import pallas as pl
from jax.experimental.pallas import tpu as pltpu
from jax.experimental.pallas import tpu_sc as plsc

NUM_CORES = 2
NUM_SUBCORES = 16
NW = NUM_CORES * NUM_SUBCORES

EMBED_DIM = 256
BATCH = 4096
SEQ = 50
SLABS_PER_W = BATCH // NW
SEQ_PAD = 64
SEQ_LO = 48
NBUF = 6


def _sc_gather(x3d, table):
    mesh = plsc.VectorSubcoreMesh(core_axis_name="c", subcore_axis_name="s")

    @functools.partial(
        pl.kernel,
        mesh=mesh,
        out_type=jax.ShapeDtypeStruct((BATCH, SEQ, EMBED_DIM), jnp.float32),
        scratch_types=(
            [pltpu.VMEM((SLABS_PER_W, SEQ_PAD), jnp.int32)]
            + [pltpu.VMEM((SEQ_PAD, EMBED_DIM), jnp.float32)] * NBUF
            + [pltpu.SemaphoreType.DMA] * (2 * NBUF)
        ),
    )
    def k(x_hbm, table_hbm, out_hbm, idx_v, *bufs_sems):
        bufs = bufs_sems[:NBUF]
        gsems = bufs_sems[NBUF:2 * NBUF]
        osems = bufs_sems[2 * NBUF:]
        wid = lax.axis_index("s") * NUM_CORES + lax.axis_index("c")
        slab_base = wid * SLABS_PER_W

        pltpu.sync_copy(x_hbm.at[wid], idx_v)

        def gather_start(j, b):
            pltpu.async_copy(table_hbm.at[idx_v.at[j]], bufs[b], gsems[b])

        def gather_wait(b):
            pltpu.make_async_copy(
                table_hbm.at[idx_v.at[0]], bufs[b], gsems[b]).wait()

        def write_start(j, b):
            pltpu.async_copy(
                bufs[b].at[pl.ds(0, SEQ_LO)],
                out_hbm.at[slab_base + j, pl.ds(0, SEQ_LO)], osems[b])
            pltpu.async_copy(
                bufs[b].at[pl.ds(SEQ_LO, SEQ - SEQ_LO)],
                out_hbm.at[slab_base + j, pl.ds(SEQ_LO, SEQ - SEQ_LO)],
                osems[b])

        def write_wait(b):
            pltpu.make_async_copy(
                bufs[b].at[pl.ds(0, SEQ_LO)],
                out_hbm.at[slab_base, pl.ds(0, SEQ_LO)], osems[b]).wait()
            pltpu.make_async_copy(
                bufs[b].at[pl.ds(SEQ_LO, SEQ - SEQ_LO)],
                out_hbm.at[slab_base, pl.ds(SEQ_LO, SEQ - SEQ_LO)],
                osems[b]).wait()

        def steady(j, b):
            gather_wait(b)
            write_start(j, b)
            write_wait((b + NBUF - 1) % NBUF)
            gather_start(j + NBUF - 1, (b + NBUF - 1) % NBUF)

        for b in range(NBUF - 1):
            gather_start(b, b)
        gather_wait(0)
        write_start(0, 0)
        gather_start(NBUF - 1, NBUF - 1)

        def body(go, carry):
            for bb in range(NBUF):
                j = go * NBUF + bb + 1
                steady(j, (bb + 1) % NBUF)
            return carry

        n_steady = SLABS_PER_W - NBUF
        n_loop = (n_steady // NBUF) * NBUF
        lax.fori_loop(0, n_steady // NBUF, body, 0)
        for j in range(n_loop + 1, n_steady + 1):
            steady(j, j % NBUF)

        for j in range(SLABS_PER_W - NBUF + 1, SLABS_PER_W):
            b = j % NBUF
            gather_wait(b)
            write_start(j, b)
        for b in range(NBUF):
            write_wait(b)

    return k(x3d, table)


def kernel(x, table):
    n, s = x.shape
    x3d = x.reshape(NW, SLABS_PER_W, SEQ).astype(jnp.int32)
    x3d = jnp.concatenate([x3d, x3d[:, :, : SEQ_PAD - SEQ]], axis=-1)
    return _sc_gather(x3d, table)

# --- scband reference (transcript-rebuilt; emitter-appended) ---
"""Pipeline reference for scband-cam-embedding-27839978013066 (READ-ONLY COPY).

The authoritative reference and input builder live on the scoring server;
editing this copy changes nothing except your own understanding.
"""

import jax, jax.numpy as jnp
import numpy as np

NC = 1000000
EMBED_DIM = 256

def setup_inputs(seed: int = 0) -> dict:
    key = jax.random.key(seed)
    k1, k2 = jax.random.split(key)
    x = jax.random.randint(k1, (4096, 50), 0, NC, dtype=jnp.int64) if jax.config.read('jax_enable_x64') else jax.random.randint(k1, (4096, 50), 0, NC, dtype=jnp.int32)
    table = jax.random.normal(k2, (NC, EMBED_DIM), dtype=jnp.float32)
    return {"x": x, "table": table}

def reference(x, table):
    # nn.Embedding forward: gather rows of the embedding table
    return jnp.take(table, x, axis=0)

if __name__ == "__main__":
    import jax
    _d = setup_inputs()
    print(jax.jit(kernel)(*tuple(_d.values())))

</pallas_src>

<mosaic_0001>
#map = affine_map<(d0, d1) -> (0, 0, 0)>
#map1 = affine_map<(d0, d1) -> (0, 0)>
module attributes {stable_mosaic.version = 14 : i64} {
  func.func @k(%arg0: i32, %arg1: i32, %arg2: memref<32x128x64xi32, #tpu.memory_space<hbm>>, %arg3: memref<1000000x256xf32, #tpu.memory_space<hbm>>, %arg4: memref<4096x50x256xf32, #tpu.memory_space<hbm>>, %arg5: memref<128x64xi32, #tpu.memory_space<vmem>>, %arg6: memref<64x256xf32, #tpu.memory_space<vmem>>, %arg7: memref<64x256xf32, #tpu.memory_space<vmem>>, %arg8: memref<64x256xf32, #tpu.memory_space<vmem>>, %arg9: memref<64x256xf32, #tpu.memory_space<vmem>>, %arg10: memref<64x256xf32, #tpu.memory_space<vmem>>, %arg11: memref<64x256xf32, #tpu.memory_space<vmem>>, %arg12: memref<!tpu.dma_semaphore, #tpu.memory_space<semaphore_mem>>, %arg13: memref<!tpu.dma_semaphore, #tpu.memory_space<semaphore_mem>>, %arg14: memref<!tpu.dma_semaphore, #tpu.memory_space<semaphore_mem>>, %arg15: memref<!tpu.dma_semaphore, #tpu.memory_space<semaphore_mem>>, %arg16: memref<!tpu.dma_semaphore, #tpu.memory_space<semaphore_mem>>, %arg17: memref<!tpu.dma_semaphore, #tpu.memory_space<semaphore_mem>>, %arg18: memref<!tpu.dma_semaphore, #tpu.memory_space<semaphore_mem>>, %arg19: memref<!tpu.dma_semaphore, #tpu.memory_space<semaphore_mem>>, %arg20: memref<!tpu.dma_semaphore, #tpu.memory_space<semaphore_mem>>, %arg21: memref<!tpu.dma_semaphore, #tpu.memory_space<semaphore_mem>>, %arg22: memref<!tpu.dma_semaphore, #tpu.memory_space<semaphore_mem>>, %arg23: memref<!tpu.dma_semaphore, #tpu.memory_space<semaphore_mem>>) attributes {dimension_semantics = [#tpu.dimension_semantics<core_parallel>, #tpu.dimension_semantics<subcore_parallel>], iteration_bounds = array<i64: 2, 16>, scalar_prefetch = 0 : i64, scratch_operands = 19 : i64, tpu.core_type = #tpu.core_type<sc_vector_subcore>, window_params = [{transform_indices = #map}, {transform_indices = #map1}, {transform_indices = #map}]} {
    %mul3A = arith.constant 2 : i32
    %mul3A_0 = arith.muli %arg1, %mul3A : i32
    %add3A = arith.addi %mul3A_0, %arg0 : i32
    %mul3A_1 = arith.constant 128 : i32
    %mul3A_2 = arith.muli %add3A, %mul3A_1 : i32
    "tpu.region"() ({
      %run_scoped3A = tpu.sem_alloc : memref<!tpu.dma_semaphore, #tpu.memory_space<semaphore_mem>>
      %dma_start3A_598 = arith.constant 0 : i32
      %dma_start3A_599 = arith.constant 0 : i32
      %dma_start3A_600 = tpu.memref_slice %arg2[%add3A, %dma_start3A_598, %dma_start3A_599] : memref<32x128x64xi32, #tpu.memory_space<hbm>> -> memref<1x128x64xi32, #tpu.memory_space<hbm>>
      %dma_start3A_601 = tpu.memref_squeeze %dma_start3A_600 : memref<1x128x64xi32, #tpu.memory_space<hbm>> -> memref<128x64xi32, #tpu.memory_space<hbm>>
      %dma_start3A_602 = arith.constant 0 : i32
      %dma_start3A_603 = arith.constant 0 : i32
      %dma_start3A_604 = tpu.memref_slice %arg2[%add3A, %dma_start3A_602, %dma_start3A_603] : memref<32x128x64xi32, #tpu.memory_space<hbm>> -> memref<1x128x64xi32, #tpu.memory_space<hbm>>
      %dma_start3A_605 = tpu.memref_squeeze %dma_start3A_604 : memref<1x128x64xi32, #tpu.memory_space<hbm>> -> memref<128x64xi32, #tpu.memory_space<hbm>>
      tpu.enqueue_dma source(%dma_start3A_605 : memref<128x64xi32, #tpu.memory_space<hbm>>) target(%arg5 : memref<128x64xi32, #tpu.memory_space<vmem>>) target_semaphore(%run_scoped3A : memref<!tpu.dma_semaphore, #tpu.memory_space<semaphore_mem>>)
      %dma_wait3A_606 = arith.constant 0 : i32
      %dma_wait3A_607 = arith.constant 0 : i32
      %dma_wait3A_608 = tpu.memref_slice %arg2[%add3A, %dma_wait3A_606, %dma_wait3A_607] : memref<32x128x64xi32, #tpu.memory_space<hbm>> -> memref<1x128x64xi32, #tpu.memory_space<hbm>>
      %dma_wait3A_609 = tpu.memref_squeeze %dma_wait3A_608 : memref<1x128x64xi32, #tpu.memory_space<hbm>> -> memref<128x64xi32, #tpu.memory_space<hbm>>
      %dma_wait3A_610 = arith.constant 0 : i32
      %dma_wait3A_611 = arith.constant 0 : i32
      %dma_wait3A_612 = tpu.memref_slice %arg2[%add3A, %dma_wait3A_610, %dma_wait3A_611] : memref<32x128x64xi32, #tpu.memory_space<hbm>> -> memref<1x128x64xi32, #tpu.memory_space<hbm>>
      %dma_wait3A_613 = tpu.memref_squeeze %dma_wait3A_612 : memref<1x128x64xi32, #tpu.memory_space<hbm>> -> memref<128x64xi32, #tpu.memory_space<hbm>>
      tpu.wait_dma2 semaphore(%run_scoped3A : memref<!tpu.dma_semaphore, #tpu.memory_space<semaphore_mem>>) src(%dma_wait3A_613 : memref<128x64xi32, #tpu.memory_space<hbm>>) dst(%arg5 : memref<128x64xi32, #tpu.memory_space<vmem>>)
      tpu.yield
    }) : () -> ()
    %dma_start3A = arith.constant 0 : i32
    %dma_start3A_3 = arith.constant 0 : i32
    %dma_start3A_4 = tpu.memref_slice %arg5[%dma_start3A, %dma_start3A_3] : memref<128x64xi32, #tpu.memory_space<vmem>> -> memref<1x64xi32, #tpu.memory_space<vmem>>
    %dma_start3A_5 = tpu.memref_squeeze %dma_start3A_4 : memref<1x64xi32, #tpu.memory_space<vmem>> -> memref<64xi32, #tpu.memory_space<vmem>>
    %dma_start3A_6 = arith.constant 0 : i32
    %dma_start3A_7 = arith.constant 0 : i32
    %dma_start3A_8 = tpu.memref_slice %arg3[%dma_start3A_6, %dma_start3A_7] : memref<1000000x256xf32, #tpu.memory_space<hbm>> -> memref<1000000x256xf32, #tpu.memory_space<hbm>>
    tpu.enqueue_indirect_dma source(%dma_start3A_8 : memref<1000000x256xf32, #tpu.memory_space<hbm>>) target(%arg6 : memref<64x256xf32, #tpu.memory_space<vmem>>) offsets(%dma_start3A_5 : memref<64xi32, #tpu.memory_space<vmem>>) semaphore(%arg12 : memref<!tpu.dma_semaphore, #tpu.memory_space<semaphore_mem>>)
    %dma_start3A_9 = arith.constant 1 : i32
    %dma_start3A_10 = arith.constant 0 : i32
    %dma_start3A_11 = tpu.memref_slice %arg5[%dma_start3A_9, %dma_start3A_10] : memref<128x64xi32, #tpu.memory_space<vmem>> -> memref<1x64xi32, #tpu.memory_space<vmem>>
    %dma_start3A_12 = tpu.memref_squeeze %dma_start3A_11 : memref<1x64xi32, #tpu.memory_space<vmem>> -> memref<64xi32, #tpu.memory_space<vmem>>
    %dma_start3A_13 = arith.constant 0 : i32
    %dma_start3A_14 = arith.constant 0 : i32
    %dma_start3A_15 = tpu.memref_slice %arg3[%dma_start3A_13, %dma_start3A_14] : memref<1000000x256xf32, #tpu.memory_space<hbm>> -> memref<1000000x256xf32, #tpu.memory_space<hbm>>
    tpu.enqueue_indirect_dma source(%dma_start3A_15 : memref<1000000x256xf32, #tpu.memory_space<hbm>>) target(%arg7 : memref<64x256xf32, #tpu.memory_space<vmem>>) offsets(%dma_start3A_12 : memref<64xi32, #tpu.memory_space<vmem>>) semaphore(%arg13 : memref<!tpu.dma_semaphore, #tpu.memory_space<semaphore_mem>>)
    %dma_start3A_16 = arith.constant 2 : i32
    %dma_start3A_17 = arith.constant 0 : i32
    %dma_start3A_18 = tpu.memref_slice %arg5[%dma_start3A_16, %dma_start3A_17] : memref<128x64xi32, #tpu.memory_space<vmem>> -> memref<1x64xi32, #tpu.memory_space<vmem>>
    %dma_start3A_19 = tpu.memref_squeeze %dma_start3A_18 : memref<1x64xi32, #tpu.memory_space<vmem>> -> memref<64xi32, #tpu.memory_space<vmem>>
    %dma_start3A_20 = arith.constant 0 : i32
    %dma_start3A_21 = arith.constant 0 : i32
    %dma_start3A_22 = tpu.memref_slice %arg3[%dma_start3A_20, %dma_start3A_21] : memref<1000000x256xf32, #tpu.memory_space<hbm>> -> memref<1000000x256xf32, #tpu.memory_space<hbm>>
    tpu.enqueue_indirect_dma source(%dma_start3A_22 : memref<1000000x256xf32, #tpu.memory_space<hbm>>) target(%arg8 : memref<64x256xf32, #tpu.memory_space<vmem>>) offsets(%dma_start3A_19 : memref<64xi32, #tpu.memory_space<vmem>>) semaphore(%arg14 : memref<!tpu.dma_semaphore, #tpu.memory_space<semaphore_mem>>)
    %dma_start3A_23 = arith.constant 3 : i32
    %dma_start3A_24 = arith.constant 0 : i32
    %dma_start3A_25 = tpu.memref_slice %arg5[%dma_start3A_23, %dma_start3A_24] : memref<128x64xi32, #tpu.memory_space<vmem>> -> memref<1x64xi32, #tpu.memory_space<vmem>>
    %dma_start3A_26 = tpu.memref_squeeze %dma_start3A_25 : memref<1x64xi32, #tpu.memory_space<vmem>> -> memref<64xi32, #tpu.memory_space<vmem>>
    %dma_start3A_27 = arith.constant 0 : i32
    %dma_start3A_28 = arith.constant 0 : i32
    %dma_start3A_29 = tpu.memref_slice %arg3[%dma_start3A_27, %dma_start3A_28] : memref<1000000x256xf32, #tpu.memory_space<hbm>> -> memref<1000000x256xf32, #tpu.memory_space<hbm>>
    tpu.enqueue_indirect_dma source(%dma_start3A_29 : memref<1000000x256xf32, #tpu.memory_space<hbm>>) target(%arg9 : memref<64x256xf32, #tpu.memory_space<vmem>>) offsets(%dma_start3A_26 : memref<64xi32, #tpu.memory_space<vmem>>) semaphore(%arg15 : memref<!tpu.dma_semaphore, #tpu.memory_space<semaphore_mem>>)
    %dma_start3A_30 = arith.constant 4 : i32
    %dma_start3A_31 = arith.constant 0 : i32
    %dma_start3A_32 = tpu.memref_slice %arg5[%dma_start3A_30, %dma_start3A_31] : memref<128x64xi32, #tpu.memory_space<vmem>> -> memref<1x64xi32, #tpu.memory_space<vmem>>
    %dma_start3A_33 = tpu.memref_squeeze %dma_start3A_32 : memref<1x64xi32, #tpu.memory_space<vmem>> -> memref<64xi32, #tpu.memory_space<vmem>>
    %dma_start3A_34 = arith.constant 0 : i32
    %dma_start3A_35 = arith.constant 0 : i32
    %dma_start3A_36 = tpu.memref_slice %arg3[%dma_start3A_34, %dma_start3A_35] : memref<1000000x256xf32, #tpu.memory_space<hbm>> -> memref<1000000x256xf32, #tpu.memory_space<hbm>>
    tpu.enqueue_indirect_dma source(%dma_start3A_36 : memref<1000000x256xf32, #tpu.memory_space<hbm>>) target(%arg10 : memref<64x256xf32, #tpu.memory_space<vmem>>) offsets(%dma_start3A_33 : memref<64xi32, #tpu.memory_space<vmem>>) semaphore(%arg16 : memref<!tpu.dma_semaphore, #tpu.memory_space<semaphore_mem>>)
    %dma_wait3A = arith.constant 0 : i32
    %dma_wait3A_37 = arith.constant 0 : i32
    %dma_wait3A_38 = tpu.memref_slice %arg5[%dma_wait3A, %dma_wait3A_37] : memref<128x64xi32, #tpu.memory_space<vmem>> -> memref<1x64xi32, #tpu.memory_space<vmem>>
    %dma_wait3A_39 = tpu.memref_squeeze %dma_wait3A_38 : memref<1x64xi32, #tpu.memory_space<vmem>> -> memref<64xi32, #tpu.memory_space<vmem>>
    %dma_wait3A_40 = arith.constant 0 : i32
    %dma_wait3A_41 = arith.constant 0 : i32
    %dma_wait3A_42 = tpu.memref_slice %arg3[%dma_wait3A_40, %dma_wait3A_41] : memref<1000000x256xf32, #tpu.memory_space<hbm>> -> memref<1000000x256xf32, #tpu.memory_space<hbm>>
    tpu.wait_indirect_dma semaphore(%arg12 : memref<!tpu.dma_semaphore, #tpu.memory_space<semaphore_mem>>) src(%dma_wait3A_42 : memref<1000000x256xf32, #tpu.memory_space<hbm>>) dst(%arg6 : memref<64x256xf32, #tpu.memory_space<vmem>>)
    %add3A_43 = arith.constant 0 : i32
    %add3A_44 = arith.addi %mul3A_2, %add3A_43 : i32
    %dma_start3A_45 = arith.constant 0 : i32
    %dma_start3A_46 = arith.constant 0 : i32
    %dma_start3A_47 = tpu.memref_slice %arg6[%dma_start3A_45, %dma_start3A_46] : memref<64x256xf32, #tpu.memory_space<vmem>> -> memref<48x256xf32, #tpu.memory_space<vmem>>
    %dma_start3A_48 = arith.constant 0 : i32
    %dma_start3A_49 = arith.constant 0 : i32
    %dma_start3A_50 = tpu.memref_slice %arg4[%add3A_44, %dma_start3A_48, %dma_start3A_49] : memref<4096x50x256xf32, #tpu.memory_space<hbm>> -> memref<1x48x256xf32, #tpu.memory_space<hbm>>
    %dma_start3A_51 = tpu.memref_squeeze %dma_start3A_50 : memref<1x48x256xf32, #tpu.memory_space<hbm>> -> memref<48x256xf32, #tpu.memory_space<hbm>>
    %dma_start3A_52 = arith.constant 0 : i32
    %dma_start3A_53 = arith.constant 0 : i32
    %dma_start3A_54 = tpu.memref_slice %arg4[%add3A_44, %dma_start3A_52, %dma_start3A_53] : memref<4096x50x256xf32, #tpu.memory_space<hbm>> -> memref<1x48x256xf32, #tpu.memory_space<hbm>>
    %dma_start3A_55 = tpu.memref_squeeze %dma_start3A_54 : memref<1x48x256xf32, #tpu.memory_space<hbm>> -> memref<48x256xf32, #tpu.memory_space<hbm>>
    %dma_start3A_56 = arith.constant 0 : i32
    %dma_start3A_57 = arith.constant 0 : i32
    %dma_start3A_58 = tpu.memref_slice %arg6[%dma_start3A_56, %dma_start3A_57] : memref<64x256xf32, #tpu.memory_space<vmem>> -> memref<48x256xf32, #tpu.memory_space<vmem>>
    tpu.enqueue_dma source(%dma_start3A_58 : memref<48x256xf32, #tpu.memory_space<vmem>>) target(%dma_start3A_55 : memref<48x256xf32, #tpu.memory_space<hbm>>) target_semaphore(%arg18 : memref<!tpu.dma_semaphore, #tpu.memory_space<semaphore_mem>>)
    %add3A_59 = arith.constant 0 : i32
    %add3A_60 = arith.addi %mul3A_2, %add3A_59 : i32
    %dma_start3A_61 = arith.constant 48 : i32
    %dma_start3A_62 = arith.constant 0 : i32
    %dma_start3A_63 = tpu.memref_slice %arg6[%dma_start3A_61, %dma_start3A_62] : memref<64x256xf32, #tpu.memory_space<vmem>> -> memref<2x256xf32, #tpu.memory_space<vmem>>
    %dma_start3A_64 = arith.constant 48 : i32
    %dma_start3A_65 = arith.constant 0 : i32
    %dma_start3A_66 = tpu.memref_slice %arg4[%add3A_60, %dma_start3A_64, %dma_start3A_65] : memref<4096x50x256xf32, #tpu.memory_space<hbm>> -> memref<1x2x256xf32, #tpu.memory_space<hbm>>
    %dma_start3A_67 = tpu.memref_squeeze %dma_start3A_66 : memref<1x2x256xf32, #tpu.memory_space<hbm>> -> memref<2x256xf32, #tpu.memory_space<hbm>>
    %dma_start3A_68 = arith.constant 48 : i32
    %dma_start3A_69 = arith.constant 0 : i32
    %dma_start3A_70 = tpu.memref_slice %arg4[%add3A_60, %dma_start3A_68, %dma_start3A_69] : memref<4096x50x256xf32, #tpu.memory_space<hbm>> -> memref<1x2x256xf32, #tpu.memory_space<hbm>>
    %dma_start3A_71 = tpu.memref_squeeze %dma_start3A_70 : memref<1x2x256xf32, #tpu.memory_space<hbm>> -> memref<2x256xf32, #tpu.memory_space<hbm>>
    %dma_start3A_72 = arith.constant 48 : i32
    %dma_start3A_73 = arith.constant 0 : i32
    %dma_start3A_74 = tpu.memref_slice %arg6[%dma_start3A_72, %dma_start3A_73] : memref<64x256xf32, #tpu.memory_space<vmem>> -> memref<2x256xf32, #tpu.memory_space<vmem>>
    tpu.enqueue_dma source(%dma_start3A_74 : memref<2x256xf32, #tpu.memory_space<vmem>>) target(%dma_start3A_71 : memref<2x256xf32, #tpu.memory_space<hbm>>) target_semaphore(%arg18 : memref<!tpu.dma_semaphore, #tpu.memory_space<semaphore_mem>>)
    %dma_start3A_75 = arith.constant 5 : i32
    %dma_start3A_76 = arith.constant 0 : i32
    %dma_start3A_77 = tpu.memref_slice %arg5[%dma_start3A_75, %dma_start3A_76] : memref<128x64xi32, #tpu.memory_space<vmem>> -> memref<1x64xi32, #tpu.memory_space<vmem>>
    %dma_start3A_78 = tpu.memref_squeeze %dma_start3A_77 : memref<1x64xi32, #tpu.memory_space<vmem>> -> memref<64xi32, #tpu.memory_space<vmem>>
    %dma_start3A_79 = arith.constant 0 : i32
    %dma_start3A_80 = arith.constant 0 : i32
    %dma_start3A_81 = tpu.memref_slice %arg3[%dma_start3A_79, %dma_start3A_80] : memref<1000000x256xf32, #tpu.memory_space<hbm>> -> memref<1000000x256xf32, #tpu.memory_space<hbm>>
    tpu.enqueue_indirect_dma source(%dma_start3A_81 : memref<1000000x256xf32, #tpu.memory_space<hbm>>) target(%arg11 : memref<64x256xf32, #tpu.memory_space<vmem>>) offsets(%dma_start3A_78 : memref<64xi32, #tpu.memory_space<vmem>>) semaphore(%arg17 : memref<!tpu.dma_semaphore, #tpu.memory_space<semaphore_mem>>)
    %scan3A = arith.constant 0 : i32
    %scan3A_82 = arith.constant 0 : i32
    %scan3A_83 = arith.constant 20 : i32
    %scan3A_84 = arith.addi %scan3A_82, %scan3A_83 : i32
    %scan3A_85 = arith.constant 1 : i32
    scf.for %scan3A_598 = %scan3A_82 to %scan3A_84 step %scan3A_85  : i32 {
      %mul3A_599 = arith.constant 6 : i32
      %mul3A_600 = arith.muli %scan3A_598, %mul3A_599 : i32
      %add3A_601 = arith.constant 0 : i32
      %add3A_602 = arith.addi %mul3A_600, %add3A_601 : i32
      %add3A_603 = arith.constant 1 : i32
      %add3A_604 = arith.addi %add3A_602, %add3A_603 : i32
      %dma_wait3A_605 = arith.constant 0 : i32
      %dma_wait3A_606 = arith.constant 0 : i32
      %dma_wait3A_607 = tpu.memref_slice %arg5[%dma_wait3A_605, %dma_wait3A_606] : memref<128x64xi32, #tpu.memory_space<vmem>> -> memref<1x64xi32, #tpu.memory_space<vmem>>
      %dma_wait3A_608 = tpu.memref_squeeze %dma_wait3A_607 : memref<1x64xi32, #tpu.memory_space<vmem>> -> memref<64xi32, #tpu.memory_space<vmem>>
      %dma_wait3A_609 = arith.constant 0 : i32
      %dma_wait3A_610 = arith.constant 0 : i32
      %dma_wait3A_611 = tpu.memref_slice %arg3[%dma_wait3A_609, %dma_wait3A_610] : memref<1000000x256xf32, #tpu.memory_space<hbm>> -> memref<1000000x256xf32, #tpu.memory_space<hbm>>
      tpu.wait_indirect_dma semaphore(%arg13 : memref<!tpu.dma_semaphore, #tpu.memory_space<semaphore_mem>>) src(%dma_wait3A_611 : memref<1000000x256xf32, #tpu.memory_space<hbm>>) dst(%arg7 : memref<64x256xf32, #tpu.memory_space<vmem>>)
      %add3A_612 = arith.addi %mul3A_2, %add3A_604 : i32
      %dma_start3A_613 = arith.constant 0 : i32
      %dma_start3A_614 = arith.constant 0 : i32
      %dma_start3A_615 = tpu.memref_slice %arg7[%dma_start3A_613, %dma_start3A_614] : memref<64x256xf32, #tpu.memory_space<vmem>> -> memref<48x256xf32, #tpu.memory_space<vmem>>
      %dma_start3A_616 = arith.constant 0 : i32
      %dma_start3A_617 = arith.constant 0 : i32
      %dma_start3A_618 = tpu.memref_slice %arg4[%add3A_612, %dma_start3A_616, %dma_start3A_617] : memref<4096x50x256xf32, #tpu.memory_space<hbm>> -> memref<1x48x256xf32, #tpu.memory_space<hbm>>
      %dma_start3A_619 = tpu.memref_squeeze %dma_start3A_618 : memref<1x48x256xf32, #tpu.memory_space<hbm>> -> memref<48x256xf32, #tpu.memory_space<hbm>>
      %dma_start3A_620 = arith.constant 0 : i32
      %dma_start3A_621 = arith.constant 0 : i32
      %dma_start3A_622 = tpu.memref_slice %arg4[%add3A_612, %dma_start3A_620, %dma_start3A_621] : memref<4096x50x256xf32, #tpu.memory_space<hbm>> -> memref<1x48x256xf32, #tpu.memory_space<hbm>>
      %dma_start3A_623 = tpu.memref_squeeze %dma_start3A_622 : memref<1x48x256xf32, #tpu.memory_space<hbm>> -> memref<48x256xf32, #tpu.memory_space<hbm>>
      %dma_start3A_624 = arith.constant 0 : i32
      %dma_start3A_625 = arith.constant 0 : i32
      %dma_start3A_626 = tpu.memref_slice %arg7[%dma_start3A_624, %dma_start3A_625] : memref<64x256xf32, #tpu.memory_space<vmem>> -> memref<48x256xf32, #tpu.memory_space<vmem>>
      tpu.enqueue_dma source(%dma_start3A_626 : memref<48x256xf32, #tpu.memory_space<vmem>>) target(%dma_start3A_623 : memref<48x256xf32, #tpu.memory_space<hbm>>) target_semaphore(%arg19 : memref<!tpu.dma_semaphore, #tpu.memory_space<semaphore_mem>>)
      %add3A_627 = arith.addi %mul3A_2, %add3A_604 : i32
      %dma_start3A_628 = arith.constant 48 : i32
      %dma_start3A_629 = arith.constant 0 : i32
      %dma_start3A_630 = tpu.memref_slice %arg7[%dma_start3A_628, %dma_start3A_629] : memref<64x256xf32, #tpu.memory_space<vmem>> -> memref<2x256xf32, #tpu.memory_space<vmem>>
      %dma_start3A_631 = arith.constant 48 : i32
      %dma_start3A_632 = arith.constant 0 : i32
      %dma_start3A_633 = tpu.memref_slice %arg4[%add3A_627, %dma_start3A_631, %dma_start3A_632] : memref<4096x50x256xf32, #tpu.memory_space<hbm>> -> memref<1x2x256xf32, #tpu.memory_space<hbm>>
      %dma_start3A_634 = tpu.memref_squeeze %dma_start3A_633 : memref<1x2x256xf32, #tpu.memory_space<hbm>> -> memref<2x256xf32, #tpu.memory_space<hbm>>
      %dma_start3A_635 = arith.constant 48 : i32
      %dma_start3A_636 = arith.constant 0 : i32
      %dma_start3A_637 = tpu.memref_slice %arg4[%add3A_627, %dma_start3A_635, %dma_start3A_636] : memref<4096x50x256xf32, #tpu.memory_space<hbm>> -> memref<1x2x256xf32, #tpu.memory_space<hbm>>
      %dma_start3A_638 = tpu.memref_squeeze %dma_start3A_637 : memref<1x2x256xf32, #tpu.memory_space<hbm>> -> memref<2x256xf32, #tpu.memory_space<hbm>>
      %dma_start3A_639 = arith.constant 48 : i32
      %dma_start3A_640 = arith.constant 0 : i32
      %dma_start3A_641 = tpu.memref_slice %arg7[%dma_start3A_639, %dma_start3A_640] : memref<64x256xf32, #tpu.memory_space<vmem>> -> memref<2x256xf32, #tpu.memory_space<vmem>>
      tpu.enqueue_dma source(%dma_start3A_641 : memref<2x256xf32, #tpu.memory_space<vmem>>) target(%dma_start3A_638 : memref<2x256xf32, #tpu.memory_space<hbm>>) target_semaphore(%arg19 : memref<!tpu.dma_semaphore, #tpu.memory_space<semaphore_mem>>)
      %dma_wait3A_642 = arith.constant 0 : i32
      %dma_wait3A_643 = arith.constant 0 : i32
      %dma_wait3A_644 = tpu.memref_slice %arg6[%dma_wait3A_642, %dma_wait3A_643] : memref<64x256xf32, #tpu.memory_space<vmem>> -> memref<48x256xf32, #tpu.memory_space<vmem>>
      %dma_wait3A_645 = arith.constant 0 : i32
      %dma_wait3A_646 = arith.constant 0 : i32
      %dma_wait3A_647 = tpu.memref_slice %arg4[%mul3A_2, %dma_wait3A_645, %dma_wait3A_646] : memref<4096x50x256xf32, #tpu.memory_space<hbm>> -> memref<1x48x256xf32, #tpu.memory_space<hbm>>
      %dma_wait3A_648 = tpu.memref_squeeze %dma_wait3A_647 : memref<1x48x256xf32, #tpu.memory_space<hbm>> -> memref<48x256xf32, #tpu.memory_space<hbm>>
      %dma_wait3A_649 = arith.constant 0 : i32
      %dma_wait3A_650 = arith.constant 0 : i32
      %dma_wait3A_651 = tpu.memref_slice %arg4[%mul3A_2, %dma_wait3A_649, %dma_wait3A_650] : memref<4096x50x256xf32, #tpu.memory_space<hbm>> -> memref<1x48x256xf32, #tpu.memory_space<hbm>>
      %dma_wait3A_652 = tpu.memref_squeeze %dma_wait3A_651 : memref<1x48x256xf32, #tpu.memory_space<hbm>> -> memref<48x256xf32, #tpu.memory_space<hbm>>
      %dma_wait3A_653 = arith.constant 0 : i32
      %dma_wait3A_654 = arith.constant 0 : i32
      %dma_wait3A_655 = tpu.memref_slice %arg6[%dma_wait3A_653, %dma_wait3A_654] : memref<64x256xf32, #tpu.memory_space<vmem>> -> memref<48x256xf32, #tpu.memory_space<vmem>>
      tpu.wait_dma2 semaphore(%arg18 : memref<!tpu.dma_semaphore, #tpu.memory_space<semaphore_mem>>) src(%dma_wait3A_655 : memref<48x256xf32, #tpu.memory_space<vmem>>) dst(%dma_wait3A_652 : memref<48x256xf32, #tpu.memory_space<hbm>>)
      %dma_wait3A_656 = arith.constant 48 : i32
      %dma_wait3A_657 = arith.constant 0 : i32
      %dma_wait3A_658 = tpu.memref_slice %arg6[%dma_wait3A_656, %dma_wait3A_657] : memref<64x256xf32, #tpu.memory_space<vmem>> -> memref<2x256xf32, #tpu.memory_space<vmem>>
      %dma_wait3A_659 = arith.constant 48 : i32
      %dma_wait3A_660 = arith.constant 0 : i32
      %dma_wait3A_661 = tpu.memref_slice %arg4[%mul3A_2, %dma_wait3A_659, %dma_wait3A_660] : memref<4096x50x256xf32, #tpu.memory_space<hbm>> -> memref<1x2x256xf32, #tpu.memory_space<hbm>>
      %dma_wait3A_662 = tpu.memref_squeeze %dma_wait3A_661 : memref<1x2x256xf32, #tpu.memory_space<hbm>> -> memref<2x256xf32, #tpu.memory_space<hbm>>
      %dma_wait3A_663 = arith.constant 48 : i32
      %dma_wait3A_664 = arith.constant 0 : i32
      %dma_wait3A_665 = tpu.memref_slice %arg4[%mul3A_2, %dma_wait3A_663, %dma_wait3A_664] : memref<4096x50x256xf32, #tpu.memory_space<hbm>> -> memref<1x2x256xf32, #tpu.memory_space<hbm>>
      %dma_wait3A_666 = tpu.memref_squeeze %dma_wait3A_665 : memref<1x2x256xf32, #tpu.memory_space<hbm>> -> memref<2x256xf32, #tpu.memory_space<hbm>>
      %dma_wait3A_667 = arith.constant 48 : i32
      %dma_wait3A_668 = arith.constant 0 : i32
      %dma_wait3A_669 = tpu.memref_slice %arg6[%dma_wait3A_667, %dma_wait3A_668] : memref<64x256xf32, #tpu.memory_space<vmem>> -> memref<2x256xf32, #tpu.memory_space<vmem>>
      tpu.wait_dma2 semaphore(%arg18 : memref<!tpu.dma_semaphore, #tpu.memory_space<semaphore_mem>>) src(%dma_wait3A_669 : memref<2x256xf32, #tpu.memory_space<vmem>>) dst(%dma_wait3A_666 : memref<2x256xf32, #tpu.memory_space<hbm>>)
      %add3A_670 = arith.constant 6 : i32
      %add3A_671 = arith.addi %add3A_604, %add3A_670 : i32
      %sub3A = arith.constant 1 : i32
      %sub3A_672 = arith.subi %add3A_671, %sub3A : i32
      %dma_start3A_673 = arith.constant 0 : i32
      %dma_start3A_674 = tpu.memref_slice %arg5[%sub3A_672, %dma_start3A_673] : memref<128x64xi32, #tpu.memory_space<vmem>> -> memref<1x64xi32, #tpu.memory_space<vmem>>
      %dma_start3A_675 = tpu.memref_squeeze %dma_start3A_674 : memref<1x64xi32, #tpu.memory_space<vmem>> -> memref<64xi32, #tpu.memory_space<vmem>>
      %dma_start3A_676 = arith.constant 0 : i32
      %dma_start3A_677 = arith.constant 0 : i32
      %dma_start3A_678 = tpu.memref_slice %arg3[%dma_start3A_676, %dma_start3A_677] : memref<1000000x256xf32, #tpu.memory_space<hbm>> -> memref<1000000x256xf32, #tpu.memory_space<hbm>>
      tpu.enqueue_indirect_dma source(%dma_start3A_678 : memref<1000000x256xf32, #tpu.memory_space<hbm>>) target(%arg6 : memref<64x256xf32, #tpu.memory_space<vmem>>) offsets(%dma_start3A_675 : memref<64xi32, #tpu.memory_space<vmem>>) semaphore(%arg12 : memref<!tpu.dma_semaphore, #tpu.memory_space<semaphore_mem>>)
      %mul3A_679 = arith.constant 6 : i32
      %mul3A_680 = arith.muli %scan3A_598, %mul3A_679 : i32
      %add3A_681 = arith.constant 1 : i32
      %add3A_682 = arith.addi %mul3A_680, %add3A_681 : i32
      %add3A_683 = arith.constant 1 : i32
      %add3A_684 = arith.addi %add3A_682, %add3A_683 : i32
      %dma_wait3A_685 = arith.constant 0 : i32
      %dma_wait3A_686 = arith.constant 0 : i32
      %dma_wait3A_687 = tpu.memref_slice %arg5[%dma_wait3A_685, %dma_wait3A_686] : memref<128x64xi32, #tpu.memory_space<vmem>> -> memref<1x64xi32, #tpu.memory_space<vmem>>
      %dma_wait3A_688 = tpu.memref_squeeze %dma_wait3A_687 : memref<1x64xi32, #tpu.memory_space<vmem>> -> memref<64xi32, #tpu.memory_space<vmem>>
      %dma_wait3A_689 = arith.constant 0 : i32
      %dma_wait3A_690 = arith.constant 0 : i32
      %dma_wait3A_691 = tpu.memref_slice %arg3[%dma_wait3A_689, %dma_wait3A_690] : memref<1000000x256xf32, #tpu.memory_space<hbm>> -> memref<1000000x256xf32, #tpu.memory_space<hbm>>
      tpu.wait_indirect_dma semaphore(%arg14 : memref<!tpu.dma_semaphore, #tpu.memory_space<semaphore_mem>>) src(%dma_wait3A_691 : memref<1000000x256xf32, #tpu.memory_space<hbm>>) dst(%arg8 : memref<64x256xf32, #tpu.memory_space<vmem>>)
      %add3A_692 = arith.addi %mul3A_2, %add3A_684 : i32
      %dma_start3A_693 = arith.constant 0 : i32
      %dma_start3A_694 = arith.constant 0 : i32
      %dma_start3A_695 = tpu.memref_slice %arg8[%dma_start3A_693, %dma_start3A_694] : memref<64x256xf32, #tpu.memory_space<vmem>> -> memref<48x256xf32, #tpu.memory_space<vmem>>
      %dma_start3A_696 = arith.constant 0 : i32
      %dma_start3A_697 = arith.constant 0 : i32
      %dma_start3A_698 = tpu.memref_slice %arg4[%add3A_692, %dma_start3A_696, %dma_start3A_697] : memref<4096x50x256xf32, #tpu.memory_space<hbm>> -> memref<1x48x256xf32, #tpu.memory_space<hbm>>
      %dma_start3A_699 = tpu.memref_squeeze %dma_start3A_698 : memref<1x48x256xf32, #tpu.memory_space<hbm>> -> memref<48x256xf32, #tpu.memory_space<hbm>>
      %dma_start3A_700 = arith.constant 0 : i32
      %dma_start3A_701 = arith.constant 0 : i32
      %dma_start3A_702 = tpu.memref_slice %arg4[%add3A_692, %dma_start3A_700, %dma_start3A_701] : memref<4096x50x256xf32, #tpu.memory_space<hbm>> -> memref<1x48x256xf32, #tpu.memory_space<hbm>>
      %dma_start3A_703 = tpu.memref_squeeze %dma_start3A_702 : memref<1x48x256xf32, #tpu.memory_space<hbm>> -> memref<48x256xf32, #tpu.memory_space<hbm>>
      %dma_start3A_704 = arith.constant 0 : i32
      %dma_start3A_705 = arith.constant 0 : i32
      %dma_start3A_706 = tpu.memref_slice %arg8[%dma_start3A_704, %dma_start3A_705] : memref<64x256xf32, #tpu.memory_space<vmem>> -> memref<48x256xf32, #tpu.memory_space<vmem>>
      tpu.enqueue_dma source(%dma_start3A_706 : memref<48x256xf32, #tpu.memory_space<vmem>>) target(%dma_start3A_703 : memref<48x256xf32, #tpu.memory_space<hbm>>) target_semaphore(%arg20 : memref<!tpu.dma_semaphore, #tpu.memory_space<semaphore_mem>>)
      %add3A_707 = arith.addi %mul3A_2, %add3A_684 : i32
      %dma_start3A_708 = arith.constant 48 : i32
      %dma_start3A_709 = arith.constant 0 : i32
      %dma_start3A_710 = tpu.memref_slice %arg8[%dma_start3A_708, %dma_start3A_709] : memref<64x256xf32, #tpu.memory_space<vmem>> -> memref<2x256xf32, #tpu.memory_space<vmem>>
      %dma_start3A_711 = arith.constant 48 : i32
      %dma_start3A_712 = arith.constant 0 : i32
      %dma_start3A_713 = tpu.memref_slice %arg4[%add3A_707, %dma_start3A_711, %dma_start3A_712] : memref<4096x50x256xf32, #tpu.memory_space<hbm>> -> memref<1x2x256xf32, #tpu.memory_space<hbm>>
      %dma_start3A_714 = tpu.memref_squeeze %dma_start3A_713 : memref<1x2x256xf32, #tpu.memory_space<hbm>> -> memref<2x256xf32, #tpu.memory_space<hbm>>
      %dma_start3A_715 = arith.constant 48 : i32
      %dma_start3A_716 = arith.constant 0 : i32
      %dma_start3A_717 = tpu.memref_slice %arg4[%add3A_707, %dma_start3A_715, %dma_start3A_716] : memref<4096x50x256xf32, #tpu.memory_space<hbm>> -> memref<1x2x256xf32, #tpu.memory_space<hbm>>
      %dma_start3A_718 = tpu.memref_squeeze %dma_start3A_717 : memref<1x2x256xf32, #tpu.memory_space<hbm>> -> memref<2x256xf32, #tpu.memory_space<hbm>>
      %dma_start3A_719 = arith.constant 48 : i32
      %dma_start3A_720 = arith.constant 0 : i32
      %dma_start3A_721 = tpu.memref_slice %arg8[%dma_start3A_719, %dma_start3A_720] : memref<64x256xf32, #tpu.memory_space<vmem>> -> memref<2x256xf32, #tpu.memory_space<vmem>>
      tpu.enqueue_dma source(%dma_start3A_721 : memref<2x256xf32, #tpu.memory_space<vmem>>) target(%dma_start3A_718 : memref<2x256xf32, #tpu.memory_space<hbm>>) target_semaphore(%arg20 : memref<!tpu.dma_semaphore, #tpu.memory_space<semaphore_mem>>)
      %dma_wait3A_722 = arith.constant 0 : i32
      %dma_wait3A_723 = arith.constant 0 : i32
      %dma_wait3A_724 = tpu.memref_slice %arg7[%dma_wait3A_722, %dma_wait3A_723] : memref<64x256xf32, #tpu.memory_space<vmem>> -> memref<48x256xf32, #tpu.memory_space<vmem>>
      %dma_wait3A_725 = arith.constant 0 : i32
      %dma_wait3A_726 = arith.constant 0 : i32
      %dma_wait3A_727 = tpu.memref_slice %arg4[%mul3A_2, %dma_wait3A_725, %dma_wait3A_726] : memref<4096x50x256xf32, #tpu.memory_space<hbm>> -> memref<1x48x256xf32, #tpu.memory_space<hbm>>
      %dma_wait3A_728 = tpu.memref_squeeze %dma_wait3A_727 : memref<1x48x256xf32, #tpu.memory_space<hbm>> -> memref<48x256xf32, #tpu.memory_space<hbm>>
      %dma_wait3A_729 = arith.constant 0 : i32
      %dma_wait3A_730 = arith.constant 0 : i32
      %dma_wait3A_731 = tpu.memref_slice %arg4[%mul3A_2, %dma_wait3A_729, %dma_wait3A_730] : memref<4096x50x256xf32, #tpu.memory_space<hbm>> -> memref<1x48x256xf32, #tpu.memory_space<hbm>>
      %dma_wait3A_732 = tpu.memref_squeeze %dma_wait3A_731 : memref<1x48x256xf32, #tpu.memory_space<hbm>> -> memref<48x256xf32, #tpu.memory_space<hbm>>
      %dma_wait3A_733 = arith.constant 0 : i32
      %dma_wait3A_734 = arith.constant 0 : i32
      %dma_wait3A_735 = tpu.memref_slice %arg7[%dma_wait3A_733, %dma_wait3A_734] : memref<64x256xf32, #tpu.memory_space<vmem>> -> memref<48x256xf32, #tpu.memory_space<vmem>>
      tpu.wait_dma2 semaphore(%arg19 : memref<!tpu.dma_semaphore, #tpu.memory_space<semaphore_mem>>) src(%dma_wait3A_735 : memref<48x256xf32, #tpu.memory_space<vmem>>) dst(%dma_wait3A_732 : memref<48x256xf32, #tpu.memory_space<hbm>>)
      %dma_wait3A_736 = arith.constant 48 : i32
      %dma_wait3A_737 = arith.constant 0 : i32
      %dma_wait3A_738 = tpu.memref_slice %arg7[%dma_wait3A_736, %dma_wait3A_737] : memref<64x256xf32, #tpu.memory_space<vmem>> -> memref<2x256xf32, #tpu.memory_space<vmem>>
      %dma_wait3A_739 = arith.constant 48 : i32
      %dma_wait3A_740 = arith.constant 0 : i32
      %dma_wait3A_741 = tpu.memref_slice %arg4[%mul3A_2, %dma_wait3A_739, %dma_wait3A_740] : memref<4096x50x256xf32, #tpu.memory_space<hbm>> -> memref<1x2x256xf32, #tpu.memory_space<hbm>>
      %dma_wait3A_742 = tpu.memref_squeeze %dma_wait3A_741 : memref<1x2x256xf32, #tpu.memory_space<hbm>> -> memref<2x256xf32, #tpu.memory_space<hbm>>
      %dma_wait3A_743 = arith.constant 48 : i32
      %dma_wait3A_744 = arith.constant 0 : i32
      %dma_wait3A_745 = tpu.memref_slice %arg4[%mul3A_2, %dma_wait3A_743, %dma_wait3A_744] : memref<4096x50x256xf32, #tpu.memory_space<hbm>> -> memref<1x2x256xf32, #tpu.memory_space<hbm>>
      %dma_wait3A_746 = tpu.memref_squeeze %dma_wait3A_745 : memref<1x2x256xf32, #tpu.memory_space<hbm>> -> memref<2x256xf32, #tpu.memory_space<hbm>>
      %dma_wait3A_747 = arith.constant 48 : i32
      %dma_wait3A_748 = arith.constant 0 : i32
      %dma_wait3A_749 = tpu.memref_slice %arg7[%dma_wait3A_747, %dma_wait3A_748] : memref<64x256xf32, #tpu.memory_space<vmem>> -> memref<2x256xf32, #tpu.memory_space<vmem>>
      tpu.wait_dma2 semaphore(%arg19 : memref<!tpu.dma_semaphore, #tpu.memory_space<semaphore_mem>>) src(%dma_wait3A_749 : memref<2x256xf32, #tpu.memory_space<vmem>>) dst(%dma_wait3A_746 : memref<2x256xf32, #tpu.memory_space<hbm>>)
      %add3A_750 = arith.constant 6 : i32
      %add3A_751 = arith.addi %add3A_684, %add3A_750 : i32
      %sub3A_752 = arith.constant 1 : i32
      %sub3A_753 = arith.subi %add3A_751, %sub3A_752 : i32
      %dma_start3A_754 = arith.constant 0 : i32
      %dma_start3A_755 = tpu.memref_slice %arg5[%sub3A_753, %dma_start3A_754] : memref<128x64xi32, #tpu.memory_space<vmem>> -> memref<1x64xi32, #tpu.memory_space<vmem>>
      %dma_start3A_756 = tpu.memref_squeeze %dma_start3A_755 : memref<1x64xi32, #tpu.memory_space<vmem>> -> memref<64xi32, #tpu.memory_space<vmem>>
      %dma_start3A_757 = arith.constant 0 : i32
      %dma_start3A_758 = arith.constant 0 : i32
      %dma_start3A_759 = tpu.memref_slice %arg3[%dma_start3A_757, %dma_start3A_758] : memref<1000000x256xf32, #tpu.memory_space<hbm>> -> memref<1000000x256xf32, #tpu.memory_space<hbm>>
      tpu.enqueue_indirect_dma source(%dma_start3A_759 : memref<1000000x256xf32, #tpu.memory_space<hbm>>) target(%arg7 : memref<64x256xf32, #tpu.memory_space<vmem>>) offsets(%dma_start3A_756 : memref<64xi32, #tpu.memory_space<vmem>>) semaphore(%arg13 : memref<!tpu.dma_semaphore, #tpu.memory_space<semaphore_mem>>)
      %mul3A_760 = arith.constant 6 : i32
      %mul3A_761 = arith.muli %scan3A_598, %mul3A_760 : i32
      %add3A_762 = arith.constant 2 : i32
      %add3A_763 = arith.addi %mul3A_761, %add3A_762 : i32
      %add3A_764 = arith.constant 1 : i32
      %add3A_765 = arith.addi %add3A_763, %add3A_764 : i32
      %dma_wait3A_766 = arith.constant 0 : i32
      %dma_wait3A_767 = arith.constant 0 : i32
      %dma_wait3A_768 = tpu.memref_slice %arg5[%dma_wait3A_766, %dma_wait3A_767] : memref<128x64xi32, #tpu.memory_space<vmem>> -> memref<1x64xi32, #tpu.memory_space<vmem>>
      %dma_wait3A_769 = tpu.memref_squeeze %dma_wait3A_768 : memref<1x64xi32, #tpu.memory_space<vmem>> -> memref<64xi32, #tpu.memory_space<vmem>>
      %dma_wait3A_770 = arith.constant 0 : i32
      %dma_wait3A_771 = arith.constant 0 : i32
      %dma_wait3A_772 = tpu.memref_slice %arg3[%dma_wait3A_770, %dma_wait3A_771] : memref<1000000x256xf32, #tpu.memory_space<hbm>> -> memref<1000000x256xf32, #tpu.memory_space<hbm>>
      tpu.wait_indirect_dma semaphore(%arg15 : memref<!tpu.dma_semaphore, #tpu.memory_space<semaphore_mem>>) src(%dma_wait3A_772 : memref<1000000x256xf32, #tpu.memory_space<hbm>>) dst(%arg9 : memref<64x256xf32, #tpu.memory_space<vmem>>)
      %add3A_773 = arith.addi %mul3A_2, %add3A_765 : i32
      %dma_start3A_774 = arith.constant 0 : i32
      %dma_start3A_775 = arith.constant 0 : i32
      %dma_start3A_776 = tpu.memref_slice %arg9[%dma_start3A_774, %dma_start3A_775] : memref<64x256xf32, #tpu.memory_space<vmem>> -> memref<48x256xf32, #tpu.memory_space<vmem>>
      %dma_start3A_777 = arith.constant 0 : i32
      %dma_start3A_778 = arith.constant 0 : i32
      %dma_start3A_779 = tpu.memref_slice %arg4[%add3A_773, %dma_start3A_777, %dma_start3A_778] : memref<4096x50x256xf32, #tpu.memory_space<hbm>> -> memref<1x48x256xf32, #tpu.memory_space<hbm>>
      %dma_start3A_780 = tpu.memref_squeeze %dma_start3A_779 : memref<1x48x256xf32, #tpu.memory_space<hbm>> -> memref<48x256xf32, #tpu.memory_space<hbm>>
      %dma_start3A_781 = arith.constant 0 : i32
      %dma_start3A_782 = arith.constant 0 : i32
      %dma_start3A_783 = tpu.memref_slice %arg4[%add3A_773, %dma_start3A_781, %dma_start3A_782] : memref<4096x50x256xf32, #tpu.memory_space<hbm>> -> memref<1x48x256xf32, #tpu.memory_space<hbm>>
      %dma_start3A_784 = tpu.memref_squeeze %dma_start3A_783 : memref<1x48x256xf32, #tpu.memory_space<hbm>> -> memref<48x256xf32, #tpu.memory_space<hbm>>
      %dma_start3A_785 = arith.constant 0 : i32
      %dma_start3A_786 = arith.constant 0 : i32
      %dma_start3A_787 = tpu.memref_slice %arg9[%dma_start3A_785, %dma_start3A_786] : memref<64x256xf32, #tpu.memory_space<vmem>> -> memref<48x256xf32, #tpu.memory_space<vmem>>
      tpu.enqueue_dma source(%dma_start3A_787 : memref<48x256xf32, #tpu.memory_space<vmem>>) target(%dma_start3A_784 : memref<48x256xf32, #tpu.memory_space<hbm>>) target_semaphore(%arg21 : memref<!tpu.dma_semaphore, #tpu.memory_space<semaphore_mem>>)
      %add3A_788 = arith.addi %mul3A_2, %add3A_765 : i32
      %dma_start3A_789 = arith.constant 48 : i32
      %dma_start3A_790 = arith.constant 0 : i32
      %dma_start3A_791 = tpu.memref_slice %arg9[%dma_start3A_789, %dma_start3A_790] : memref<64x256xf32, #tpu.memory_space<vmem>> -> memref<2x256xf32, #tpu.memory_space<vmem>>
      %dma_start3A_792 = arith.constant 48 : i32
      %dma_start3A_793 = arith.constant 0 : i32
      %dma_start3A_794 = tpu.memref_slice %arg4[%add3A_788, %dma_start3A_792, %dma_start3A_793] : memref<4096x50x256xf32, #tpu.memory_space<hbm>> -> memref<1x2x256xf32, #tpu.memory_space<hbm>>
      %dma_start3A_795 = tpu.memref_squeeze %dma_start3A_794 : memref<1x2x256xf32, #tpu.memory_space<hbm>> -> memref<2x256xf32, #tpu.memory_space<hbm>>
      %dma_start3A_796 = arith.constant 48 : i32
      %dma_start3A_797 = arith.constant 0 : i32
      %dma_start3A_798 = tpu.memref_slice %arg4[%add3A_788, %dma_start3A_796, %dma_start3A_797] : memref<4096x50x256xf32, #tpu.memory_space<hbm>> -> memref<1x2x256xf32, #tpu.memory_space<hbm>>
      %dma_start3A_799 = tpu.memref_squeeze %dma_start3A_798 : memref<1x2x256xf32, #tpu.memory_space<hbm>> -> memref<2x256xf32, #tpu.memory_space<hbm>>
      %dma_start3A_800 = arith.constant 48 : i32
      %dma_start3A_801 = arith.constant 0 : i32
      %dma_start3A_802 = tpu.memref_slice %arg9[%dma_start3A_800, %dma_start3A_801] : memref<64x256xf32, #tpu.memory_space<vmem>> -> memref<2x256xf32, #tpu.memory_space<vmem>>
      tpu.enqueue_dma source(%dma_start3A_802 : memref<2x256xf32, #tpu.memory_space<vmem>>) target(%dma_start3A_799 : memref<2x256xf32, #tpu.memory_space<hbm>>) target_semaphore(%arg21 : memref<!tpu.dma_semaphore, #tpu.memory_space<semaphore_mem>>)
      %dma_wait3A_803 = arith.constant 0 : i32
      %dma_wait3A_804 = arith.constant 0 : i32
      %dma_wait3A_805 = tpu.memref_slice %arg8[%dma_wait3A_803, %dma_wait3A_804] : memref<64x256xf32, #tpu.memory_space<vmem>> -> memref<48x256xf32, #tpu.memory_space<vmem>>
      %dma_wait3A_806 = arith.constant 0 : i32
      %dma_wait3A_807 = arith.constant 0 : i32
      %dma_wait3A_808 = tpu.memref_slice %arg4[%mul3A_2, %dma_wait3A_806, %dma_wait3A_807] : memref<4096x50x256xf32, #tpu.memory_space<hbm>> -> memref<1x48x256xf32, #tpu.memory_space<hbm>>
      %dma_wait3A_809 = tpu.memref_squeeze %dma_wait3A_808 : memref<1x48x256xf32, #tpu.memory_space<hbm>> -> memref<48x256xf32, #tpu.memory_space<hbm>>
      %dma_wait3A_810 = arith.constant 0 : i32
      %dma_wait3A_811 = arith.constant 0 : i32
      %dma_wait3A_812 = tpu.memref_slice %arg4[%mul3A_2, %dma_wait3A_810, %dma_wait3A_811] : memref<4096x50x256xf32, #tpu.memory_space<hbm>> -> memref<1x48x256xf32, #tpu.memory_space<hbm>>
      %dma_wait3A_813 = tpu.memref_squeeze %dma_wait3A_812 : memref<1x48x256xf32, #tpu.memory_space<hbm>> -> memref<48x256xf32, #tpu.memory_space<hbm>>
      %dma_wait3A_814 = arith.constant 0 : i32
      %dma_wait3A_815 = arith.constant 0 : i32
      %dma_wait3A_816 = tpu.memref_slice %arg8[%dma_wait3A_814, %dma_wait3A_815] : memref<64x256xf32, #tpu.memory_space<vmem>> -> memref<48x256xf32, #tpu.memory_space<vmem>>
      tpu.wait_dma2 semaphore(%arg20 : memref<!tpu.dma_semaphore, #tpu.memory_space<semaphore_mem>>) src(%dma_wait3A_816 : memref<48x256xf32, #tpu.memory_space<vmem>>) dst(%dma_wait3A_813 : memref<48x256xf32, #tpu.memory_space<hbm>>)
      %dma_wait3A_817 = arith.constant 48 : i32
      %dma_wait3A_818 = arith.constant 0 : i32
      %dma_wait3A_819 = tpu.memref_slice %arg8[%dma_wait3A_817, %dma_wait3A_818] : memref<64x256xf32, #tpu.memory_space<vmem>> -> memref<2x256xf32, #tpu.memory_space<vmem>>
      %dma_wait3A_820 = arith.constant 48 : i32
      %dma_wait3A_821 = arith.constant 0 : i32
      %dma_wait3A_822 = tpu.memref_slice %arg4[%mul3A_2, %dma_wait3A_820, %dma_wait3A_821] : memref<4096x50x256xf32, #tpu.memory_space<hbm>> -> memref<1x2x256xf32, #tpu.memory_space<hbm>>
      %dma_wait3A_823 = tpu.memref_squeeze %dma_wait3A_822 : memref<1x2x256xf32, #tpu.memory_space<hbm>> -> memref<2x256xf32, #tpu.memory_space<hbm>>
      %dma_wait3A_824 = arith.constant 48 : i32
      %dma_wait3A_825 = arith.constant 0 : i32
      %dma_wait3A_826 = tpu.memref_slice %arg4[%mul3A_2, %dma_wait3A_824, %dma_wait3A_825] : memref<4096x50x256xf32, #tpu.memory_space<hbm>> -> memref<1x2x256xf32, #tpu.memory_space<hbm>>
      %dma_wait3A_827 = tpu.memref_squeeze %dma_wait3A_826 : memref<1x2x256xf32, #tpu.memory_space<hbm>> -> memref<2x256xf32, #tpu.memory_space<hbm>>
      %dma_wait3A_828 = arith.constant 48 : i32
      %dma_wait3A_829 = arith.constant 0 : i32
      %dma_wait3A_830 = tpu.memref_slice %arg8[%dma_wait3A_828, %dma_wait3A_829] : memref<64x256xf32, #tpu.memory_space<vmem>> -> memref<2x256xf32, #tpu.memory_space<vmem>>
      tpu.wait_dma2 semaphore(%arg20 : memref<!tpu.dma_semaphore, #tpu.memory_space<semaphore_mem>>) src(%dma_wait3A_830 : memref<2x256xf32, #tpu.memory_space<vmem>>) dst(%dma_wait3A_827 : memref<2x256xf32, #tpu.memory_space<hbm>>)
      %add3A_831 = arith.constant 6 : i32
      %add3A_832 = arith.addi %add3A_765, %add3A_831 : i32
      %sub3A_833 = arith.constant 1 : i32
      %sub3A_834 = arith.subi %add3A_832, %sub3A_833 : i32
      %dma_start3A_835 = arith.constant 0 : i32
      %dma_start3A_836 = tpu.memref_slice %arg5[%sub3A_834, %dma_start3A_835] : memref<128x64xi32, #tpu.memory_space<vmem>> -> memref<1x64xi32, #tpu.memory_space<vmem>>
      %dma_start3A_837 = tpu.memref_squeeze %dma_start3A_836 : memref<1x64xi32, #tpu.memory_space<vmem>> -> memref<64xi32, #tpu.memory_space<vmem>>
      %dma_start3A_838 = arith.constant 0 : i32
      %dma_start3A_839 = arith.constant 0 : i32
      %dma_start3A_840 = tpu.memref_slice %arg3[%dma_start3A_838, %dma_start3A_839] : memref<1000000x256xf32, #tpu.memory_space<hbm>> -> memref<1000000x256xf32, #tpu.memory_space<hbm>>
      tpu.enqueue_indirect_dma source(%dma_start3A_840 : memref<1000000x256xf32, #tpu.memory_space<hbm>>) target(%arg8 : memref<64x256xf32, #tpu.memory_space<vmem>>) offsets(%dma_start3A_837 : memref<64xi32, #tpu.memory_space<vmem>>) semaphore(%arg14 : memref<!tpu.dma_semaphore, #tpu.memory_space<semaphore_mem>>)
      %mul3A_841 = arith.constant 6 : i32
      %mul3A_842 = arith.muli %scan3A_598, %mul3A_841 : i32
      %add3A_843 = arith.constant 3 : i32
      %add3A_844 = arith.addi %mul3A_842, %add3A_843 : i32
      %add3A_845 = arith.constant 1 : i32
      %add3A_846 = arith.addi %add3A_844, %add3A_845 : i32
      %dma_wait3A_847 = arith.constant 0 : i32
      %dma_wait3A_848 = arith.constant 0 : i32
      %dma_wait3A_849 = tpu.memref_slice %arg5[%dma_wait3A_847, %dma_wait3A_848] : memref<128x64xi32, #tpu.memory_space<vmem>> -> memref<1x64xi32, #tpu.memory_space<vmem>>
      %dma_wait3A_850 = tpu.memref_squeeze %dma_wait3A_849 : memref<1x64xi32, #tpu.memory_space<vmem>> -> memref<64xi32, #tpu.memory_space<vmem>>
      %dma_wait3A_851 = arith.constant 0 : i32
      %dma_wait3A_852 = arith.constant 0 : i32
      %dma_wait3A_853 = tpu.memref_slice %arg3[%dma_wait3A_851, %dma_wait3A_852] : memref<1000000x256xf32, #tpu.memory_space<hbm>> -> memref<1000000x256xf32, #tpu.memory_space<hbm>>
      tpu.wait_indirect_dma semaphore(%arg16 : memref<!tpu.dma_semaphore, #tpu.memory_space<semaphore_mem>>) src(%dma_wait3A_853 : memref<1000000x256xf32, #tpu.memory_space<hbm>>) dst(%arg10 : memref<64x256xf32, #tpu.memory_space<vmem>>)
      %add3A_854 = arith.addi %mul3A_2, %add3A_846 : i32
      %dma_start3A_855 = arith.constant 0 : i32
      %dma_start3A_856 = arith.constant 0 : i32
      %dma_start3A_857 = tpu.memref_slice %arg10[%dma_start3A_855, %dma_start3A_856] : memref<64x256xf32, #tpu.memory_space<vmem>> -> memref<48x256xf32, #tpu.memory_space<vmem>>
      %dma_start3A_858 = arith.constant 0 : i32
      %dma_start3A_859 = arith.constant 0 : i32
      %dma_start3A_860 = tpu.memref_slice %arg4[%add3A_854, %dma_start3A_858, %dma_start3A_859] : memref<4096x50x256xf32, #tpu.memory_space<hbm>> -> memref<1x48x256xf32, #tpu.memory_space<hbm>>
      %dma_start3A_861 = tpu.memref_squeeze %dma_start3A_860 : memref<1x48x256xf32, #tpu.memory_space<hbm>> -> memref<48x256xf32, #tpu.memory_space<hbm>>
      %dma_start3A_862 = arith.constant 0 : i32
      %dma_start3A_863 = arith.constant 0 : i32
      %dma_start3A_864 = tpu.memref_slice %arg4[%add3A_854, %dma_start3A_862, %dma_start3A_863] : memref<4096x50x256xf32, #tpu.memory_space<hbm>> -> memref<1x48x256xf32, #tpu.memory_space<hbm>>
      %dma_start3A_865 = tpu.memref_squeeze %dma_start3A_864 : memref<1x48x256xf32, #tpu.memory_space<hbm>> -> memref<48x256xf32, #tpu.memory_space<hbm>>
      %dma_start3A_866 = arith.constant 0 : i32
      %dma_start3A_867 = arith.constant 0 : i32
      %dma_start3A_868 = tpu.memref_slice %arg10[%dma_start3A_866, %dma_start3A_867] : memref<64x256xf32, #tpu.memory_space<vmem>> -> memref<48x256xf32, #tpu.memory_space<vmem>>
      tpu.enqueue_dma source(%dma_start3A_868 : memref<48x256xf32, #tpu.memory_space<vmem>>) target(%dma_start3A_865 : memref<48x256xf32, #tpu.memory_space<hbm>>) target_semaphore(%arg22 : memref<!tpu.dma_semaphore, #tpu.memory_space<semaphore_mem>>)
      %add3A_869 = arith.addi %mul3A_2, %add3A_846 : i32
      %dma_start3A_870 = arith.constant 48 : i32
      %dma_start3A_871 = arith.constant 0 : i32
      %dma_start3A_872 = tpu.memref_slice %arg10[%dma_start3A_870, %dma_start3A_871] : memref<64x256xf32, #tpu.memory_space<vmem>> -> memref<2x256xf32, #tpu.memory_space<vmem>>
      %dma_start3A_873 = arith.constant 48 : i32
      %dma_start3A_874 = arith.constant 0 : i32
      %dma_start3A_875 = tpu.memref_slice %arg4[%add3A_869, %dma_start3A_873, %dma_start3A_874] : memref<4096x50x256xf32, #tpu.memory_space<hbm>> -> memref<1x2x256xf32, #tpu.memory_space<hbm>>
      %dma_start3A_876 = tpu.memref_squeeze %dma_start3A_875 : memref<1x2x256xf32, #tpu.memory_space<hbm>> -> memref<2x256xf32, #tpu.memory_space<hbm>>
      %dma_start3A_877 = arith.constant 48 : i32
      %dma_start3A_878 = arith.constant 0 : i32
      %dma_start3A_879 = tpu.memref_slice %arg4[%add3A_869, %dma_start3A_877, %dma_start3A_878] : memref<4096x50x256xf32, #tpu.memory_space<hbm>> -> memref<1x2x256xf32, #tpu.memory_space<hbm>>
      %dma_start3A_880 = tpu.memref_squeeze %dma_start3A_879 : memref<1x2x256xf32, #tpu.memory_space<hbm>> -> memref<2x256xf32, #tpu.memory_space<hbm>>
      %dma_start3A_881 = arith.constant 48 : i32
      %dma_start3A_882 = arith.constant 0 : i32
      %dma_start3A_883 = tpu.memref_slice %arg10[%dma_start3A_881, %dma_start3A_882] : memref<64x256xf32, #tpu.memory_space<vmem>> -> memref<2x256xf32, #tpu.memory_space<vmem>>
      tpu.enqueue_dma source(%dma_start3A_883 : memref<2x256xf32, #tpu.memory_space<vmem>>) target(%dma_start3A_880 : memref<2x256xf32, #tpu.memory_space<hbm>>) target_semaphore(%arg22 : memref<!tpu.dma_semaphore, #tpu.memory_space<semaphore_mem>>)
      %dma_wait3A_884 = arith.constant 0 : i32
      %dma_wait3A_885 = arith.constant 0 : i32
      %dma_wait3A_886 = tpu.memref_slice %arg9[%dma_wait3A_884, %dma_wait3A_885] : memref<64x256xf32, #tpu.memory_space<vmem>> -> memref<48x256xf32, #tpu.memory_space<vmem>>
      %dma_wait3A_887 = arith.constant 0 : i32
      %dma_wait3A_888 = arith.constant 0 : i32
      %dma_wait3A_889 = tpu.memref_slice %arg4[%mul3A_2, %dma_wait3A_887, %dma_wait3A_888] : memref<4096x50x256xf32, #tpu.memory_space<hbm>> -> memref<1x48x256xf32, #tpu.memory_space<hbm>>
      %dma_wait3A_890 = tpu.memref_squeeze %dma_wait3A_889 : memref<1x48x256xf32, #tpu.memory_space<hbm>> -> memref<48x256xf32, #tpu.memory_space<hbm>>
      %dma_wait3A_891 = arith.constant 0 : i32
      %dma_wait3A_892 = arith.constant 0 : i32
      %dma_wait3A_893 = tpu.memref_slice %arg4[%mul3A_2, %dma_wait3A_891, %dma_wait3A_892] : memref<4096x50x256xf32, #tpu.memory_space<hbm>> -> memref<1x48x256xf32, #tpu.memory_space<hbm>>
      %dma_wait3A_894 = tpu.memref_squeeze %dma_wait3A_893 : memref<1x48x256xf32, #tpu.memory_space<hbm>> -> memref<48x256xf32, #tpu.memory_space<hbm>>
      %dma_wait3A_895 = arith.constant 0 : i32
      %dma_wait3A_896 = arith.constant 0 : i32
      %dma_wait3A_897 = tpu.memref_slice %arg9[%dma_wait3A_895, %dma_wait3A_896] : memref<64x256xf32, #tpu.memory_space<vmem>> -> memref<48x256xf32, #tpu.memory_space<vmem>>
      tpu.wait_dma2 semaphore(%arg21 : memref<!tpu.dma_semaphore, #tpu.memory_space<semaphore_mem>>) src(%dma_wait3A_897 : memref<48x256xf32, #tpu.memory_space<vmem>>) dst(%dma_wait3A_894 : memref<48x256xf32, #tpu.memory_space<hbm>>)
      %dma_wait3A_898 = arith.constant 48 : i32
      %dma_wait3A_899 = arith.constant 0 : i32
      %dma_wait3A_900 = tpu.memref_slice %arg9[%dma_wait3A_898, %dma_wait3A_899] : memref<64x256xf32, #tpu.memory_space<vmem>> -> memref<2x256xf32, #tpu.memory_space<vmem>>
      %dma_wait3A_901 = arith.constant 48 : i32
      %dma_wait3A_902 = arith.constant 0 : i32
      %dma_wait3A_903 = tpu.memref_slice %arg4[%mul3A_2, %dma_wait3A_901, %dma_wait3A_902] : memref<4096x50x256xf32, #tpu.memory_space<hbm>> -> memref<1x2x256xf32, #tpu.memory_space<hbm>>
      %dma_wait3A_904 = tpu.memref_squeeze %dma_wait3A_903 : memref<1x2x256xf32, #tpu.memory_space<hbm>> -> memref<2x256xf32, #tpu.memory_space<hbm>>
      %dma_wait3A_905 = arith.constant 48 : i32
      %dma_wait3A_906 = arith.constant 0 : i32
      %dma_wait3A_907 = tpu.memref_slice %arg4[%mul3A_2, %dma_wait3A_905, %dma_wait3A_906] : memref<4096x50x256xf32, #tpu.memory_space<hbm>> -> memref<1x2x256xf32, #tpu.memory_space<hbm>>
      %dma_wait3A_908 = tpu.memref_squeeze %dma_wait3A_907 : memref<1x2x256xf32, #tpu.memory_space<hbm>> -> memref<2x256xf32, #tpu.memory_space<hbm>>
      %dma_wait3A_909 = arith.constant 48 : i32
      %dma_wait3A_910 = arith.constant 0 : i32
      %dma_wait3A_911 = tpu.memref_slice %arg9[%dma_wait3A_909, %dma_wait3A_910] : memref<64x256xf32, #tpu.memory_space<vmem>> -> memref<2x256xf32, #tpu.memory_space<vmem>>
      tpu.wait_dma2 semaphore(%arg21 : memref<!tpu.dma_semaphore, #tpu.memory_space<semaphore_mem>>) src(%dma_wait3A_911 : memref<2x256xf32, #tpu.memory_space<vmem>>) dst(%dma_wait3A_908 : memref<2x256xf32, #tpu.memory_space<hbm>>)
      %add3A_912 = arith.constant 6 : i32
      %add3A_913 = arith.addi %add3A_846, %add3A_912 : i32
      %sub3A_914 = arith.constant 1 : i32
      %sub3A_915 = arith.subi %add3A_913, %sub3A_914 : i32
      %dma_start3A_916 = arith.constant 0 : i32
      %dma_start3A_917 = tpu.memref_slice %arg5[%sub3A_915, %dma_start3A_916] : memref<128x64xi32, #tpu.memory_space<vmem>> -> memref<1x64xi32, #tpu.memory_space<vmem>>
      %dma_start3A_918 = tpu.memref_squeeze %dma_start3A_917 : memref<1x64xi32, #tpu.memory_space<vmem>> -> memref<64xi32, #tpu.memory_space<vmem>>
      %dma_start3A_919 = arith.constant 0 : i32
      %dma_start3A_920 = arith.constant 0 : i32
      %dma_start3A_921 = tpu.memref_slice %arg3[%dma_start3A_919, %dma_start3A_920] : memref<1000000x256xf32, #tpu.memory_space<hbm>> -> memref<1000000x256xf32, #tpu.memory_space<hbm>>
      tpu.enqueue_indirect_dma source(%dma_start3A_921 : memref<1000000x256xf32, #tpu.memory_space<hbm>>) target(%arg9 : memref<64x256xf32, #tpu.memory_space<vmem>>) offsets(%dma_start3A_918 : memref<64xi32, #tpu.memory_space<vmem>>) semaphore(%arg15 : memref<!tpu.dma_semaphore, #tpu.memory_space<semaphore_mem>>)
      %mul3A_922 = arith.constant 6 : i32
      %mul3A_923 = arith.muli %scan3A_598, %mul3A_922 : i32
      %add3A_924 = arith.constant 4 : i32
      %add3A_925 = arith.addi %mul3A_923, %add3A_924 : i32
      %add3A_926 = arith.constant 1 : i32
      %add3A_927 = arith.addi %add3A_925, %add3A_926 : i32
      %dma_wait3A_928 = arith.constant 0 : i32
      %dma_wait3A_929 = arith.constant 0 : i32
      %dma_wait3A_930 = tpu.memref_slice %arg5[%dma_wait3A_928, %dma_wait3A_929] : memref<128x64xi32, #tpu.memory_space<vmem>> -> memref<1x64xi32, #tpu.memory_space<vmem>>
      %dma_wait3A_931 = tpu.memref_squeeze %dma_wait3A_930 : memref<1x64xi32, #tpu.memory_space<vmem>> -> memref<64xi32, #tpu.memory_space<vmem>>
      %dma_wait3A_932 = arith.constant 0 : i32
      %dma_wait3A_933 = arith.constant 0 : i32
      %dma_wait3A_934 = tpu.memref_slice %arg3[%dma_wait3A_932, %dma_wait3A_933] : memref<1000000x256xf32, #tpu.memory_space<hbm>> -> memref<1000000x256xf32, #tpu.memory_space<hbm>>
      tpu.wait_indirect_dma semaphore(%arg17 : memref<!tpu.dma_semaphore, #tpu.memory_space<semaphore_mem>>) src(%dma_wait3A_934 : memref<1000000x256xf32, #tpu.memory_space<hbm>>) dst(%arg11 : memref<64x256xf32, #tpu.memory_space<vmem>>)
      %add3A_935 = arith.addi %mul3A_2, %add3A_927 : i32
      %dma_start3A_936 = arith.constant 0 : i32
      %dma_start3A_937 = arith.constant 0 : i32
      %dma_start3A_938 = tpu.memref_slice %arg11[%dma_start3A_936, %dma_start3A_937] : memref<64x256xf32, #tpu.memory_space<vmem>> -> memref<48x256xf32, #tpu.memory_space<vmem>>
      %dma_start3A_939 = arith.constant 0 : i32
      %dma_start3A_940 = arith.constant 0 : i32
      %dma_start3A_941 = tpu.memref_slice %arg4[%add3A_935, %dma_start3A_939, %dma_start3A_940] : memref<4096x50x256xf32, #tpu.memory_space<hbm>> -> memref<1x48x256xf32, #tpu.memory_space<hbm>>
      %dma_start3A_942 = tpu.memref_squeeze %dma_start3A_941 : memref<1x48x256xf32, #tpu.memory_space<hbm>> -> memref<48x256xf32, #tpu.memory_space<hbm>>
      %dma_start3A_943 = arith.constant 0 : i32
      %dma_start3A_944 = arith.constant 0 : i32
      %dma_start3A_945 = tpu.memref_slice %arg4[%add3A_935, %dma_start3A_943, %dma_start3A_944] : memref<4096x50x256xf32, #tpu.memory_space<hbm>> -> memref<1x48x256xf32, #tpu.memory_space<hbm>>
      %dma_start3A_946 = tpu.memref_squeeze %dma_start3A_945 : memref<1x48x256xf32, #tpu.memory_space<hbm>> -> memref<48x256xf32, #tpu.memory_space<hbm>>
      %dma_start3A_947 = arith.constant 0 : i32
      %dma_start3A_948 = arith.constant 0 : i32
      %dma_start3A_949 = tpu.memref_slice %arg11[%dma_start3A_947, %dma_start3A_948] : memref<64x256xf32, #tpu.memory_space<vmem>> -> memref<48x256xf32, #tpu.memory_space<vmem>>
      tpu.enqueue_dma source(%dma_start3A_949 : memref<48x256xf32, #tpu.memory_space<vmem>>) target(%dma_start3A_946 : memref<48x256xf32, #tpu.memory_space<hbm>>) target_semaphore(%arg23 : memref<!tpu.dma_semaphore, #tpu.memory_space<semaphore_mem>>)
      %add3A_950 = arith.addi %mul3A_2, %add3A_927 : i32
      %dma_start3A_951 = arith.constant 48 : i32
      %dma_start3A_952 = arith.constant 0 : i32
      %dma_start3A_953 = tpu.memref_slice %arg11[%dma_start3A_951, %dma_start3A_952] : memref<64x256xf32, #tpu.memory_space<vmem>> -> memref<2x256xf32, #tpu.memory_space<vmem>>
      %dma_start3A_954 = arith.constant 48 : i32
      %dma_start3A_955 = arith.constant 0 : i32
      %dma_start3A_956 = tpu.memref_slice %arg4[%add3A_950, %dma_start3A_954, %dma_start3A_955] : memref<4096x50x256xf32, #tpu.memory_space<hbm>> -> memref<1x2x256xf32, #tpu.memory_space<hbm>>
      %dma_start3A_957 = tpu.memref_squeeze %dma_start3A_956 : memref<1x2x256xf32, #tpu.memory_space<hbm>> -> memref<2x256xf32, #tpu.memory_space<hbm>>
      %dma_start3A_958 = arith.constant 48 : i32
      %dma_start3A_959 = arith.constant 0 : i32
      %dma_start3A_960 = tpu.memref_slice %arg4[%add3A_950, %dma_start3A_958, %dma_start3A_959] : memref<4096x50x256xf32, #tpu.memory_space<hbm>> -> memref<1x2x256xf32, #tpu.memory_space<hbm>>
      %dma_start3A_961 = tpu.memref_squeeze %dma_start3A_960 : memref<1x2x256xf32, #tpu.memory_space<hbm>> -> memref<2x256xf32, #tpu.memory_space<hbm>>
      %dma_start3A_962 = arith.constant 48 : i32
      %dma_start3A_963 = arith.constant 0 : i32
      %dma_start3A_964 = tpu.memref_slice %arg11[%dma_start3A_962, %dma_start3A_963] : memref<64x256xf32, #tpu.memory_space<vmem>> -> memref<2x256xf32, #tpu.memory_space<vmem>>
      tpu.enqueue_dma source(%dma_start3A_964 : memref<2x256xf32, #tpu.memory_space<vmem>>) target(%dma_start3A_961 : memref<2x256xf32, #tpu.memory_space<hbm>>) target_semaphore(%arg23 : memref<!tpu.dma_semaphore, #tpu.memory_space<semaphore_mem>>)
      %dma_wait3A_965 = arith.constant 0 : i32
      %dma_wait3A_966 = arith.constant 0 : i32
      %dma_wait3A_967 = tpu.memref_slice %arg10[%dma_wait3A_965, %dma_wait3A_966] : memref<64x256xf32, #tpu.memory_space<vmem>> -> memref<48x256xf32, #tpu.memory_space<vmem>>
      %dma_wait3A_968 = arith.constant 0 : i32
      %dma_wait3A_969 = arith.constant 0 : i32
      %dma_wait3A_970 = tpu.memref_slice %arg4[%mul3A_2, %dma_wait3A_968, %dma_wait3A_969] : memref<4096x50x256xf32, #tpu.memory_space<hbm>> -> memref<1x48x256xf32, #tpu.memory_space<hbm>>
      %dma_wait3A_971 = tpu.memref_squeeze %dma_wait3A_970 : memref<1x48x256xf32, #tpu.memory_space<hbm>> -> memref<48x256xf32, #tpu.memory_space<hbm>>
      %dma_wait3A_972 = arith.constant 0 : i32
      %dma_wait3A_973 = arith.constant 0 : i32
      %dma_wait3A_974 = tpu.memref_slice %arg4[%mul3A_2, %dma_wait3A_972, %dma_wait3A_973] : memref<4096x50x256xf32, #tpu.memory_space<hbm>> -> memref<1x48x256xf32, #tpu.memory_space<hbm>>
      %dma_wait3A_975 = tpu.memref_squeeze %dma_wait3A_974 : memref<1x48x256xf32, #tpu.memory_space<hbm>> -> memref<48x256xf32, #tpu.memory_space<hbm>>
      %dma_wait3A_976 = arith.constant 0 : i32
      %dma_wait3A_977 = arith.constant 0 : i32
      %dma_wait3A_978 = tpu.memref_slice %arg10[%dma_wait3A_976, %dma_wait3A_977] : memref<64x256xf32, #tpu.memory_space<vmem>> -> memref<48x256xf32, #tpu.memory_space<vmem>>
      tpu.wait_dma2 semaphore(%arg22 : memref<!tpu.dma_semaphore, #tpu.memory_space<semaphore_mem>>) src(%dma_wait3A_978 : memref<48x256xf32, #tpu.memory_space<vmem>>) dst(%dma_wait3A_975 : memref<48x256xf32, #tpu.memory_space<hbm>>)
      %dma_wait3A_979 = arith.constant 48 : i32
      %dma_wait3A_980 = arith.constant 0 : i32
      %dma_wait3A_981 = tpu.memref_slice %arg10[%dma_wait3A_979, %dma_wait3A_980] : memref<64x256xf32, #tpu.memory_space<vmem>> -> memref<2x256xf32, #tpu.memory_space<vmem>>
      %dma_wait3A_982 = arith.constant 48 : i32
      %dma_wait3A_983 = arith.constant 0 : i32
      %dma_wait3A_984 = tpu.memref_slice %arg4[%mul3A_2, %dma_wait3A_982, %dma_wait3A_983] : memref<4096x50x256xf32, #tpu.memory_space<hbm>> -> memref<1x2x256xf32, #tpu.memory_space<hbm>>
      %dma_wait3A_985 = tpu.memref_squeeze %dma_wait3A_984 : memref<1x2x256xf32, #tpu.memory_space<hbm>> -> memref<2x256xf32, #tpu.memory_space<hbm>>
      %dma_wait3A_986 = arith.constant 48 : i32
      %dma_wait3A_987 = arith.constant 0 : i32
      %dma_wait3A_988 = tpu.memref_slice %arg4[%mul3A_2, %dma_wait3A_986, %dma_wait3A_987] : memref<4096x50x256xf32, #tpu.memory_space<hbm>> -> memref<1x2x256xf32, #tpu.memory_space<hbm>>
      %dma_wait3A_989 = tpu.memref_squeeze %dma_wait3A_988 : memref<1x2x256xf32, #tpu.memory_space<hbm>> -> memref<2x256xf32, #tpu.memory_space<hbm>>
      %dma_wait3A_990 = arith.constant 48 : i32
      %dma_wait3A_991 = arith.constant 0 : i32
      %dma_wait3A_992 = tpu.memref_slice %arg10[%dma_wait3A_990, %dma_wait3A_991] : memref<64x256xf32, #tpu.memory_space<vmem>> -> memref<2x256xf32, #tpu.memory_space<vmem>>
      tpu.wait_dma2 semaphore(%arg22 : memref<!tpu.dma_semaphore, #tpu.memory_space<semaphore_mem>>) src(%dma_wait3A_992 : memref<2x256xf32, #tpu.memory_space<vmem>>) dst(%dma_wait3A_989 : memref<2x256xf32, #tpu.memory_space<hbm>>)
      %add3A_993 = arith.constant 6 : i32
      %add3A_994 = arith.addi %add3A_927, %add3A_993 : i32
      %sub3A_995 = arith.constant 1 : i32
      %sub3A_996 = arith.subi %add3A_994, %sub3A_995 : i32
      %dma_start3A_997 = arith.constant 0 : i32
      %dma_start3A_998 = tpu.memref_slice %arg5[%sub3A_996, %dma_start3A_997] : memref<128x64xi32, #tpu.memory_space<vmem>> -> memref<1x64xi32, #tpu.memory_space<vmem>>
      %dma_start3A_999 = tpu.memref_squeeze %dma_start3A_998 : memref<1x64xi32, #tpu.memory_space<vmem>> -> memref<64xi32, #tpu.memory_space<vmem>>
      %dma_start3A_1000 = arith.constant 0 : i32
      %dma_start3A_1001 = arith.constant 0 : i32
      %dma_start3A_1002 = tpu.memref_slice %arg3[%dma_start3A_1000, %dma_start3A_1001] : memref<1000000x256xf32, #tpu.memory_space<hbm>> -> memref<1000000x256xf32, #tpu.memory_space<hbm>>
      tpu.enqueue_indirect_dma source(%dma_start3A_1002 : memref<1000000x256xf32, #tpu.memory_space<hbm>>) target(%arg10 : memref<64x256xf32, #tpu.memory_space<vmem>>) offsets(%dma_start3A_999 : memref<64xi32, #tpu.memory_space<vmem>>) semaphore(%arg16 : memref<!tpu.dma_semaphore, #tpu.memory_space<semaphore_mem>>)
      %mul3A_1003 = arith.constant 6 : i32
      %mul3A_1004 = arith.muli %scan3A_598, %mul3A_1003 : i32
      %add3A_1005 = arith.constant 5 : i32
      %add3A_1006 = arith.addi %mul3A_1004, %add3A_1005 : i32
      %add3A_1007 = arith.constant 1 : i32
      %add3A_1008 = arith.addi %add3A_1006, %add3A_1007 : i32
      %dma_wait3A_1009 = arith.constant 0 : i32
      %dma_wait3A_1010 = arith.constant 0 : i32
      %dma_wait3A_1011 = tpu.memref_slice %arg5[%dma_wait3A_1009, %dma_wait3A_1010] : memref<128x64xi32, #tpu.memory_space<vmem>> -> memref<1x64xi32, #tpu.memory_space<vmem>>
      %dma_wait3A_1012 = tpu.memref_squeeze %dma_wait3A_1011 : memref<1x64xi32, #tpu.memory_space<vmem>> -> memref<64xi32, #tpu.memory_space<vmem>>
      %dma_wait3A_1013 = arith.constant 0 : i32
      %dma_wait3A_1014 = arith.constant 0 : i32
      %dma_wait3A_1015 = tpu.memref_slice %arg3[%dma_wait3A_1013, %dma_wait3A_1014] : memref<1000000x256xf32, #tpu.memory_space<hbm>> -> memref<1000000x256xf32, #tpu.memory_space<hbm>>
      tpu.wait_indirect_dma semaphore(%arg12 : memref<!tpu.dma_semaphore, #tpu.memory_space<semaphore_mem>>) src(%dma_wait3A_1015 : memref<1000000x256xf32, #tpu.memory_space<hbm>>) dst(%arg6 : memref<64x256xf32, #tpu.memory_space<vmem>>)
      %add3A_1016 = arith.addi %mul3A_2, %add3A_1008 : i32
      %dma_start3A_1017 = arith.constant 0 : i32
      %dma_start3A_1018 = arith.constant 0 : i32
      %dma_start3A_1019 = tpu.memref_slice %arg6[%dma_start3A_1017, %dma_start3A_1018] : memref<64x256xf32, #tpu.memory_space<vmem>> -> memref<48x256xf32, #tpu.memory_space<vmem>>
      %dma_start3A_1020 = arith.constant 0 : i32
      %dma_start3A_1021 = arith.constant 0 : i32
      %dma_start3A_1022 = tpu.memref_slice %arg4[%add3A_1016, %dma_start3A_1020, %dma_start3A_1021] : memref<4096x50x256xf32, #tpu.memory_space<hbm>> -> memref<1x48x256xf32, #tpu.memory_space<hbm>>
      %dma_start3A_1023 = tpu.memref_squeeze %dma_start3A_1022 : memref<1x48x256xf32, #tpu.memory_space<hbm>> -> memref<48x256xf32, #tpu.memory_space<hbm>>
      %dma_start3A_1024 = arith.constant 0 : i32
      %dma_start3A_1025 = arith.constant 0 : i32
      %dma_start3A_1026 = tpu.memref_slice %arg4[%add3A_1016, %dma_start3A_1024, %dma_start3A_1025] : memref<4096x50x256xf32, #tpu.memory_space<hbm>> -> memref<1x48x256xf32, #tpu.memory_space<hbm>>
      %dma_start3A_1027 = tpu.memref_squeeze %dma_start3A_1026 : memref<1x48x256xf32, #tpu.memory_space<hbm>> -> memref<48x256xf32, #tpu.memory_space<hbm>>
      %dma_start3A_1028 = arith.constant 0 : i32
      %dma_start3A_1029 = arith.constant 0 : i32
      %dma_start3A_1030 = tpu.memref_slice %arg6[%dma_start3A_1028, %dma_start3A_1029] : memref<64x256xf32, #tpu.memory_space<vmem>> -> memref<48x256xf32, #tpu.memory_space<vmem>>
      tpu.enqueue_dma source(%dma_start3A_1030 : memref<48x256xf32, #tpu.memory_space<vmem>>) target(%dma_start3A_1027 : memref<48x256xf32, #tpu.memory_space<hbm>>) target_semaphore(%arg18 : memref<!tpu.dma_semaphore, #tpu.memory_space<semaphore_mem>>)
      %add3A_1031 = arith.addi %mul3A_2, %add3A_1008 : i32
      %dma_start3A_1032 = arith.constant 48 : i32
      %dma_start3A_1033 = arith.constant 0 : i32
      %dma_start3A_1034 = tpu.memref_slice %arg6[%dma_start3A_1032, %dma_start3A_1033] : memref<64x256xf32, #tpu.memory_space<vmem>> -> memref<2x256xf32, #tpu.memory_space<vmem>>
      %dma_start3A_1035 = arith.constant 48 : i32
      %dma_start3A_1036 = arith.constant 0 : i32
      %dma_start3A_1037 = tpu.memref_slice %arg4[%add3A_1031, %dma_start3A_1035, %dma_start3A_1036] : memref<4096x50x256xf32, #tpu.memory_space<hbm>> -> memref<1x2x256xf32, #tpu.memory_space<hbm>>
      %dma_start3A_1038 = tpu.memref_squeeze %dma_start3A_1037 : memref<1x2x256xf32, #tpu.memory_space<hbm>> -> memref<2x256xf32, #tpu.memory_space<hbm>>
      %dma_start3A_1039 = arith.constant 48 : i32
      %dma_start3A_1040 = arith.constant 0 : i32
      %dma_start3A_1041 = tpu.memref_slice %arg4[%add3A_1031, %dma_start3A_1039, %dma_start3A_1040] : memref<4096x50x256xf32, #tpu.memory_space<hbm>> -> memref<1x2x256xf32, #tpu.memory_space<hbm>>
      %dma_start3A_1042 = tpu.memref_squeeze %dma_start3A_1041 : memref<1x2x256xf32, #tpu.memory_space<hbm>> -> memref<2x256xf32, #tpu.memory_space<hbm>>
      %dma_start3A_1043 = arith.constant 48 : i32
      %dma_start3A_1044 = arith.constant 0 : i32
      %dma_start3A_1045 = tpu.memref_slice %arg6[%dma_start3A_1043, %dma_start3A_1044] : memref<64x256xf32, #tpu.memory_space<vmem>> -> memref<2x256xf32, #tpu.memory_space<vmem>>
      tpu.enqueue_dma source(%dma_start3A_1045 : memref<2x256xf32, #tpu.memory_space<vmem>>) target(%dma_start3A_1042 : memref<2x256xf32, #tpu.memory_space<hbm>>) target_semaphore(%arg18 : memref<!tpu.dma_semaphore, #tpu.memory_space<semaphore_mem>>)
      %dma_wait3A_1046 = arith.constant 0 : i32
      %dma_wait3A_1047 = arith.constant 0 : i32
      %dma_wait3A_1048 = tpu.memref_slice %arg11[%dma_wait3A_1046, %dma_wait3A_1047] : memref<64x256xf32, #tpu.memory_space<vmem>> -> memref<48x256xf32, #tpu.memory_space<vmem>>
      %dma_wait3A_1049 = arith.constant 0 : i32
      %dma_wait3A_1050 = arith.constant 0 : i32
      %dma_wait3A_1051 = tpu.memref_slice %arg4[%mul3A_2, %dma_wait3A_1049, %dma_wait3A_1050] : memref<4096x50x256xf32, #tpu.memory_space<hbm>> -> memref<1x48x256xf32, #tpu.memory_space<hbm>>
      %dma_wait3A_1052 = tpu.memref_squeeze %dma_wait3A_1051 : memref<1x48x256xf32, #tpu.memory_space<hbm>> -> memref<48x256xf32, #tpu.memory_space<hbm>>
      %dma_wait3A_1053 = arith.constant 0 : i32
      %dma_wait3A_1054 = arith.constant 0 : i32
      %dma_wait3A_1055 = tpu.memref_slice %arg4[%mul3A_2, %dma_wait3A_1053, %dma_wait3A_1054] : memref<4096x50x256xf32, #tpu.memory_space<hbm>> -> memref<1x48x256xf32, #tpu.memory_space<hbm>>
      %dma_wait3A_1056 = tpu.memref_squeeze %dma_wait3A_1055 : memref<1x48x256xf32, #tpu.memory_space<hbm>> -> memref<48x256xf32, #tpu.memory_space<hbm>>
      %dma_wait3A_1057 = arith.constant 0 : i32
      %dma_wait3A_1058 = arith.constant 0 : i32
      %dma_wait3A_1059 = tpu.memref_slice %arg11[%dma_wait3A_1057, %dma_wait3A_1058] : memref<64x256xf32, #tpu.memory_space<vmem>> -> memref<48x256xf32, #tpu.memory_space<vmem>>
      tpu.wait_dma2 semaphore(%arg23 : memref<!tpu.dma_semaphore, #tpu.memory_space<semaphore_mem>>) src(%dma_wait3A_1059 : memref<48x256xf32, #tpu.memory_space<vmem>>) dst(%dma_wait3A_1056 : memref<48x256xf32, #tpu.memory_space<hbm>>)
      %dma_wait3A_1060 = arith.constant 48 : i32
      %dma_wait3A_1061 = arith.constant 0 : i32
      %dma_wait3A_1062 = tpu.memref_slice %arg11[%dma_wait3A_1060, %dma_wait3A_1061] : memref<64x256xf32, #tpu.memory_space<vmem>> -> memref<2x256xf32, #tpu.memory_space<vmem>>
      %dma_wait3A_1063 = arith.constant 48 : i32
      %dma_wait3A_1064 = arith.constant 0 : i32
      %dma_wait3A_1065 = tpu.memref_slice %arg4[%mul3A_2, %dma_wait3A_1063, %dma_wait3A_1064] : memref<4096x50x256xf32, #tpu.memory_space<hbm>> -> memref<1x2x256xf32, #tpu.memory_space<hbm>>
      %dma_wait3A_1066 = tpu.memref_squeeze %dma_wait3A_1065 : memref<1x2x256xf32, #tpu.memory_space<hbm>> -> memref<2x256xf32, #tpu.memory_space<hbm>>
      %dma_wait3A_1067 = arith.constant 48 : i32
      %dma_wait3A_1068 = arith.constant 0 : i32
      %dma_wait3A_1069 = tpu.memref_slice %arg4[%mul3A_2, %dma_wait3A_1067, %dma_wait3A_1068] : memref<4096x50x256xf32, #tpu.memory_space<hbm>> -> memref<1x2x256xf32, #tpu.memory_space<hbm>>
      %dma_wait3A_1070 = tpu.memref_squeeze %dma_wait3A_1069 : memref<1x2x256xf32, #tpu.memory_space<hbm>> -> memref<2x256xf32, #tpu.memory_space<hbm>>
      %dma_wait3A_1071 = arith.constant 48 : i32
      %dma_wait3A_1072 = arith.constant 0 : i32
      %dma_wait3A_1073 = tpu.memref_slice %arg11[%dma_wait3A_1071, %dma_wait3A_1072] : memref<64x256xf32, #tpu.memory_space<vmem>> -> memref<2x256xf32, #tpu.memory_space<vmem>>
      tpu.wait_dma2 semaphore(%arg23 : memref<!tpu.dma_semaphore, #tpu.memory_space<semaphore_mem>>) src(%dma_wait3A_1073 : memref<2x256xf32, #tpu.memory_space<vmem>>) dst(%dma_wait3A_1070 : memref<2x256xf32, #tpu.memory_space<hbm>>)
      %add3A_1074 = arith.constant 6 : i32
      %add3A_1075 = arith.addi %add3A_1008, %add3A_1074 : i32
      %sub3A_1076 = arith.constant 1 : i32
      %sub3A_1077 = arith.subi %add3A_1075, %sub3A_1076 : i32
      %dma_start3A_1078 = arith.constant 0 : i32
      %dma_start3A_1079 = tpu.memref_slice %arg5[%sub3A_1077, %dma_start3A_1078] : memref<128x64xi32, #tpu.memory_space<vmem>> -> memref<1x64xi32, #tpu.memory_space<vmem>>
      %dma_start3A_1080 = tpu.memref_squeeze %dma_start3A_1079 : memref<1x64xi32, #tpu.memory_space<vmem>> -> memref<64xi32, #tpu.memory_space<vmem>>
      %dma_start3A_1081 = arith.constant 0 : i32
      %dma_start3A_1082 = arith.constant 0 : i32
      %dma_start3A_1083 = tpu.memref_slice %arg3[%dma_start3A_1081, %dma_start3A_1082] : memref<1000000x256xf32, #tpu.memory_space<hbm>> -> memref<1000000x256xf32, #tpu.memory_space<hbm>>
      tpu.enqueue_indirect_dma source(%dma_start3A_1083 : memref<1000000x256xf32, #tpu.memory_space<hbm>>) target(%arg11 : memref<64x256xf32, #tpu.memory_space<vmem>>) offsets(%dma_start3A_1080 : memref<64xi32, #tpu.memory_space<vmem>>) semaphore(%arg17 : memref<!tpu.dma_semaphore, #tpu.memory_space<semaphore_mem>>)
    }
    %scan3A_86 = arith.constant 20 : i32
    %dma_wait3A_87 = arith.constant 0 : i32
    %dma_wait3A_88 = arith.constant 0 : i32
    %dma_wait3A_89 = tpu.memref_slice %arg5[%dma_wait3A_87, %dma_wait3A_88] : memref<128x64xi32, #tpu.memory_space<vmem>> -> memref<1x64xi32, #tpu.memory_space<vmem>>
    %dma_wait3A_90 = tpu.memref_squeeze %dma_wait3A_89 : memref<1x64xi32, #tpu.memory_space<vmem>> -> memref<64xi32, #tpu.memory_space<vmem>>
    %dma_wait3A_91 = arith.constant 0 : i32
    %dma_wait3A_92 = arith.constant 0 : i32
    %dma_wait3A_93 = tpu.memref_slice %arg3[%dma_wait3A_91, %dma_wait3A_92] : memref<1000000x256xf32, #tpu.memory_space<hbm>> -> memref<1000000x256xf32, #tpu.memory_space<hbm>>
    tpu.wait_indirect_dma semaphore(%arg13 : memref<!tpu.dma_semaphore, #tpu.memory_space<semaphore_mem>>) src(%dma_wait3A_93 : memref<1000000x256xf32, #tpu.memory_space<hbm>>) dst(%arg7 : memref<64x256xf32, #tpu.memory_space<vmem>>)
    %add3A_94 = arith.constant 121 : i32
    %add3A_95 = arith.addi %mul3A_2, %add3A_94 : i32
    %dma_start3A_96 = arith.constant 0 : i32
    %dma_start3A_97 = arith.constant 0 : i32
    %dma_start3A_98 = tpu.memref_slice %arg7[%dma_start3A_96, %dma_start3A_97] : memref<64x256xf32, #tpu.memory_space<vmem>> -> memref<48x256xf32, #tpu.memory_space<vmem>>
    %dma_start3A_99 = arith.constant 0 : i32
    %dma_start3A_100 = arith.constant 0 : i32
    %dma_start3A_101 = tpu.memref_slice %arg4[%add3A_95, %dma_start3A_99, %dma_start3A_100] : memref<4096x50x256xf32, #tpu.memory_space<hbm>> -> memref<1x48x256xf32, #tpu.memory_space<hbm>>
    %dma_start3A_102 = tpu.memref_squeeze %dma_start3A_101 : memref<1x48x256xf32, #tpu.memory_space<hbm>> -> memref<48x256xf32, #tpu.memory_space<hbm>>
    %dma_start3A_103 = arith.constant 0 : i32
    %dma_start3A_104 = arith.constant 0 : i32
    %dma_start3A_105 = tpu.memref_slice %arg4[%add3A_95, %dma_start3A_103, %dma_start3A_104] : memref<4096x50x256xf32, #tpu.memory_space<hbm>> -> memref<1x48x256xf32, #tpu.memory_space<hbm>>
    %dma_start3A_106 = tpu.memref_squeeze %dma_start3A_105 : memref<1x48x256xf32, #tpu.memory_space<hbm>> -> memref<48x256xf32, #tpu.memory_space<hbm>>
    %dma_start3A_107 = arith.constant 0 : i32
    %dma_start3A_108 = arith.constant 0 : i32
    %dma_start3A_109 = tpu.memref_slice %arg7[%dma_start3A_107, %dma_start3A_108] : memref<64x256xf32, #tpu.memory_space<vmem>> -> memref<48x256xf32, #tpu.memory_space<vmem>>
    tpu.enqueue_dma source(%dma_start3A_109 : memref<48x256xf32, #tpu.memory_space<vmem>>) target(%dma_start3A_106 : memref<48x256xf32, #tpu.memory_space<hbm>>) target_semaphore(%arg19 : memref<!tpu.dma_semaphore, #tpu.memory_space<semaphore_mem>>)
    %add3A_110 = arith.constant 121 : i32
    %add3A_111 = arith.addi %mul3A_2, %add3A_110 : i32
    %dma_start3A_112 = arith.constant 48 : i32
    %dma_start3A_113 = arith.constant 0 : i32
    %dma_start3A_114 = tpu.memref_slice %arg7[%dma_start3A_112, %dma_start3A_113] : memref<64x256xf32, #tpu.memory_space<vmem>> -> memref<2x256xf32, #tpu.memory_space<vmem>>
    %dma_start3A_115 = arith.constant 48 : i32
    %dma_start3A_116 = arith.constant 0 : i32
    %dma_start3A_117 = tpu.memref_slice %arg4[%add3A_111, %dma_start3A_115, %dma_start3A_116] : memref<4096x50x256xf32, #tpu.memory_space<hbm>> -> memref<1x2x256xf32, #tpu.memory_space<hbm>>
    %dma_start3A_118 = tpu.memref_squeeze %dma_start3A_117 : memref<1x2x256xf32, #tpu.memory_space<hbm>> -> memref<2x256xf32, #tpu.memory_space<hbm>>
    %dma_start3A_119 = arith.constant 48 : i32
    %dma_start3A_120 = arith.constant 0 : i32
    %dma_start3A_121 = tpu.memref_slice %arg4[%add3A_111, %dma_start3A_119, %dma_start3A_120] : memref<4096x50x256xf32, #tpu.memory_space<hbm>> -> memref<1x2x256xf32, #tpu.memory_space<hbm>>
    %dma_start3A_122 = tpu.memref_squeeze %dma_start3A_121 : memref<1x2x256xf32, #tpu.memory_space<hbm>> -> memref<2x256xf32, #tpu.memory_space<hbm>>
    %dma_start3A_123 = arith.constant 48 : i32
    %dma_start3A_124 = arith.constant 0 : i32
    %dma_start3A_125 = tpu.memref_slice %arg7[%dma_start3A_123, %dma_start3A_124] : memref<64x256xf32, #tpu.memory_space<vmem>> -> memref<2x256xf32, #tpu.memory_space<vmem>>
    tpu.enqueue_dma source(%dma_start3A_125 : memref<2x256xf32, #tpu.memory_space<vmem>>) target(%dma_start3A_122 : memref<2x256xf32, #tpu.memory_space<hbm>>) target_semaphore(%arg19 : memref<!tpu.dma_semaphore, #tpu.memory_space<semaphore_mem>>)
    %dma_wait3A_126 = arith.constant 0 : i32
    %dma_wait3A_127 = arith.constant 0 : i32
    %dma_wait3A_128 = tpu.memref_slice %arg6[%dma_wait3A_126, %dma_wait3A_127] : memref<64x256xf32, #tpu.memory_space<vmem>> -> memref<48x256xf32, #tpu.memory_space<vmem>>
    %dma_wait3A_129 = arith.constant 0 : i32
    %dma_wait3A_130 = arith.constant 0 : i32
    %dma_wait3A_131 = tpu.memref_slice %arg4[%mul3A_2, %dma_wait3A_129, %dma_wait3A_130] : memref<4096x50x256xf32, #tpu.memory_space<hbm>> -> memref<1x48x256xf32, #tpu.memory_space<hbm>>
    %dma_wait3A_132 = tpu.memref_squeeze %dma_wait3A_131 : memref<1x48x256xf32, #tpu.memory_space<hbm>> -> memref<48x256xf32, #tpu.memory_space<hbm>>
    %dma_wait3A_133 = arith.constant 0 : i32
    %dma_wait3A_134 = arith.constant 0 : i32
    %dma_wait3A_135 = tpu.memref_slice %arg4[%mul3A_2, %dma_wait3A_133, %dma_wait3A_134] : memref<4096x50x256xf32, #tpu.memory_space<hbm>> -> memref<1x48x256xf32, #tpu.memory_space<hbm>>
    %dma_wait3A_136 = tpu.memref_squeeze %dma_wait3A_135 : memref<1x48x256xf32, #tpu.memory_space<hbm>> -> memref<48x256xf32, #tpu.memory_space<hbm>>
    %dma_wait3A_137 = arith.constant 0 : i32
    %dma_wait3A_138 = arith.constant 0 : i32
    %dma_wait3A_139 = tpu.memref_slice %arg6[%dma_wait3A_137, %dma_wait3A_138] : memref<64x256xf32, #tpu.memory_space<vmem>> -> memref<48x256xf32, #tpu.memory_space<vmem>>
    tpu.wait_dma2 semaphore(%arg18 : memref<!tpu.dma_semaphore, #tpu.memory_space<semaphore_mem>>) src(%dma_wait3A_139 : memref<48x256xf32, #tpu.memory_space<vmem>>) dst(%dma_wait3A_136 : memref<48x256xf32, #tpu.memory_space<hbm>>)
    %dma_wait3A_140 = arith.constant 48 : i32
    %dma_wait3A_141 = arith.constant 0 : i32
    %dma_wait3A_142 = tpu.memref_slice %arg6[%dma_wait3A_140, %dma_wait3A_141] : memref<64x256xf32, #tpu.memory_space<vmem>> -> memref<2x256xf32, #tpu.memory_space<vmem>>
    %dma_wait3A_143 = arith.constant 48 : i32
    %dma_wait3A_144 = arith.constant 0 : i32
    %dma_wait3A_145 = tpu.memref_slice %arg4[%mul3A_2, %dma_wait3A_143, %dma_wait3A_144] : memref<4096x50x256xf32, #tpu.memory_space<hbm>> -> memref<1x2x256xf32, #tpu.memory_space<hbm>>
    %dma_wait3A_146 = tpu.memref_squeeze %dma_wait3A_145 : memref<1x2x256xf32, #tpu.memory_space<hbm>> -> memref<2x256xf32, #tpu.memory_space<hbm>>
    %dma_wait3A_147 = arith.constant 48 : i32
    %dma_wait3A_148 = arith.constant 0 : i32
    %dma_wait3A_149 = tpu.memref_slice %arg4[%mul3A_2, %dma_wait3A_147, %dma_wait3A_148] : memref<4096x50x256xf32, #tpu.memory_space<hbm>> -> memref<1x2x256xf32, #tpu.memory_space<hbm>>
    %dma_wait3A_150 = tpu.memref_squeeze %dma_wait3A_149 : memref<1x2x256xf32, #tpu.memory_space<hbm>> -> memref<2x256xf32, #tpu.memory_space<hbm>>
    %dma_wait3A_151 = arith.constant 48 : i32
    %dma_wait3A_152 = arith.constant 0 : i32
    %dma_wait3A_153 = tpu.memref_slice %arg6[%dma_wait3A_151, %dma_wait3A_152] : memref<64x256xf32, #tpu.memory_space<vmem>> -> memref<2x256xf32, #tpu.memory_space<vmem>>
    tpu.wait_dma2 semaphore(%arg18 : memref<!tpu.dma_semaphore, #tpu.memory_space<semaphore_mem>>) src(%dma_wait3A_153 : memref<2x256xf32, #tpu.memory_space<vmem>>) dst(%dma_wait3A_150 : memref<2x256xf32, #tpu.memory_space<hbm>>)
    %dma_start3A_154 = arith.constant 126 : i32
    %dma_start3A_155 = arith.constant 0 : i32
    %dma_start3A_156 = tpu.memref_slice %arg5[%dma_start3A_154, %dma_start3A_155] : memref<128x64xi32, #tpu.memory_space<vmem>> -> memref<1x64xi32, #tpu.memory_space<vmem>>
    %dma_start3A_157 = tpu.memref_squeeze %dma_start3A_156 : memref<1x64xi32, #tpu.memory_space<vmem>> -> memref<64xi32, #tpu.memory_space<vmem>>
    %dma_start3A_158 = arith.constant 0 : i32
    %dma_start3A_159 = arith.constant 0 : i32
    %dma_start3A_160 = tpu.memref_slice %arg3[%dma_start3A_158, %dma_start3A_159] : memref<1000000x256xf32, #tpu.memory_space<hbm>> -> memref<1000000x256xf32, #tpu.memory_space<hbm>>
    tpu.enqueue_indirect_dma source(%dma_start3A_160 : memref<1000000x256xf32, #tpu.memory_space<hbm>>) target(%arg6 : memref<64x256xf32, #tpu.memory_space<vmem>>) offsets(%dma_start3A_157 : memref<64xi32, #tpu.memory_space<vmem>>) semaphore(%arg12 : memref<!tpu.dma_semaphore, #tpu.memory_space<semaphore_mem>>)
    %dma_wait3A_161 = arith.constant 0 : i32
    %dma_wait3A_162 = arith.constant 0 : i32
    %dma_wait3A_163 = tpu.memref_slice %arg5[%dma_wait3A_161, %dma_wait3A_162] : memref<128x64xi32, #tpu.memory_space<vmem>> -> memref<1x64xi32, #tpu.memory_space<vmem>>
    %dma_wait3A_164 = tpu.memref_squeeze %dma_wait3A_163 : memref<1x64xi32, #tpu.memory_space<vmem>> -> memref<64xi32, #tpu.memory_space<vmem>>
    %dma_wait3A_165 = arith.constant 0 : i32
    %dma_wait3A_166 = arith.constant 0 : i32
    %dma_wait3A_167 = tpu.memref_slice %arg3[%dma_wait3A_165, %dma_wait3A_166] : memref<1000000x256xf32, #tpu.memory_space<hbm>> -> memref<1000000x256xf32, #tpu.memory_space<hbm>>
    tpu.wait_indirect_dma semaphore(%arg14 : memref<!tpu.dma_semaphore, #tpu.memory_space<semaphore_mem>>) src(%dma_wait3A_167 : memref<1000000x256xf32, #tpu.memory_space<hbm>>) dst(%arg8 : memref<64x256xf32, #tpu.memory_space<vmem>>)
    %add3A_168 = arith.constant 122 : i32
    %add3A_169 = arith.addi %mul3A_2, %add3A_168 : i32
    %dma_start3A_170 = arith.constant 0 : i32
    %dma_start3A_171 = arith.constant 0 : i32
    %dma_start3A_172 = tpu.memref_slice %arg8[%dma_start3A_170, %dma_start3A_171] : memref<64x256xf32, #tpu.memory_space<vmem>> -> memref<48x256xf32, #tpu.memory_space<vmem>>
    %dma_start3A_173 = arith.constant 0 : i32
    %dma_start3A_174 = arith.constant 0 : i32
    %dma_start3A_175 = tpu.memref_slice %arg4[%add3A_169, %dma_start3A_173, %dma_start3A_174] : memref<4096x50x256xf32, #tpu.memory_space<hbm>> -> memref<1x48x256xf32, #tpu.memory_space<hbm>>
    %dma_start3A_176 = tpu.memref_squeeze %dma_start3A_175 : memref<1x48x256xf32, #tpu.memory_space<hbm>> -> memref<48x256xf32, #tpu.memory_space<hbm>>
    %dma_start3A_177 = arith.constant 0 : i32
    %dma_start3A_178 = arith.constant 0 : i32
    %dma_start3A_179 = tpu.memref_slice %arg4[%add3A_169, %dma_start3A_177, %dma_start3A_178] : memref<4096x50x256xf32, #tpu.memory_space<hbm>> -> memref<1x48x256xf32, #tpu.memory_space<hbm>>
    %dma_start3A_180 = tpu.memref_squeeze %dma_start3A_179 : memref<1x48x256xf32, #tpu.memory_space<hbm>> -> memref<48x256xf32, #tpu.memory_space<hbm>>
    %dma_start3A_181 = arith.constant 0 : i32
    %dma_start3A_182 = arith.constant 0 : i32
    %dma_start3A_183 = tpu.memref_slice %arg8[%dma_start3A_181, %dma_start3A_182] : memref<64x256xf32, #tpu.memory_space<vmem>> -> memref<48x256xf32, #tpu.memory_space<vmem>>
    tpu.enqueue_dma source(%dma_start3A_183 : memref<48x256xf32, #tpu.memory_space<vmem>>) target(%dma_start3A_180 : memref<48x256xf32, #tpu.memory_space<hbm>>) target_semaphore(%arg20 : memref<!tpu.dma_semaphore, #tpu.memory_space<semaphore_mem>>)
    %add3A_184 = arith.constant 122 : i32
    %add3A_185 = arith.addi %mul3A_2, %add3A_184 : i32
    %dma_start3A_186 = arith.constant 48 : i32
    %dma_start3A_187 = arith.constant 0 : i32
    %dma_start3A_188 = tpu.memref_slice %arg8[%dma_start3A_186, %dma_start3A_187] : memref<64x256xf32, #tpu.memory_space<vmem>> -> memref<2x256xf32, #tpu.memory_space<vmem>>
    %dma_start3A_189 = arith.constant 48 : i32
    %dma_start3A_190 = arith.constant 0 : i32
    %dma_start3A_191 = tpu.memref_slice %arg4[%add3A_185, %dma_start3A_189, %dma_start3A_190] : memref<4096x50x256xf32, #tpu.memory_space<hbm>> -> memref<1x2x256xf32, #tpu.memory_space<hbm>>
    %dma_start3A_192 = tpu.memref_squeeze %dma_start3A_191 : memref<1x2x256xf32, #tpu.memory_space<hbm>> -> memref<2x256xf32, #tpu.memory_space<hbm>>
    %dma_start3A_193 = arith.constant 48 : i32
    %dma_start3A_194 = arith.constant 0 : i32
    %dma_start3A_195 = tpu.memref_slice %arg4[%add3A_185, %dma_start3A_193, %dma_start3A_194] : memref<4096x50x256xf32, #tpu.memory_space<hbm>> -> memref<1x2x256xf32, #tpu.memory_space<hbm>>
    %dma_start3A_196 = tpu.memref_squeeze %dma_start3A_195 : memref<1x2x256xf32, #tpu.memory_space<hbm>> -> memref<2x256xf32, #tpu.memory_space<hbm>>
    %dma_start3A_197 = arith.constant 48 : i32
    %dma_start3A_198 = arith.constant 0 : i32
    %dma_start3A_199 = tpu.memref_slice %arg8[%dma_start3A_197, %dma_start3A_198] : memref<64x256xf32, #tpu.memory_space<vmem>> -> memref<2x256xf32, #tpu.memory_space<vmem>>
    tpu.enqueue_dma source(%dma_start3A_199 : memref<2x256xf32, #tpu.memory_space<vmem>>) target(%dma_start3A_196 : memref<2x256xf32, #tpu.memory_space<hbm>>) target_semaphore(%arg20 : memref<!tpu.dma_semaphore, #tpu.memory_space<semaphore_mem>>)
    %dma_wait3A_200 = arith.constant 0 : i32
    %dma_wait3A_201 = arith.constant 0 : i32
    %dma_wait3A_202 = tpu.memref_slice %arg7[%dma_wait3A_200, %dma_wait3A_201] : memref<64x256xf32, #tpu.memory_space<vmem>> -> memref<48x256xf32, #tpu.memory_space<vmem>>
    %dma_wait3A_203 = arith.constant 0 : i32
    %dma_wait3A_204 = arith.constant 0 : i32
    %dma_wait3A_205 = tpu.memref_slice %arg4[%mul3A_2, %dma_wait3A_203, %dma_wait3A_204] : memref<4096x50x256xf32, #tpu.memory_space<hbm>> -> memref<1x48x256xf32, #tpu.memory_space<hbm>>
    %dma_wait3A_206 = tpu.memref_squeeze %dma_wait3A_205 : memref<1x48x256xf32, #tpu.memory_space<hbm>> -> memref<48x256xf32, #tpu.memory_space<hbm>>
    %dma_wait3A_207 = arith.constant 0 : i32
    %dma_wait3A_208 = arith.constant 0 : i32
    %dma_wait3A_209 = tpu.memref_slice %arg4[%mul3A_2, %dma_wait3A_207, %dma_wait3A_208] : memref<4096x50x256xf32, #tpu.memory_space<hbm>> -> memref<1x48x256xf32, #tpu.memory_space<hbm>>
    %dma_wait3A_210 = tpu.memref_squeeze %dma_wait3A_209 : memref<1x48x256xf32, #tpu.memory_space<hbm>> -> memref<48x256xf32, #tpu.memory_space<hbm>>
    %dma_wait3A_211 = arith.constant 0 : i32
    %dma_wait3A_212 = arith.constant 0 : i32
    %dma_wait3A_213 = tpu.memref_slice %arg7[%dma_wait3A_211, %dma_wait3A_212] : memref<64x256xf32, #tpu.memory_space<vmem>> -> memref<48x256xf32, #tpu.memory_space<vmem>>
    tpu.wait_dma2 semaphore(%arg19 : memref<!tpu.dma_semaphore, #tpu.memory_space<semaphore_mem>>) src(%dma_wait3A_213 : memref<48x256xf32, #tpu.memory_space<vmem>>) dst(%dma_wait3A_210 : memref<48x256xf32, #tpu.memory_space<hbm>>)
    %dma_wait3A_214 = arith.constant 48 : i32
    %dma_wait3A_215 = arith.constant 0 : i32
    %dma_wait3A_216 = tpu.memref_slice %arg7[%dma_wait3A_214, %dma_wait3A_215] : memref<64x256xf32, #tpu.memory_space<vmem>> -> memref<2x256xf32, #tpu.memory_space<vmem>>
    %dma_wait3A_217 = arith.constant 48 : i32
    %dma_wait3A_218 = arith.constant 0 : i32
    %dma_wait3A_219 = tpu.memref_slice %arg4[%mul3A_2, %dma_wait3A_217, %dma_wait3A_218] : memref<4096x50x256xf32, #tpu.memory_space<hbm>> -> memref<1x2x256xf32, #tpu.memory_space<hbm>>
    %dma_wait3A_220 = tpu.memref_squeeze %dma_wait3A_219 : memref<1x2x256xf32, #tpu.memory_space<hbm>> -> memref<2x256xf32, #tpu.memory_space<hbm>>
    %dma_wait3A_221 = arith.constant 48 : i32
    %dma_wait3A_222 = arith.constant 0 : i32
    %dma_wait3A_223 = tpu.memref_slice %arg4[%mul3A_2, %dma_wait3A_221, %dma_wait3A_222] : memref<4096x50x256xf32, #tpu.memory_space<hbm>> -> memref<1x2x256xf32, #tpu.memory_space<hbm>>
    %dma_wait3A_224 = tpu.memref_squeeze %dma_wait3A_223 : memref<1x2x256xf32, #tpu.memory_space<hbm>> -> memref<2x256xf32, #tpu.memory_space<hbm>>
    %dma_wait3A_225 = arith.constant 48 : i32
    %dma_wait3A_226 = arith.constant 0 : i32
    %dma_wait3A_227 = tpu.memref_slice %arg7[%dma_wait3A_225, %dma_wait3A_226] : memref<64x256xf32, #tpu.memory_space<vmem>> -> memref<2x256xf32, #tpu.memory_space<vmem>>
    tpu.wait_dma2 semaphore(%arg19 : memref<!tpu.dma_semaphore, #tpu.memory_space<semaphore_mem>>) src(%dma_wait3A_227 : memref<2x256xf32, #tpu.memory_space<vmem>>) dst(%dma_wait3A_224 : memref<2x256xf32, #tpu.memory_space<hbm>>)
    %dma_start3A_228 = arith.constant 127 : i32
    %dma_start3A_229 = arith.constant 0 : i32
    %dma_start3A_230 = tpu.memref_slice %arg5[%dma_start3A_228, %dma_start3A_229] : memref<128x64xi32, #tpu.memory_space<vmem>> -> memref<1x64xi32, #tpu.memory_space<vmem>>
    %dma_start3A_231 = tpu.memref_squeeze %dma_start3A_230 : memref<1x64xi32, #tpu.memory_space<vmem>> -> memref<64xi32, #tpu.memory_space<vmem>>
    %dma_start3A_232 = arith.constant 0 : i32
    %dma_start3A_233 = arith.constant 0 : i32
    %dma_start3A_234 = tpu.memref_slice %arg3[%dma_start3A_232, %dma_start3A_233] : memref<1000000x256xf32, #tpu.memory_space<hbm>> -> memref<1000000x256xf32, #tpu.memory_space<hbm>>
    tpu.enqueue_indirect_dma source(%dma_start3A_234 : memref<1000000x256xf32, #tpu.memory_space<hbm>>) target(%arg7 : memref<64x256xf32, #tpu.memory_space<vmem>>) offsets(%dma_start3A_231 : memref<64xi32, #tpu.memory_space<vmem>>) semaphore(%arg13 : memref<!tpu.dma_semaphore, #tpu.memory_space<semaphore_mem>>)
    %dma_wait3A_235 = arith.constant 0 : i32
    %dma_wait3A_236 = arith.constant 0 : i32
    %dma_wait3A_237 = tpu.memref_slice %arg5[%dma_wait3A_235, %dma_wait3A_236] : memref<128x64xi32, #tpu.memory_space<vmem>> -> memref<1x64xi32, #tpu.memory_space<vmem>>
    %dma_wait3A_238 = tpu.memref_squeeze %dma_wait3A_237 : memref<1x64xi32, #tpu.memory_space<vmem>> -> memref<64xi32, #tpu.memory_space<vmem>>
    %dma_wait3A_239 = arith.constant 0 : i32
    %dma_wait3A_240 = arith.constant 0 : i32
    %dma_wait3A_241 = tpu.memref_slice %arg3[%dma_wait3A_239, %dma_wait3A_240] : memref<1000000x256xf32, #tpu.memory_space<hbm>> -> memref<1000000x256xf32, #tpu.memory_space<hbm>>
    tpu.wait_indirect_dma semaphore(%arg15 : memref<!tpu.dma_semaphore, #tpu.memory_space<semaphore_mem>>) src(%dma_wait3A_241 : memref<1000000x256xf32, #tpu.memory_space<hbm>>) dst(%arg9 : memref<64x256xf32, #tpu.memory_space<vmem>>)
    %add3A_242 = arith.constant 123 : i32
    %add3A_243 = arith.addi %mul3A_2, %add3A_242 : i32
    %dma_start3A_244 = arith.constant 0 : i32
    %dma_start3A_245 = arith.constant 0 : i32
    %dma_start3A_246 = tpu.memref_slice %arg9[%dma_start3A_244, %dma_start3A_245] : memref<64x256xf32, #tpu.memory_space<vmem>> -> memref<48x256xf32, #tpu.memory_space<vmem>>
    %dma_start3A_247 = arith.constant 0 : i32
    %dma_start3A_248 = arith.constant 0 : i32
    %dma_start3A_249 = tpu.memref_slice %arg4[%add3A_243, %dma_start3A_247, %dma_start3A_248] : memref<4096x50x256xf32, #tpu.memory_space<hbm>> -> memref<1x48x256xf32, #tpu.memory_space<hbm>>
    %dma_start3A_250 = tpu.memref_squeeze %dma_start3A_249 : memref<1x48x256xf32, #tpu.memory_space<hbm>> -> memref<48x256xf32, #tpu.memory_space<hbm>>
    %dma_start3A_251 = arith.constant 0 : i32
    %dma_start3A_252 = arith.constant 0 : i32
    %dma_start3A_253 = tpu.memref_slice %arg4[%add3A_243, %dma_start3A_251, %dma_start3A_252] : memref<4096x50x256xf32, #tpu.memory_space<hbm>> -> memref<1x48x256xf32, #tpu.memory_space<hbm>>
    %dma_start3A_254 = tpu.memref_squeeze %dma_start3A_253 : memref<1x48x256xf32, #tpu.memory_space<hbm>> -> memref<48x256xf32, #tpu.memory_space<hbm>>
    %dma_start3A_255 = arith.constant 0 : i32
    %dma_start3A_256 = arith.constant 0 : i32
    %dma_start3A_257 = tpu.memref_slice %arg9[%dma_start3A_255, %dma_start3A_256] : memref<64x256xf32, #tpu.memory_space<vmem>> -> memref<48x256xf32, #tpu.memory_space<vmem>>
    tpu.enqueue_dma source(%dma_start3A_257 : memref<48x256xf32, #tpu.memory_space<vmem>>) target(%dma_start3A_254 : memref<48x256xf32, #tpu.memory_space<hbm>>) target_semaphore(%arg21 : memref<!tpu.dma_semaphore, #tpu.memory_space<semaphore_mem>>)
    %add3A_258 = arith.constant 123 : i32
    %add3A_259 = arith.addi %mul3A_2, %add3A_258 : i32
    %dma_start3A_260 = arith.constant 48 : i32
    %dma_start3A_261 = arith.constant 0 : i32
    %dma_start3A_262 = tpu.memref_slice %arg9[%dma_start3A_260, %dma_start3A_261] : memref<64x256xf32, #tpu.memory_space<vmem>> -> memref<2x256xf32, #tpu.memory_space<vmem>>
    %dma_start3A_263 = arith.constant 48 : i32
    %dma_start3A_264 = arith.constant 0 : i32
    %dma_start3A_265 = tpu.memref_slice %arg4[%add3A_259, %dma_start3A_263, %dma_start3A_264] : memref<4096x50x256xf32, #tpu.memory_space<hbm>> -> memref<1x2x256xf32, #tpu.memory_space<hbm>>
    %dma_start3A_266 = tpu.memref_squeeze %dma_start3A_265 : memref<1x2x256xf32, #tpu.memory_space<hbm>> -> memref<2x256xf32, #tpu.memory_space<hbm>>
    %dma_start3A_267 = arith.constant 48 : i32
    %dma_start3A_268 = arith.constant 0 : i32
    %dma_start3A_269 = tpu.memref_slice %arg4[%add3A_259, %dma_start3A_267, %dma_start3A_268] : memref<4096x50x256xf32, #tpu.memory_space<hbm>> -> memref<1x2x256xf32, #tpu.memory_space<hbm>>
    %dma_start3A_270 = tpu.memref_squeeze %dma_start3A_269 : memref<1x2x256xf32, #tpu.memory_space<hbm>> -> memref<2x256xf32, #tpu.memory_space<hbm>>
    %dma_start3A_271 = arith.constant 48 : i32
    %dma_start3A_272 = arith.constant 0 : i32
    %dma_start3A_273 = tpu.memref_slice %arg9[%dma_start3A_271, %dma_start3A_272] : memref<64x256xf32, #tpu.memory_space<vmem>> -> memref<2x256xf32, #tpu.memory_space<vmem>>
    tpu.enqueue_dma source(%dma_start3A_273 : memref<2x256xf32, #tpu.memory_space<vmem>>) target(%dma_start3A_270 : memref<2x256xf32, #tpu.memory_space<hbm>>) target_semaphore(%arg21 : memref<!tpu.dma_semaphore, #tpu.memory_space<semaphore_mem>>)
    %dma_wait3A_274 = arith.constant 0 : i32
    %dma_wait3A_275 = arith.constant 0 : i32
    %dma_wait3A_276 = tpu.memref_slice %arg5[%dma_wait3A_274, %dma_wait3A_275] : memref<128x64xi32, #tpu.memory_space<vmem>> -> memref<1x64xi32, #tpu.memory_space<vmem>>
    %dma_wait3A_277 = tpu.memref_squeeze %dma_wait3A_276 : memref<1x64xi32, #tpu.memory_space<vmem>> -> memref<64xi32, #tpu.memory_space<vmem>>
    %dma_wait3A_278 = arith.constant 0 : i32
    %dma_wait3A_279 = arith.constant 0 : i32
    %dma_wait3A_280 = tpu.memref_slice %arg3[%dma_wait3A_278, %dma_wait3A_279] : memref<1000000x256xf32, #tpu.memory_space<hbm>> -> memref<1000000x256xf32, #tpu.memory_space<hbm>>
    tpu.wait_indirect_dma semaphore(%arg16 : memref<!tpu.dma_semaphore, #tpu.memory_space<semaphore_mem>>) src(%dma_wait3A_280 : memref<1000000x256xf32, #tpu.memory_space<hbm>>) dst(%arg10 : memref<64x256xf32, #tpu.memory_space<vmem>>)
    %add3A_281 = arith.constant 124 : i32
    %add3A_282 = arith.addi %mul3A_2, %add3A_281 : i32
    %dma_start3A_283 = arith.constant 0 : i32
    %dma_start3A_284 = arith.constant 0 : i32
    %dma_start3A_285 = tpu.memref_slice %arg10[%dma_start3A_283, %dma_start3A_284] : memref<64x256xf32, #tpu.memory_space<vmem>> -> memref<48x256xf32, #tpu.memory_space<vmem>>
    %dma_start3A_286 = arith.constant 0 : i32
    %dma_start3A_287 = arith.constant 0 : i32
    %dma_start3A_288 = tpu.memref_slice %arg4[%add3A_282, %dma_start3A_286, %dma_start3A_287] : memref<4096x50x256xf32, #tpu.memory_space<hbm>> -> memref<1x48x256xf32, #tpu.memory_space<hbm>>
    %dma_start3A_289 = tpu.memref_squeeze %dma_start3A_288 : memref<1x48x256xf32, #tpu.memory_space<hbm>> -> memref<48x256xf32, #tpu.memory_space<hbm>>
    %dma_start3A_290 = arith.constant 0 : i32
    %dma_start3A_291 = arith.constant 0 : i32
    %dma_start3A_292 = tpu.memref_slice %arg4[%add3A_282, %dma_start3A_290, %dma_start3A_291] : memref<4096x50x256xf32, #tpu.memory_space<hbm>> -> memref<1x48x256xf32, #tpu.memory_space<hbm>>
    %dma_start3A_293 = tpu.memref_squeeze %dma_start3A_292 : memref<1x48x256xf32, #tpu.memory_space<hbm>> -> memref<48x256xf32, #tpu.memory_space<hbm>>
    %dma_start3A_294 = arith.constant 0 : i32
    %dma_start3A_295 = arith.constant 0 : i32
    %dma_start3A_296 = tpu.memref_slice %arg10[%dma_start3A_294, %dma_start3A_295] : memref<64x256xf32, #tpu.memory_space<vmem>> -> memref<48x256xf32, #tpu.memory_space<vmem>>
    tpu.enqueue_dma source(%dma_start3A_296 : memref<48x256xf32, #tpu.memory_space<vmem>>) target(%dma_start3A_293 : memref<48x256xf32, #tpu.memory_space<hbm>>) target_semaphore(%arg22 : memref<!tpu.dma_semaphore, #tpu.memory_space<semaphore_mem>>)
    %add3A_297 = arith.constant 124 : i32
    %add3A_298 = arith.addi %mul3A_2, %add3A_297 : i32
    %dma_start3A_299 = arith.constant 48 : i32
    %dma_start3A_300 = arith.constant 0 : i32
    %dma_start3A_301 = tpu.memref_slice %arg10[%dma_start3A_299, %dma_start3A_300] : memref<64x256xf32, #tpu.memory_space<vmem>> -> memref<2x256xf32, #tpu.memory_space<vmem>>
    %dma_start3A_302 = arith.constant 48 : i32
    %dma_start3A_303 = arith.constant 0 : i32
    %dma_start3A_304 = tpu.memref_slice %arg4[%add3A_298, %dma_start3A_302, %dma_start3A_303] : memref<4096x50x256xf32, #tpu.memory_space<hbm>> -> memref<1x2x256xf32, #tpu.memory_space<hbm>>
    %dma_start3A_305 = tpu.memref_squeeze %dma_start3A_304 : memref<1x2x256xf32, #tpu.memory_space<hbm>> -> memref<2x256xf32, #tpu.memory_space<hbm>>
    %dma_start3A_306 = arith.constant 48 : i32
    %dma_start3A_307 = arith.constant 0 : i32
    %dma_start3A_308 = tpu.memref_slice %arg4[%add3A_298, %dma_start3A_306, %dma_start3A_307] : memref<4096x50x256xf32, #tpu.memory_space<hbm>> -> memref<1x2x256xf32, #tpu.memory_space<hbm>>
    %dma_start3A_309 = tpu.memref_squeeze %dma_start3A_308 : memref<1x2x256xf32, #tpu.memory_space<hbm>> -> memref<2x256xf32, #tpu.memory_space<hbm>>
    %dma_start3A_310 = arith.constant 48 : i32
    %dma_start3A_311 = arith.constant 0 : i32
    %dma_start3A_312 = tpu.memref_slice %arg10[%dma_start3A_310, %dma_start3A_311] : memref<64x256xf32, #tpu.memory_space<vmem>> -> memref<2x256xf32, #tpu.memory_space<vmem>>
    tpu.enqueue_dma source(%dma_start3A_312 : memref<2x256xf32, #tpu.memory_space<vmem>>) target(%dma_start3A_309 : memref<2x256xf32, #tpu.memory_space<hbm>>) target_semaphore(%arg22 : memref<!tpu.dma_semaphore, #tpu.memory_space<semaphore_mem>>)
    %dma_wait3A_313 = arith.constant 0 : i32
    %dma_wait3A_314 = arith.constant 0 : i32
    %dma_wait3A_315 = tpu.memref_slice %arg5[%dma_wait3A_313, %dma_wait3A_314] : memref<128x64xi32, #tpu.memory_space<vmem>> -> memref<1x64xi32, #tpu.memory_space<vmem>>
    %dma_wait3A_316 = tpu.memref_squeeze %dma_wait3A_315 : memref<1x64xi32, #tpu.memory_space<vmem>> -> memref<64xi32, #tpu.memory_space<vmem>>
    %dma_wait3A_317 = arith.constant 0 : i32
    %dma_wait3A_318 = arith.constant 0 : i32
    %dma_wait3A_319 = tpu.memref_slice %arg3[%dma_wait3A_317, %dma_wait3A_318] : memref<1000000x256xf32, #tpu.memory_space<hbm>> -> memref<1000000x256xf32, #tpu.memory_space<hbm>>
    tpu.wait_indirect_dma semaphore(%arg17 : memref<!tpu.dma_semaphore, #tpu.memory_space<semaphore_mem>>) src(%dma_wait3A_319 : memref<1000000x256xf32, #tpu.memory_space<hbm>>) dst(%arg11 : memref<64x256xf32, #tpu.memory_space<vmem>>)
    %add3A_320 = arith.constant 125 : i32
    %add3A_321 = arith.addi %mul3A_2, %add3A_320 : i32
    %dma_start3A_322 = arith.constant 0 : i32
    %dma_start3A_323 = arith.constant 0 : i32
    %dma_start3A_324 = tpu.memref_slice %arg11[%dma_start3A_322, %dma_start3A_323] : memref<64x256xf32, #tpu.memory_space<vmem>> -> memref<48x256xf32, #tpu.memory_space<vmem>>
    %dma_start3A_325 = arith.constant 0 : i32
    %dma_start3A_326 = arith.constant 0 : i32
    %dma_start3A_327 = tpu.memref_slice %arg4[%add3A_321, %dma_start3A_325, %dma_start3A_326] : memref<4096x50x256xf32, #tpu.memory_space<hbm>> -> memref<1x48x256xf32, #tpu.memory_space<hbm>>
    %dma_start3A_328 = tpu.memref_squeeze %dma_start3A_327 : memref<1x48x256xf32, #tpu.memory_space<hbm>> -> memref<48x256xf32, #tpu.memory_space<hbm>>
    %dma_start3A_329 = arith.constant 0 : i32
    %dma_start3A_330 = arith.constant 0 : i32
    %dma_start3A_331 = tpu.memref_slice %arg4[%add3A_321, %dma_start3A_329, %dma_start3A_330] : memref<4096x50x256xf32, #tpu.memory_space<hbm>> -> memref<1x48x256xf32, #tpu.memory_space<hbm>>
    %dma_start3A_332 = tpu.memref_squeeze %dma_start3A_331 : memref<1x48x256xf32, #tpu.memory_space<hbm>> -> memref<48x256xf32, #tpu.memory_space<hbm>>
    %dma_start3A_333 = arith.constant 0 : i32
    %dma_start3A_334 = arith.constant 0 : i32
    %dma_start3A_335 = tpu.memref_slice %arg11[%dma_start3A_333, %dma_start3A_334] : memref<64x256xf32, #tpu.memory_space<vmem>> -> memref<48x256xf32, #tpu.memory_space<vmem>>
    tpu.enqueue_dma source(%dma_start3A_335 : memref<48x256xf32, #tpu.memory_space<vmem>>) target(%dma_start3A_332 : memref<48x256xf32, #tpu.memory_space<hbm>>) target_semaphore(%arg23 : memref<!tpu.dma_semaphore, #tpu.memory_space<semaphore_mem>>)
    %add3A_336 = arith.constant 125 : i32
    %add3A_337 = arith.addi %mul3A_2, %add3A_336 : i32
    %dma_start3A_338 = arith.constant 48 : i32
    %dma_start3A_339 = arith.constant 0 : i32
    %dma_start3A_340 = tpu.memref_slice %arg11[%dma_start3A_338, %dma_start3A_339] : memref<64x256xf32, #tpu.memory_space<vmem>> -> memref<2x256xf32, #tpu.memory_space<vmem>>
    %dma_start3A_341 = arith.constant 48 : i32
    %dma_start3A_342 = arith.constant 0 : i32
    %dma_start3A_343 = tpu.memref_slice %arg4[%add3A_337, %dma_start3A_341, %dma_start3A_342] : memref<4096x50x256xf32, #tpu.memory_space<hbm>> -> memref<1x2x256xf32, #tpu.memory_space<hbm>>
    %dma_start3A_344 = tpu.memref_squeeze %dma_start3A_343 : memref<1x2x256xf32, #tpu.memory_space<hbm>> -> memref<2x256xf32, #tpu.memory_space<hbm>>
    %dma_start3A_345 = arith.constant 48 : i32
    %dma_start3A_346 = arith.constant 0 : i32
    %dma_start3A_347 = tpu.memref_slice %arg4[%add3A_337, %dma_start3A_345, %dma_start3A_346] : memref<4096x50x256xf32, #tpu.memory_space<hbm>> -> memref<1x2x256xf32, #tpu.memory_space<hbm>>
    %dma_start3A_348 = tpu.memref_squeeze %dma_start3A_347 : memref<1x2x256xf32, #tpu.memory_space<hbm>> -> memref<2x256xf32, #tpu.memory_space<hbm>>
    %dma_start3A_349 = arith.constant 48 : i32
    %dma_start3A_350 = arith.constant 0 : i32
    %dma_start3A_351 = tpu.memref_slice %arg11[%dma_start3A_349, %dma_start3A_350] : memref<64x256xf32, #tpu.memory_space<vmem>> -> memref<2x256xf32, #tpu.memory_space<vmem>>
    tpu.enqueue_dma source(%dma_start3A_351 : memref<2x256xf32, #tpu.memory_space<vmem>>) target(%dma_start3A_348 : memref<2x256xf32, #tpu.memory_space<hbm>>) target_semaphore(%arg23 : memref<!tpu.dma_semaphore, #tpu.memory_space<semaphore_mem>>)
    %dma_wait3A_352 = arith.constant 0 : i32
    %dma_wait3A_353 = arith.constant 0 : i32
    %dma_wait3A_354 = tpu.memref_slice %arg5[%dma_wait3A_352, %dma_wait3A_353] : memref<128x64xi32, #tpu.memory_space<vmem>> -> memref<1x64xi32, #tpu.memory_space<vmem>>
    %dma_wait3A_355 = tpu.memref_squeeze %dma_wait3A_354 : memref<1x64xi32, #tpu.memory_space<vmem>> -> memref<64xi32, #tpu.memory_space<vmem>>
    %dma_wait3A_356 = arith.constant 0 : i32
    %dma_wait3A_357 = arith.constant 0 : i32
    %dma_wait3A_358 = tpu.memref_slice %arg3[%dma_wait3A_356, %dma_wait3A_357] : memref<1000000x256xf32, #tpu.memory_space<hbm>> -> memref<1000000x256xf32, #tpu.memory_space<hbm>>
    tpu.wait_indirect_dma semaphore(%arg12 : memref<!tpu.dma_semaphore, #tpu.memory_space<semaphore_mem>>) src(%dma_wait3A_358 : memref<1000000x256xf32, #tpu.memory_space<hbm>>) dst(%arg6 : memref<64x256xf32, #tpu.memory_space<vmem>>)
    %add3A_359 = arith.constant 126 : i32
    %add3A_360 = arith.addi %mul3A_2, %add3A_359 : i32
    %dma_start3A_361 = arith.constant 0 : i32
    %dma_start3A_362 = arith.constant 0 : i32
    %dma_start3A_363 = tpu.memref_slice %arg6[%dma_start3A_361, %dma_start3A_362] : memref<64x256xf32, #tpu.memory_space<vmem>> -> memref<48x256xf32, #tpu.memory_space<vmem>>
    %dma_start3A_364 = arith.constant 0 : i32
    %dma_start3A_365 = arith.constant 0 : i32
    %dma_start3A_366 = tpu.memref_slice %arg4[%add3A_360, %dma_start3A_364, %dma_start3A_365] : memref<4096x50x256xf32, #tpu.memory_space<hbm>> -> memref<1x48x256xf32, #tpu.memory_space<hbm>>
    %dma_start3A_367 = tpu.memref_squeeze %dma_start3A_366 : memref<1x48x256xf32, #tpu.memory_space<hbm>> -> memref<48x256xf32, #tpu.memory_space<hbm>>
    %dma_start3A_368 = arith.constant 0 : i32
    %dma_start3A_369 = arith.constant 0 : i32
    %dma_start3A_370 = tpu.memref_slice %arg4[%add3A_360, %dma_start3A_368, %dma_start3A_369] : memref<4096x50x256xf32, #tpu.memory_space<hbm>> -> memref<1x48x256xf32, #tpu.memory_space<hbm>>
    %dma_start3A_371 = tpu.memref_squeeze %dma_start3A_370 : memref<1x48x256xf32, #tpu.memory_space<hbm>> -> memref<48x256xf32, #tpu.memory_space<hbm>>
    %dma_start3A_372 = arith.constant 0 : i32
    %dma_start3A_373 = arith.constant 0 : i32
    %dma_start3A_374 = tpu.memref_slice %arg6[%dma_start3A_372, %dma_start3A_373] : memref<64x256xf32, #tpu.memory_space<vmem>> -> memref<48x256xf32, #tpu.memory_space<vmem>>
    tpu.enqueue_dma source(%dma_start3A_374 : memref<48x256xf32, #tpu.memory_space<vmem>>) target(%dma_start3A_371 : memref<48x256xf32, #tpu.memory_space<hbm>>) target_semaphore(%arg18 : memref<!tpu.dma_semaphore, #tpu.memory_space<semaphore_mem>>)
    %add3A_375 = arith.constant 126 : i32
    %add3A_376 = arith.addi %mul3A_2, %add3A_375 : i32
    %dma_start3A_377 = arith.constant 48 : i32
    %dma_start3A_378 = arith.constant 0 : i32
    %dma_start3A_379 = tpu.memref_slice %arg6[%dma_start3A_377, %dma_start3A_378] : memref<64x256xf32, #tpu.memory_space<vmem>> -> memref<2x256xf32, #tpu.memory_space<vmem>>
    %dma_start3A_380 = arith.constant 48 : i32
    %dma_start3A_381 = arith.constant 0 : i32
    %dma_start3A_382 = tpu.memref_slice %arg4[%add3A_376, %dma_start3A_380, %dma_start3A_381] : memref<4096x50x256xf32, #tpu.memory_space<hbm>> -> memref<1x2x256xf32, #tpu.memory_space<hbm>>
    %dma_start3A_383 = tpu.memref_squeeze %dma_start3A_382 : memref<1x2x256xf32, #tpu.memory_space<hbm>> -> memref<2x256xf32, #tpu.memory_space<hbm>>
    %dma_start3A_384 = arith.constant 48 : i32
    %dma_start3A_385 = arith.constant 0 : i32
    %dma_start3A_386 = tpu.memref_slice %arg4[%add3A_376, %dma_start3A_384, %dma_start3A_385] : memref<4096x50x256xf32, #tpu.memory_space<hbm>> -> memref<1x2x256xf32, #tpu.memory_space<hbm>>
    %dma_start3A_387 = tpu.memref_squeeze %dma_start3A_386 : memref<1x2x256xf32, #tpu.memory_space<hbm>> -> memref<2x256xf32, #tpu.memory_space<hbm>>
    %dma_start3A_388 = arith.constant 48 : i32
    %dma_start3A_389 = arith.constant 0 : i32
    %dma_start3A_390 = tpu.memref_slice %arg6[%dma_start3A_388, %dma_start3A_389] : memref<64x256xf32, #tpu.memory_space<vmem>> -> memref<2x256xf32, #tpu.memory_space<vmem>>
    tpu.enqueue_dma source(%dma_start3A_390 : memref<2x256xf32, #tpu.memory_space<vmem>>) target(%dma_start3A_387 : memref<2x256xf32, #tpu.memory_space<hbm>>) target_semaphore(%arg18 : memref<!tpu.dma_semaphore, #tpu.memory_space<semaphore_mem>>)
    %dma_wait3A_391 = arith.constant 0 : i32
    %dma_wait3A_392 = arith.constant 0 : i32
    %dma_wait3A_393 = tpu.memref_slice %arg5[%dma_wait3A_391, %dma_wait3A_392] : memref<128x64xi32, #tpu.memory_space<vmem>> -> memref<1x64xi32, #tpu.memory_space<vmem>>
    %dma_wait3A_394 = tpu.memref_squeeze %dma_wait3A_393 : memref<1x64xi32, #tpu.memory_space<vmem>> -> memref<64xi32, #tpu.memory_space<vmem>>
    %dma_wait3A_395 = arith.constant 0 : i32
    %dma_wait3A_396 = arith.constant 0 : i32
    %dma_wait3A_397 = tpu.memref_slice %arg3[%dma_wait3A_395, %dma_wait3A_396] : memref<1000000x256xf32, #tpu.memory_space<hbm>> -> memref<1000000x256xf32, #tpu.memory_space<hbm>>
    tpu.wait_indirect_dma semaphore(%arg13 : memref<!tpu.dma_semaphore, #tpu.memory_space<semaphore_mem>>) src(%dma_wait3A_397 : memref<1000000x256xf32, #tpu.memory_space<hbm>>) dst(%arg7 : memref<64x256xf32, #tpu.memory_space<vmem>>)
    %add3A_398 = arith.constant 127 : i32
    %add3A_399 = arith.addi %mul3A_2, %add3A_398 : i32
    %dma_start3A_400 = arith.constant 0 : i32
    %dma_start3A_401 = arith.constant 0 : i32
    %dma_start3A_402 = tpu.memref_slice %arg7[%dma_start3A_400, %dma_start3A_401] : memref<64x256xf32, #tpu.memory_space<vmem>> -> memref<48x256xf32, #tpu.memory_space<vmem>>
    %dma_start3A_403 = arith.constant 0 : i32
    %dma_start3A_404 = arith.constant 0 : i32
    %dma_start3A_405 = tpu.memref_slice %arg4[%add3A_399, %dma_start3A_403, %dma_start3A_404] : memref<4096x50x256xf32, #tpu.memory_space<hbm>> -> memref<1x48x256xf32, #tpu.memory_space<hbm>>
    %dma_start3A_406 = tpu.memref_squeeze %dma_start3A_405 : memref<1x48x256xf32, #tpu.memory_space<hbm>> -> memref<48x256xf32, #tpu.memory_space<hbm>>
    %dma_start3A_407 = arith.constant 0 : i32
    %dma_start3A_408 = arith.constant 0 : i32
    %dma_start3A_409 = tpu.memref_slice %arg4[%add3A_399, %dma_start3A_407, %dma_start3A_408] : memref<4096x50x256xf32, #tpu.memory_space<hbm>> -> memref<1x48x256xf32, #tpu.memory_space<hbm>>
    %dma_start3A_410 = tpu.memref_squeeze %dma_start3A_409 : memref<1x48x256xf32, #tpu.memory_space<hbm>> -> memref<48x256xf32, #tpu.memory_space<hbm>>
    %dma_start3A_411 = arith.constant 0 : i32
    %dma_start3A_412 = arith.constant 0 : i32
    %dma_start3A_413 = tpu.memref_slice %arg7[%dma_start3A_411, %dma_start3A_412] : memref<64x256xf32, #tpu.memory_space<vmem>> -> memref<48x256xf32, #tpu.memory_space<vmem>>
    tpu.enqueue_dma source(%dma_start3A_413 : memref<48x256xf32, #tpu.memory_space<vmem>>) target(%dma_start3A_410 : memref<48x256xf32, #tpu.memory_space<hbm>>) target_semaphore(%arg19 : memref<!tpu.dma_semaphore, #tpu.memory_space<semaphore_mem>>)
    %add3A_414 = arith.constant 127 : i32
    %add3A_415 = arith.addi %mul3A_2, %add3A_414 : i32
    %dma_start3A_416 = arith.constant 48 : i32
    %dma_start3A_417 = arith.constant 0 : i32
    %dma_start3A_418 = tpu.memref_slice %arg7[%dma_start3A_416, %dma_start3A_417] : memref<64x256xf32, #tpu.memory_space<vmem>> -> memref<2x256xf32, #tpu.memory_space<vmem>>
    %dma_start3A_419 = arith.constant 48 : i32
    %dma_start3A_420 = arith.constant 0 : i32
    %dma_start3A_421 = tpu.memref_slice %arg4[%add3A_415, %dma_start3A_419, %dma_start3A_420] : memref<4096x50x256xf32, #tpu.memory_space<hbm>> -> memref<1x2x256xf32, #tpu.memory_space<hbm>>
    %dma_start3A_422 = tpu.memref_squeeze %dma_start3A_421 : memref<1x2x256xf32, #tpu.memory_space<hbm>> -> memref<2x256xf32, #tpu.memory_space<hbm>>
    %dma_start3A_423 = arith.constant 48 : i32
    %dma_start3A_424 = arith.constant 0 : i32
    %dma_start3A_425 = tpu.memref_slice %arg4[%add3A_415, %dma_start3A_423, %dma_start3A_424] : memref<4096x50x256xf32, #tpu.memory_space<hbm>> -> memref<1x2x256xf32, #tpu.memory_space<hbm>>
    %dma_start3A_426 = tpu.memref_squeeze %dma_start3A_425 : memref<1x2x256xf32, #tpu.memory_space<hbm>> -> memref<2x256xf32, #tpu.memory_space<hbm>>
    %dma_start3A_427 = arith.constant 48 : i32
    %dma_start3A_428 = arith.constant 0 : i32
    %dma_start3A_429 = tpu.memref_slice %arg7[%dma_start3A_427, %dma_start3A_428] : memref<64x256xf32, #tpu.memory_space<vmem>> -> memref<2x256xf32, #tpu.memory_space<vmem>>
    tpu.enqueue_dma source(%dma_start3A_429 : memref<2x256xf32, #tpu.memory_space<vmem>>) target(%dma_start3A_426 : memref<2x256xf32, #tpu.memory_space<hbm>>) target_semaphore(%arg19 : memref<!tpu.dma_semaphore, #tpu.memory_space<semaphore_mem>>)
    %dma_wait3A_430 = arith.constant 0 : i32
    %dma_wait3A_431 = arith.constant 0 : i32
    %dma_wait3A_432 = tpu.memref_slice %arg6[%dma_wait3A_430, %dma_wait3A_431] : memref<64x256xf32, #tpu.memory_space<vmem>> -> memref<48x256xf32, #tpu.memory_space<vmem>>
    %dma_wait3A_433 = arith.constant 0 : i32
    %dma_wait3A_434 = arith.constant 0 : i32
    %dma_wait3A_435 = tpu.memref_slice %arg4[%mul3A_2, %dma_wait3A_433, %dma_wait3A_434] : memref<4096x50x256xf32, #tpu.memory_space<hbm>> -> memref<1x48x256xf32, #tpu.memory_space<hbm>>
    %dma_wait3A_436 = tpu.memref_squeeze %dma_wait3A_435 : memref<1x48x256xf32, #tpu.memory_space<hbm>> -> memref<48x256xf32, #tpu.memory_space<hbm>>
    %dma_wait3A_437 = arith.constant 0 : i32
    %dma_wait3A_438 = arith.constant 0 : i32
    %dma_wait3A_439 = tpu.memref_slice %arg4[%mul3A_2, %dma_wait3A_437, %dma_wait3A_438] : memref<4096x50x256xf32, #tpu.memory_space<hbm>> -> memref<1x48x256xf32, #tpu.memory_space<hbm>>
    %dma_wait3A_440 = tpu.memref_squeeze %dma_wait3A_439 : memref<1x48x256xf32, #tpu.memory_space<hbm>> -> memref<48x256xf32, #tpu.memory_space<hbm>>
    %dma_wait3A_441 = arith.constant 0 : i32
    %dma_wait3A_442 = arith.constant 0 : i32
    %dma_wait3A_443 = tpu.memref_slice %arg6[%dma_wait3A_441, %dma_wait3A_442] : memref<64x256xf32, #tpu.memory_space<vmem>> -> memref<48x256xf32, #tpu.memory_space<vmem>>
    tpu.wait_dma2 semaphore(%arg18 : memref<!tpu.dma_semaphore, #tpu.memory_space<semaphore_mem>>) src(%dma_wait3A_443 : memref<48x256xf32, #tpu.memory_space<vmem>>) dst(%dma_wait3A_440 : memref<48x256xf32, #tpu.memory_space<hbm>>)
    %dma_wait3A_444 = arith.constant 48 : i32
    %dma_wait3A_445 = arith.constant 0 : i32
    %dma_wait3A_446 = tpu.memref_slice %arg6[%dma_wait3A_444, %dma_wait3A_445] : memref<64x256xf32, #tpu.memory_space<vmem>> -> memref<2x256xf32, #tpu.memory_space<vmem>>
    %dma_wait3A_447 = arith.constant 48 : i32
    %dma_wait3A_448 = arith.constant 0 : i32
    %dma_wait3A_449 = tpu.memref_slice %arg4[%mul3A_2, %dma_wait3A_447, %dma_wait3A_448] : memref<4096x50x256xf32, #tpu.memory_space<hbm>> -> memref<1x2x256xf32, #tpu.memory_space<hbm>>
    %dma_wait3A_450 = tpu.memref_squeeze %dma_wait3A_449 : memref<1x2x256xf32, #tpu.memory_space<hbm>> -> memref<2x256xf32, #tpu.memory_space<hbm>>
    %dma_wait3A_451 = arith.constant 48 : i32
    %dma_wait3A_452 = arith.constant 0 : i32
    %dma_wait3A_453 = tpu.memref_slice %arg4[%mul3A_2, %dma_wait3A_451, %dma_wait3A_452] : memref<4096x50x256xf32, #tpu.memory_space<hbm>> -> memref<1x2x256xf32, #tpu.memory_space<hbm>>
    %dma_wait3A_454 = tpu.memref_squeeze %dma_wait3A_453 : memref<1x2x256xf32, #tpu.memory_space<hbm>> -> memref<2x256xf32, #tpu.memory_space<hbm>>
    %dma_wait3A_455 = arith.constant 48 : i32
    %dma_wait3A_456 = arith.constant 0 : i32
    %dma_wait3A_457 = tpu.memref_slice %arg6[%dma_wait3A_455, %dma_wait3A_456] : memref<64x256xf32, #tpu.memory_space<vmem>> -> memref<2x256xf32, #tpu.memory_space<vmem>>
    tpu.wait_dma2 semaphore(%arg18 : memref<!tpu.dma_semaphore, #tpu.memory_space<semaphore_mem>>) src(%dma_wait3A_457 : memref<2x256xf32, #tpu.memory_space<vmem>>) dst(%dma_wait3A_454 : memref<2x256xf32, #tpu.memory_space<hbm>>)
    %dma_wait3A_458 = arith.constant 0 : i32
    %dma_wait3A_459 = arith.constant 0 : i32
    %dma_wait3A_460 = tpu.memref_slice %arg7[%dma_wait3A_458, %dma_wait3A_459] : memref<64x256xf32, #tpu.memory_space<vmem>> -> memref<48x256xf32, #tpu.memory_space<vmem>>
    %dma_wait3A_461 = arith.constant 0 : i32
    %dma_wait3A_462 = arith.constant 0 : i32
    %dma_wait3A_463 = tpu.memref_slice %arg4[%mul3A_2, %dma_wait3A_461, %dma_wait3A_462] : memref<4096x50x256xf32, #tpu.memory_space<hbm>> -> memref<1x48x256xf32, #tpu.memory_space<hbm>>
    %dma_wait3A_464 = tpu.memref_squeeze %dma_wait3A_463 : memref<1x48x256xf32, #tpu.memory_space<hbm>> -> memref<48x256xf32, #tpu.memory_space<hbm>>
    %dma_wait3A_465 = arith.constant 0 : i32
    %dma_wait3A_466 = arith.constant 0 : i32
    %dma_wait3A_467 = tpu.memref_slice %arg4[%mul3A_2, %dma_wait3A_465, %dma_wait3A_466] : memref<4096x50x256xf32, #tpu.memory_space<hbm>> -> memref<1x48x256xf32, #tpu.memory_space<hbm>>
    %dma_wait3A_468 = tpu.memref_squeeze %dma_wait3A_467 : memref<1x48x256xf32, #tpu.memory_space<hbm>> -> memref<48x256xf32, #tpu.memory_space<hbm>>
    %dma_wait3A_469 = arith.constant 0 : i32
    %dma_wait3A_470 = arith.constant 0 : i32
    %dma_wait3A_471 = tpu.memref_slice %arg7[%dma_wait3A_469, %dma_wait3A_470] : memref<64x256xf32, #tpu.memory_space<vmem>> -> memref<48x256xf32, #tpu.memory_space<vmem>>
    tpu.wait_dma2 semaphore(%arg19 : memref<!tpu.dma_semaphore, #tpu.memory_space<semaphore_mem>>) src(%dma_wait3A_471 : memref<48x256xf32, #tpu.memory_space<vmem>>) dst(%dma_wait3A_468 : memref<48x256xf32, #tpu.memory_space<hbm>>)
    %dma_wait3A_472 = arith.constant 48 : i32
    %dma_wait3A_473 = arith.constant 0 : i32
    %dma_wait3A_474 = tpu.memref_slice %arg7[%dma_wait3A_472, %dma_wait3A_473] : memref<64x256xf32, #tpu.memory_space<vmem>> -> memref<2x256xf32, #tpu.memory_space<vmem>>
    %dma_wait3A_475 = arith.constant 48 : i32
    %dma_wait3A_476 = arith.constant 0 : i32
    %dma_wait3A_477 = tpu.memref_slice %arg4[%mul3A_2, %dma_wait3A_475, %dma_wait3A_476] : memref<4096x50x256xf32, #tpu.memory_space<hbm>> -> memref<1x2x256xf32, #tpu.memory_space<hbm>>
    %dma_wait3A_478 = tpu.memref_squeeze %dma_wait3A_477 : memref<1x2x256xf32, #tpu.memory_space<hbm>> -> memref<2x256xf32, #tpu.memory_space<hbm>>
    %dma_wait3A_479 = arith.constant 48 : i32
    %dma_wait3A_480 = arith.constant 0 : i32
    %dma_wait3A_481 = tpu.memref_slice %arg4[%mul3A_2, %dma_wait3A_479, %dma_wait3A_480] : memref<4096x50x256xf32, #tpu.memory_space<hbm>> -> memref<1x2x256xf32, #tpu.memory_space<hbm>>
    %dma_wait3A_482 = tpu.memref_squeeze %dma_wait3A_481 : memref<1x2x256xf32, #tpu.memory_space<hbm>> -> memref<2x256xf32, #tpu.memory_space<hbm>>
    %dma_wait3A_483 = arith.constant 48 : i32
    %dma_wait3A_484 = arith.constant 0 : i32
    %dma_wait3A_485 = tpu.memref_slice %arg7[%dma_wait3A_483, %dma_wait3A_484] : memref<64x256xf32, #tpu.memory_space<vmem>> -> memref<2x256xf32, #tpu.memory_space<vmem>>
    tpu.wait_dma2 semaphore(%arg19 : memref<!tpu.dma_semaphore, #tpu.memory_space<semaphore_mem>>) src(%dma_wait3A_485 : memref<2x256xf32, #tpu.memory_space<vmem>>) dst(%dma_wait3A_482 : memref<2x256xf32, #tpu.memory_space<hbm>>)
    %dma_wait3A_486 = arith.constant 0 : i32
    %dma_wait3A_487 = arith.constant 0 : i32
    %dma_wait3A_488 = tpu.memref_slice %arg8[%dma_wait3A_486, %dma_wait3A_487] : memref<64x256xf32, #tpu.memory_space<vmem>> -> memref<48x256xf32, #tpu.memory_space<vmem>>
    %dma_wait3A_489 = arith.constant 0 : i32
    %dma_wait3A_490 = arith.constant 0 : i32
    %dma_wait3A_491 = tpu.memref_slice %arg4[%mul3A_2, %dma_wait3A_489, %dma_wait3A_490] : memref<4096x50x256xf32, #tpu.memory_space<hbm>> -> memref<1x48x256xf32, #tpu.memory_space<hbm>>
    %dma_wait3A_492 = tpu.memref_squeeze %dma_wait3A_491 : memref<1x48x256xf32, #tpu.memory_space<hbm>> -> memref<48x256xf32, #tpu.memory_space<hbm>>
    %dma_wait3A_493 = arith.constant 0 : i32
    %dma_wait3A_494 = arith.constant 0 : i32
    %dma_wait3A_495 = tpu.memref_slice %arg4[%mul3A_2, %dma_wait3A_493, %dma_wait3A_494] : memref<4096x50x256xf32, #tpu.memory_space<hbm>> -> memref<1x48x256xf32, #tpu.memory_space<hbm>>
    %dma_wait3A_496 = tpu.memref_squeeze %dma_wait3A_495 : memref<1x48x256xf32, #tpu.memory_space<hbm>> -> memref<48x256xf32, #tpu.memory_space<hbm>>
    %dma_wait3A_497 = arith.constant 0 : i32
    %dma_wait3A_498 = arith.constant 0 : i32
    %dma_wait3A_499 = tpu.memref_slice %arg8[%dma_wait3A_497, %dma_wait3A_498] : memref<64x256xf32, #tpu.memory_space<vmem>> -> memref<48x256xf32, #tpu.memory_space<vmem>>
    tpu.wait_dma2 semaphore(%arg20 : memref<!tpu.dma_semaphore, #tpu.memory_space<semaphore_mem>>) src(%dma_wait3A_499 : memref<48x256xf32, #tpu.memory_space<vmem>>) dst(%dma_wait3A_496 : memref<48x256xf32, #tpu.memory_space<hbm>>)
    %dma_wait3A_500 = arith.constant 48 : i32
    %dma_wait3A_501 = arith.constant 0 : i32
    %dma_wait3A_502 = tpu.memref_slice %arg8[%dma_wait3A_500, %dma_wait3A_501] : memref<64x256xf32, #tpu.memory_space<vmem>> -> memref<2x256xf32, #tpu.memory_space<vmem>>
    %dma_wait3A_503 = arith.constant 48 : i32
    %dma_wait3A_504 = arith.constant 0 : i32
    %dma_wait3A_505 = tpu.memref_slice %arg4[%mul3A_2, %dma_wait3A_503, %dma_wait3A_504] : memref<4096x50x256xf32, #tpu.memory_space<hbm>> -> memref<1x2x256xf32, #tpu.memory_space<hbm>>
    %dma_wait3A_506 = tpu.memref_squeeze %dma_wait3A_505 : memref<1x2x256xf32, #tpu.memory_space<hbm>> -> memref<2x256xf32, #tpu.memory_space<hbm>>
    %dma_wait3A_507 = arith.constant 48 : i32
    %dma_wait3A_508 = arith.constant 0 : i32
    %dma_wait3A_509 = tpu.memref_slice %arg4[%mul3A_2, %dma_wait3A_507, %dma_wait3A_508] : memref<4096x50x256xf32, #tpu.memory_space<hbm>> -> memref<1x2x256xf32, #tpu.memory_space<hbm>>
    %dma_wait3A_510 = tpu.memref_squeeze %dma_wait3A_509 : memref<1x2x256xf32, #tpu.memory_space<hbm>> -> memref<2x256xf32, #tpu.memory_space<hbm>>
    %dma_wait3A_511 = arith.constant 48 : i32
    %dma_wait3A_512 = arith.constant 0 : i32
    %dma_wait3A_513 = tpu.memref_slice %arg8[%dma_wait3A_511, %dma_wait3A_512] : memref<64x256xf32, #tpu.memory_space<vmem>> -> memref<2x256xf32, #tpu.memory_space<vmem>>
    tpu.wait_dma2 semaphore(%arg20 : memref<!tpu.dma_semaphore, #tpu.memory_space<semaphore_mem>>) src(%dma_wait3A_513 : memref<2x256xf32, #tpu.memory_space<vmem>>) dst(%dma_wait3A_510 : memref<2x256xf32, #tpu.memory_space<hbm>>)
    %dma_wait3A_514 = arith.constant 0 : i32
    %dma_wait3A_515 = arith.constant 0 : i32
    %dma_wait3A_516 = tpu.memref_slice %arg9[%dma_wait3A_514, %dma_wait3A_515] : memref<64x256xf32, #tpu.memory_space<vmem>> -> memref<48x256xf32, #tpu.memory_space<vmem>>
    %dma_wait3A_517 = arith.constant 0 : i32
    %dma_wait3A_518 = arith.constant 0 : i32
    %dma_wait3A_519 = tpu.memref_slice %arg4[%mul3A_2, %dma_wait3A_517, %dma_wait3A_518] : memref<4096x50x256xf32, #tpu.memory_space<hbm>> -> memref<1x48x256xf32, #tpu.memory_space<hbm>>
    %dma_wait3A_520 = tpu.memref_squeeze %dma_wait3A_519 : memref<1x48x256xf32, #tpu.memory_space<hbm>> -> memref<48x256xf32, #tpu.memory_space<hbm>>
    %dma_wait3A_521 = arith.constant 0 : i32
    %dma_wait3A_522 = arith.constant 0 : i32
    %dma_wait3A_523 = tpu.memref_slice %arg4[%mul3A_2, %dma_wait3A_521, %dma_wait3A_522] : memref<4096x50x256xf32, #tpu.memory_space<hbm>> -> memref<1x48x256xf32, #tpu.memory_space<hbm>>
    %dma_wait3A_524 = tpu.memref_squeeze %dma_wait3A_523 : memref<1x48x256xf32, #tpu.memory_space<hbm>> -> memref<48x256xf32, #tpu.memory_space<hbm>>
    %dma_wait3A_525 = arith.constant 0 : i32
    %dma_wait3A_526 = arith.constant 0 : i32
    %dma_wait3A_527 = tpu.memref_slice %arg9[%dma_wait3A_525, %dma_wait3A_526] : memref<64x256xf32, #tpu.memory_space<vmem>> -> memref<48x256xf32, #tpu.memory_space<vmem>>
    tpu.wait_dma2 semaphore(%arg21 : memref<!tpu.dma_semaphore, #tpu.memory_space<semaphore_mem>>) src(%dma_wait3A_527 : memref<48x256xf32, #tpu.memory_space<vmem>>) dst(%dma_wait3A_524 : memref<48x256xf32, #tpu.memory_space<hbm>>)
    %dma_wait3A_528 = arith.constant 48 : i32
    %dma_wait3A_529 = arith.constant 0 : i32
    %dma_wait3A_530 = tpu.memref_slice %arg9[%dma_wait3A_528, %dma_wait3A_529] : memref<64x256xf32, #tpu.memory_space<vmem>> -> memref<2x256xf32, #tpu.memory_space<vmem>>
    %dma_wait3A_531 = arith.constant 48 : i32
    %dma_wait3A_532 = arith.constant 0 : i32
    %dma_wait3A_533 = tpu.memref_slice %arg4[%mul3A_2, %dma_wait3A_531, %dma_wait3A_532] : memref<4096x50x256xf32, #tpu.memory_space<hbm>> -> memref<1x2x256xf32, #tpu.memory_space<hbm>>
    %dma_wait3A_534 = tpu.memref_squeeze %dma_wait3A_533 : memref<1x2x256xf32, #tpu.memory_space<hbm>> -> memref<2x256xf32, #tpu.memory_space<hbm>>
    %dma_wait3A_535 = arith.constant 48 : i32
    %dma_wait3A_536 = arith.constant 0 : i32
    %dma_wait3A_537 = tpu.memref_slice %arg4[%mul3A_2, %dma_wait3A_535, %dma_wait3A_536] : memref<4096x50x256xf32, #tpu.memory_space<hbm>> -> memref<1x2x256xf32, #tpu.memory_space<hbm>>
    %dma_wait3A_538 = tpu.memref_squeeze %dma_wait3A_537 : memref<1x2x256xf32, #tpu.memory_space<hbm>> -> memref<2x256xf32, #tpu.memory_space<hbm>>
    %dma_wait3A_539 = arith.constant 48 : i32
    %dma_wait3A_540 = arith.constant 0 : i32
    %dma_wait3A_541 = tpu.memref_slice %arg9[%dma_wait3A_539, %dma_wait3A_540] : memref<64x256xf32, #tpu.memory_space<vmem>> -> memref<2x256xf32, #tpu.memory_space<vmem>>
    tpu.wait_dma2 semaphore(%arg21 : memref<!tpu.dma_semaphore, #tpu.memory_space<semaphore_mem>>) src(%dma_wait3A_541 : memref<2x256xf32, #tpu.memory_space<vmem>>) dst(%dma_wait3A_538 : memref<2x256xf32, #tpu.memory_space<hbm>>)
    %dma_wait3A_542 = arith.constant 0 : i32
    %dma_wait3A_543 = arith.constant 0 : i32
    %dma_wait3A_544 = tpu.memref_slice %arg10[%dma_wait3A_542, %dma_wait3A_543] : memref<64x256xf32, #tpu.memory_space<vmem>> -> memref<48x256xf32, #tpu.memory_space<vmem>>
    %dma_wait3A_545 = arith.constant 0 : i32
    %dma_wait3A_546 = arith.constant 0 : i32
    %dma_wait3A_547 = tpu.memref_slice %arg4[%mul3A_2, %dma_wait3A_545, %dma_wait3A_546] : memref<4096x50x256xf32, #tpu.memory_space<hbm>> -> memref<1x48x256xf32, #tpu.memory_space<hbm>>
    %dma_wait3A_548 = tpu.memref_squeeze %dma_wait3A_547 : memref<1x48x256xf32, #tpu.memory_space<hbm>> -> memref<48x256xf32, #tpu.memory_space<hbm>>
    %dma_wait3A_549 = arith.constant 0 : i32
    %dma_wait3A_550 = arith.constant 0 : i32
    %dma_wait3A_551 = tpu.memref_slice %arg4[%mul3A_2, %dma_wait3A_549, %dma_wait3A_550] : memref<4096x50x256xf32, #tpu.memory_space<hbm>> -> memref<1x48x256xf32, #tpu.memory_space<hbm>>
    %dma_wait3A_552 = tpu.memref_squeeze %dma_wait3A_551 : memref<1x48x256xf32, #tpu.memory_space<hbm>> -> memref<48x256xf32, #tpu.memory_space<hbm>>
    %dma_wait3A_553 = arith.constant 0 : i32
    %dma_wait3A_554 = arith.constant 0 : i32
    %dma_wait3A_555 = tpu.memref_slice %arg10[%dma_wait3A_553, %dma_wait3A_554] : memref<64x256xf32, #tpu.memory_space<vmem>> -> memref<48x256xf32, #tpu.memory_space<vmem>>
    tpu.wait_dma2 semaphore(%arg22 : memref<!tpu.dma_semaphore, #tpu.memory_space<semaphore_mem>>) src(%dma_wait3A_555 : memref<48x256xf32, #tpu.memory_space<vmem>>) dst(%dma_wait3A_552 : memref<48x256xf32, #tpu.memory_space<hbm>>)
    %dma_wait3A_556 = arith.constant 48 : i32
    %dma_wait3A_557 = arith.constant 0 : i32
    %dma_wait3A_558 = tpu.memref_slice %arg10[%dma_wait3A_556, %dma_wait3A_557] : memref<64x256xf32, #tpu.memory_space<vmem>> -> memref<2x256xf32, #tpu.memory_space<vmem>>
    %dma_wait3A_559 = arith.constant 48 : i32
    %dma_wait3A_560 = arith.constant 0 : i32
    %dma_wait3A_561 = tpu.memref_slice %arg4[%mul3A_2, %dma_wait3A_559, %dma_wait3A_560] : memref<4096x50x256xf32, #tpu.memory_space<hbm>> -> memref<1x2x256xf32, #tpu.memory_space<hbm>>
    %dma_wait3A_562 = tpu.memref_squeeze %dma_wait3A_561 : memref<1x2x256xf32, #tpu.memory_space<hbm>> -> memref<2x256xf32, #tpu.memory_space<hbm>>
    %dma_wait3A_563 = arith.constant 48 : i32
    %dma_wait3A_564 = arith.constant 0 : i32
    %dma_wait3A_565 = tpu.memref_slice %arg4[%mul3A_2, %dma_wait3A_563, %dma_wait3A_564] : memref<4096x50x256xf32, #tpu.memory_space<hbm>> -> memref<1x2x256xf32, #tpu.memory_space<hbm>>
    %dma_wait3A_566 = tpu.memref_squeeze %dma_wait3A_565 : memref<1x2x256xf32, #tpu.memory_space<hbm>> -> memref<2x256xf32, #tpu.memory_space<hbm>>
    %dma_wait3A_567 = arith.constant 48 : i32
    %dma_wait3A_568 = arith.constant 0 : i32
    %dma_wait3A_569 = tpu.memref_slice %arg10[%dma_wait3A_567, %dma_wait3A_568] : memref<64x256xf32, #tpu.memory_space<vmem>> -> memref<2x256xf32, #tpu.memory_space<vmem>>
    tpu.wait_dma2 semaphore(%arg22 : memref<!tpu.dma_semaphore, #tpu.memory_space<semaphore_mem>>) src(%dma_wait3A_569 : memref<2x256xf32, #tpu.memory_space<vmem>>) dst(%dma_wait3A_566 : memref<2x256xf32, #tpu.memory_space<hbm>>)
    %dma_wait3A_570 = arith.constant 0 : i32
    %dma_wait3A_571 = arith.constant 0 : i32
    %dma_wait3A_572 = tpu.memref_slice %arg11[%dma_wait3A_570, %dma_wait3A_571] : memref<64x256xf32, #tpu.memory_space<vmem>> -> memref<48x256xf32, #tpu.memory_space<vmem>>
    %dma_wait3A_573 = arith.constant 0 : i32
    %dma_wait3A_574 = arith.constant 0 : i32
    %dma_wait3A_575 = tpu.memref_slice %arg4[%mul3A_2, %dma_wait3A_573, %dma_wait3A_574] : memref<4096x50x256xf32, #tpu.memory_space<hbm>> -> memref<1x48x256xf32, #tpu.memory_space<hbm>>
    %dma_wait3A_576 = tpu.memref_squeeze %dma_wait3A_575 : memref<1x48x256xf32, #tpu.memory_space<hbm>> -> memref<48x256xf32, #tpu.memory_space<hbm>>
    %dma_wait3A_577 = arith.constant 0 : i32
    %dma_wait3A_578 = arith.constant 0 : i32
    %dma_wait3A_579 = tpu.memref_slice %arg4[%mul3A_2, %dma_wait3A_577, %dma_wait3A_578] : memref<4096x50x256xf32, #tpu.memory_space<hbm>> -> memref<1x48x256xf32, #tpu.memory_space<hbm>>
    %dma_wait3A_580 = tpu.memref_squeeze %dma_wait3A_579 : memref<1x48x256xf32, #tpu.memory_space<hbm>> -> memref<48x256xf32, #tpu.memory_space<hbm>>
    %dma_wait3A_581 = arith.constant 0 : i32
    %dma_wait3A_582 = arith.constant 0 : i32
    %dma_wait3A_583 = tpu.memref_slice %arg11[%dma_wait3A_581, %dma_wait3A_582] : memref<64x256xf32, #tpu.memory_space<vmem>> -> memref<48x256xf32, #tpu.memory_space<vmem>>
    tpu.wait_dma2 semaphore(%arg23 : memref<!tpu.dma_semaphore, #tpu.memory_space<semaphore_mem>>) src(%dma_wait3A_583 : memref<48x256xf32, #tpu.memory_space<vmem>>) dst(%dma_wait3A_580 : memref<48x256xf32, #tpu.memory_space<hbm>>)
    %dma_wait3A_584 = arith.constant 48 : i32
    %dma_wait3A_585 = arith.constant 0 : i32
    %dma_wait3A_586 = tpu.memref_slice %arg11[%dma_wait3A_584, %dma_wait3A_585] : memref<64x256xf32, #tpu.memory_space<vmem>> -> memref<2x256xf32, #tpu.memory_space<vmem>>
    %dma_wait3A_587 = arith.constant 48 : i32
    %dma_wait3A_588 = arith.constant 0 : i32
    %dma_wait3A_589 = tpu.memref_slice %arg4[%mul3A_2, %dma_wait3A_587, %dma_wait3A_588] : memref<4096x50x256xf32, #tpu.memory_space<hbm>> -> memref<1x2x256xf32, #tpu.memory_space<hbm>>
    %dma_wait3A_590 = tpu.memref_squeeze %dma_wait3A_589 : memref<1x2x256xf32, #tpu.memory_space<hbm>> -> memref<2x256xf32, #tpu.memory_space<hbm>>
    %dma_wait3A_591 = arith.constant 48 : i32
    %dma_wait3A_592 = arith.constant 0 : i32
    %dma_wait3A_593 = tpu.memref_slice %arg4[%mul3A_2, %dma_wait3A_591, %dma_wait3A_592] : memref<4096x50x256xf32, #tpu.memory_space<hbm>> -> memref<1x2x256xf32, #tpu.memory_space<hbm>>
    %dma_wait3A_594 = tpu.memref_squeeze %dma_wait3A_593 : memref<1x2x256xf32, #tpu.memory_space<hbm>> -> memref<2x256xf32, #tpu.memory_space<hbm>>
    %dma_wait3A_595 = arith.constant 48 : i32
    %dma_wait3A_596 = arith.constant 0 : i32
    %dma_wait3A_597 = tpu.memref_slice %arg11[%dma_wait3A_595, %dma_wait3A_596] : memref<64x256xf32, #tpu.memory_space<vmem>> -> memref<2x256xf32, #tpu.memory_space<vmem>>
    tpu.wait_dma2 semaphore(%arg23 : memref<!tpu.dma_semaphore, #tpu.memory_space<semaphore_mem>>) src(%dma_wait3A_597 : memref<2x256xf32, #tpu.memory_space<vmem>>) dst(%dma_wait3A_594 : memref<2x256xf32, #tpu.memory_space<hbm>>)
    return
  }
}

</mosaic_0001>

<sc_bundles>
// kernel: kernel.3.cloned.1.call-start
scs
__scs_entry_jumppad:
0x0: {  	(pc) =	sbr.rel $0x88, $3  }
0x1: {  	(tag) =	ssettag $0x0;
	lr =	simm.s32 $0x1  }
0x2: {  	[smem:$0x3F9F] =	sst lr;
	_ =	strace $0xD0000000  }
0x3: {  	_ = 	snop  }
0x4: {  	_ = 	snop  }
0x5: {  	_ = 	snop  }
0x6: {  	_ = 	snop  }
0x7: {  	_ = 	snop  }
__scs_overlays_trampoline_lowered:
0x8: {  	[smem:$0x3FAE] =	sst s0  }
0x9: {  	[smem:$0x3FAF] =	sst s1  }
0xa: {  	[smem:$0x3FB0] =	sst s2  }
0xb: {  	[smem:$0x3FB1] =	sst s3  }
0xc: {  	[smem:$0x3FB2] =	sst s4  }
0xd: {  	[smem:$0x3FB3] =	sst s5  }
0xe: {  	[smem:$0x3FB4] =	sst s6  }
0xf: {  	[smem:$0x3FB5] =	sst s7  }
0x10: {  	[smem:$0x3FB6] =	sst s8  }
0x11: {  	[smem:$0x3FB7] =	sst s9;
	s0 =	simm.s32 @!p0 $0x0  }
0x12: {  	s1 =	sld [smem:$0x3F9D];
	s0 =	simm.s32 @p0 $0x1  }
0x13: {  	[smem:$0x3FB8] =	sst s0;
	s0 =	simm.s32 @!p1 $0x0  }
0x14: {  	s2 =	sld [smem:$0x3F9C];
	s0 =	simm.s32 @p1 $0x1  }
0x15: {  	[smem:$0x3FB9] =	sst s0;
	s0 =	simm.s32 @!p2 $0x0  }
0x16: {  	s3 =	sld [smem:$0x3FDB];
	s0 =	simm.s32 @p2 $0x1  }
0x17: {  	s4 =	simm.s32 $0x1BF5;
	[smem:$0x3FBB] =	sst s0  }
0x18: {  	s0 =	sld [smem:$0x3F9E];
	_ =	swait.ge [sflag:s4], $0x0  }
0x19: {  	s7 =	sld [smem:$0x3F9F]  }
0x1a: {  	s8 =	sadd.s32 $0xFFFFE003, lr  }
0x1b: {  	s9 =	sadd.s32 $0xFFFFFEF7, lr;
	s5 =	simm.s32 $0xFFFFFFFF;
	p2 =	slt.u32 s8, $0xFFFFF086  }
0x1c: {  	p1 =	slt.u32 s9, $0xF7A;
	s5 =	simm.s32 @!p2 $0x0  }
0x1d: {  	s5 =	simm.s32 @p1 $0x1;
	p0 =	seq.s32 s7, s2  }
0x1e: {  	s7 =	smul.u32 @!p0 $0xF7A, s2;
	p2 =	seq.s32 @!p0 s5, $0x0  }
0x1f: {  	s9 =	smul.u32 $0xF7A, s1;
	s8 =	simm.s32 @!p0 $0x1BF5;
	p2 =	por !p2, p0  }
0x20: {  	[sflag:s8] =	ssyncset.s32 @!p0 $0xFFFFF086;
	s6 =	sadd.s32 @!p0 s3, s7;
	s7 =	simm.s32 @!p0 $0x108  }
0x21: {  	s3 =	sadd.s32 s3, s9;
	s6 =	sadd.s32 @!p0 $0x88, s6;
	s7 =	simm.s32 @p2 $0x1082  }
0x22: {  	[simem:s7], [sflag:s8] =	dma.local @!p0 [hbm:s6], $0xF7A  }
0x23: {  	s9 =	sor.u32 $0xD0000000, s2;
	s6 =	simm.s32 $0x108;
	_ =	swait.ge @!p0 [sflag:s8], $0x0  }
0x24: {  	s3 =	sadd.s32 $0x88, s3;
	s6 =	simm.s32 @!p1 $0x1082;
	[sflag:s4] =	ssyncset.s32 $0xFFFFF086  }
0x25: {  	[simem:s6], [sflag:s4] =	dma.local [hbm:s3], $0xF7A  }
0x26: {  	[smem:$0x3F9F] =	sst s1;
	(tag) =	ssettag s2;
	_ =	strace s9  }
0x27: {  	s1 =	sld [smem:$0x3FAF]  }
0x28: {  	s2 =	sld [smem:$0x3FB0]  }
0x29: {  	s4 =	sld [smem:$0x3FB2]  }
0x2a: {  	p0 =	seq.s32 s5, $0x0;
	s5 =	sld [smem:$0x3FB3]  }
0x2b: {  	s6 =	sld [smem:$0x3FB4]  }
0x2c: {  	s7 =	sld [smem:$0x3FB5]  }
0x2d: {  	s3 =	simm.s32 $0x108;
	s8 =	sld [smem:$0x3FB6]  }
0x2e: {  	s3 =	simm.s32 @!p0 $0x1082;
	s9 =	sld [smem:$0x3FB7]  }
0x2f: {  	lr =	sadd.s32 s0, s3;
	s0 =	sld [smem:$0x3FAE]  }
0x30: {  	s3 =	sld [smem:$0x3FB1]  }
0x31: {  	[smem:$0x3FBA] =	sst s10  }
0x32: {  	s10 =	sld [smem:$0x3FB8];
	_ =	sdelay $0x3  }
0x33: {  	p0 =	seq.s32 s10, $0x1;
	s10 =	sld [smem:$0x3FBA];
	_ =	sdelay $0x3  }
0x34: {  	[smem:$0x3FBA] =	sst s10  }
0x35: {  	s10 =	sld [smem:$0x3FB9];
	_ =	sdelay $0x3  }
0x36: {  	p1 =	seq.s32 s10, $0x1;
	s10 =	sld [smem:$0x3FBA];
	_ =	sdelay $0x3  }
0x37: {  	[smem:$0x3FBA] =	sst s10  }
0x38: {  	s10 =	sld [smem:$0x3FBB]  }
0x39: {  	_ = 	snop;
	(pc) =	sbr.ind lr, $3  }
0x3a: {  	_ = 	snop  }
0x3b: {  	_ = 	snop  }
0x3c: {  	p2 =	seq.s32 s10, $0x1;
	s10 =	sld [smem:$0x3FBA]  }
0x3d: {  	_ =	shalt  }
0x3e: {  	_ =	shalt  }
0x3f: {  	_ =	shalt  }
0x40: {  	_ =	shalt  }
0x41: {  	_ =	shalt  }
0x42: {  	_ =	shalt  }
0x43: {  	_ =	shalt  }
0x44: {  	_ =	shalt  }
0x45: {  	_ =	shalt  }
0x46: {  	_ =	shalt  }
0x47: {  	_ =	shalt  }
0x48: {  	_ =	shalt  }
0x49: {  	_ =	shalt  }
0x4a: {  	_ =	shalt  }
0x4b: {  	_ =	shalt  }
0x4c: {  	_ =	shalt  }
0x4d: {  	_ =	shalt  }
0x4e: {  	_ =	shalt  }
0x4f: {  	_ =	shalt  }
0x50: {  	_ =	shalt  }
0x51: {  	_ =	shalt  }
0x52: {  	_ =	shalt  }
0x53: {  	_ =	shalt  }
0x54: {  	_ =	shalt  }
0x55: {  	_ =	shalt  }
0x56: {  	_ =	shalt  }
0x57: {  	_ =	shalt  }
0x58: {  	_ =	shalt  }
0x59: {  	_ =	shalt  }
0x5a: {  	_ =	shalt  }
0x5b: {  	_ =	shalt  }
0x5c: {  	_ =	shalt  }
0x5d: {  	_ =	shalt  }
0x5e: {  	_ =	shalt  }
0x5f: {  	_ =	shalt  }
0x60: {  	_ =	shalt  }
0x61: {  	_ =	shalt  }
0x62: {  	_ =	shalt  }
0x63: {  	_ =	shalt  }
0x64: {  	_ =	shalt  }
0x65: {  	_ =	shalt  }
0x66: {  	_ =	shalt  }
0x67: {  	_ =	shalt  }
0x68: {  	_ =	shalt  }
0x69: {  	_ =	shalt  }
0x6a: {  	_ =	shalt  }
0x6b: {  	_ =	shalt  }
0x6c: {  	_ =	shalt  }
0x6d: {  	_ =	shalt  }
0x6e: {  	_ =	shalt  }
0x6f: {  	_ =	shalt  }
0x70: {  	_ =	shalt  }
0x71: {  	_ =	shalt  }
0x72: {  	_ =	shalt  }
0x73: {  	_ =	shalt  }
0x74: {  	_ =	shalt  }
0x75: {  	_ =	shalt  }
0x76: {  	_ =	shalt  }
0x77: {  	_ =	shalt  }
0x78: {  	_ =	shalt  }
0x79: {  	_ =	shalt  }
0x7a: {  	_ =	shalt  }
0x7b: {  	_ =	shalt  }
0x7c: {  	_ =	shalt  }
0x7d: {  	_ =	shalt  }
0x7e: {  	_ =	shalt  }
0x7f: {  	_ =	shalt  }
0x80: {  	_ =	shalt  }
0x81: {  	_ =	shalt  }
0x82: {  	_ =	shalt  }
0x83: {  	_ =	shalt  }
0x84: {  	_ =	shalt  }
0x85: {  	_ =	shalt  }
0x86: {  	_ =	shalt  }
0x87: {  	_ =	shalt  }
.Lfunc_end0:
.L_simem_size_0:
called_computation_lowered:
.L_overlay_start_0:
0x88: {  	s2 =	sld [smem:$0x3FD9]  }
0x89: {  	s3 =	sld [smem:$0x3FFE];
	_ =	sdelay $0x1  }
0x8a: {  	s1 =	srdreg.scid  }
0x8b: {  	s0 =	sand.u32 $0x1, s1  }
0x8c: {  	s17 =	sshll.u32 s0, $0xA;
	s2 =	sadd.s32 s3, s2  }
0x8d: {  	s2 =	sadd.s32 s2, s17  }
0x8e: {  	[smem:$0x3FC6] =	sst s2  }
0x8f: {  	_ = 	snop  }
0x90: {  	s2 =	sld [smem:$0x3FC8]  }
0x91: {  	s18 =	sld [smem:$0x3FD0];
	(tm) =	ssettm $0x1  }
0x92: {  	s4 =	sld [smem:$0x3FFB];
	_ =	sdelay $0x3  }
0x93: {  	_ =	strace s4  }
0x94: {  	s4 =	sld [smem:$0x3FFC];
	_ =	sdelay $0x3  }
0x95: {  	_ =	strace s4  }
0x96: {  	s4 =	sld [smem:$0x3FFD];
	_ =	sdelay $0x3  }
0x97: {  	_ =	strace s4  }
0x98: {  	_ =	strace $0x8FFFFFFF  }
0x99: {  	s19 =	sld [smem:$0x3FDB];
	_ =	sdelay $0x1  }
0x9a: {  	s5 =	simm.s32 $_scs_section_size  }
0x9b: {  	s6 =	simm.s32 $_size__tile_overlayer_lowered;
	s7 =	simm.s32 $_tile_overlayer_lowered  }
0x9c: {  	s22 =	simm.s32 $0x1BFF;
	s21 =	sshll.u32 s7, $0x1;
	s4 =	sadd.s32 s5, s19  }
0x9d: {  	s8 =	simm.s32 $0x0;
	s20 =	sshll.u32 s6, $0x1;
	s6 =	sadd.s32 s21, s4  }
0x9e: {  	[timem:s8], [sflag:s22] =	dma.local [hbm:s6], s20  }
0x9f: {  	_ =	swait.ge [sflag:s22], s20  }
0xa0: {  	s5 =	ssub.s32 $0x0, s20;
	[sflag:s22] =	ssyncset.done $0x0  }
0xa1: {  	[sflag:s22] =	ssyncadd.s32 s5;
	_ =	sdelay $0x1  }
0xa2: {  	s23 =	simm.s32 $0x1B8B  }
0xa3: {  	_ =	swait.ge [sflag:s23], $0x1  }
0xa4: {  	[sflag:s23] =	ssyncset.done $0x0  }
0xa5: {  	s25 =	simm.s32 $0x1B8E;
	s24 =	sld [smem:$0x3FFE];
	[sflag:s23] =	ssyncadd.s32 $0xFFFFFFFF  }
0xa6: {  	s26 =	simm.s32 $execute0_lowered;
	[smem:$0x3FD2] =	sst s25  }
0xa7: {  	s6 =	sshll.u32 s26, $0x1;
	_ =	strace $0x80000046;
	[dreg:$0x1] =	wrdreg $0xFFFFFFFF  }
0xa8: {  	s28 =	simm.s32 $_size_execute0_lowered;
	s4 =	sadd.s32 s4, s6;
	[dreg:$0x0] =	wrdreg $0x0  }
0xa9: {  	s6 =	sshll.u32 s28, $0x1;
	[dreg:$0x2] =	wrdreg s4  }
0xaa: {  	[dreg:$0x3] =	wrdreg s6  }
0xab: {  	[dreg:$0x4] =	wrdreg $0xC0  }
0xac: {  	_ =	task [dreg:s8], $0x5FFFF  }
0xad: {  	[dreg:$0x1] =	wrdreg $0xFFFFFFFF  }
0xae: {  	[dreg:$0x0] =	wrdreg $0x60  }
0xaf: {  	[dreg:$0x2] =	wrdreg s18  }
0xb0: {  	[dreg:$0x3] =	wrdreg s2  }
0xb1: {  	[dreg:$0x4] =	wrdreg s24  }
0xb2: {  	[dreg:$0x5] =	wrdreg $0x9  }
0xb3: {  	_ =	task.clear_ibuf [dreg:s8], $0x6FFFF;
	_ =	strace $0x90000046  }
0xb4: {  	s29 =	simm.s32 $0x9;
	_ =	strace $0x80000048  }
0xb5: {  	_ =	swait.ge [sflag:s29], $0x1  }
0xb6: {  	[sflag:s29] =	ssyncadd.s32 $0xFFFFFFFF  }
0xb7: {  	_ =	strace $0x90000048  }
0xb8: {  	_ =	sfence  }
0xb9: {  	s30 =	sld [smem:$0x0];
	_ =	sdelay $0x2  }
0xba: {  	s31 =	sshll.u32 s1, $0xD;
	s1 =	sshrl.u32 s1, $0x2  }
0xbb: {  	s3 =	sand.u32 $0x4000, s31;
	s1 =	sadd.s32 s1, s30  }
0xbc: {  	s0 =	sor.u32 s3, s0;
	s1 =	sshll.u32 s1, $0x11  }
0xbd: {  	s0 =	sor.u32 s1, s0  }
0xbe: {  	s0 =	sadd.s32 $0x8F2B, s0  }
0xbf: {  	[sflag:s0] =	ssyncadd.remote.s32 $0x1  }
0xc0: {  	_ =	sfence.sel $0xFFFF  }
0xc1: {  	[dreg:$0x0] =	wrdreg $0xFFFFFFFF;
	(pc) =	sbr.abs _section_cstart, $3  }
0xc2: {  	[dreg:$0x1] =	wrdreg $0xFFFFFFFF  }
0xc3: {  	_ =	task.clear_ibuf [dreg:s8], $0x2FFFF;
	_ =	strace $0x9FFFFFFF  }
0xc4: {  	(tm) =	ssettm $0x7FFFFFFF  }
0xc5: {  	_ =	shalt  }
tec
execute0_lowered:
.L_overlay_start_1:
0x0: {  	(tag) =	ssettag $0x1  }
0x1: {  	s0 =	rddreg [dreg:$0x0];
	s10 =	stileid.u32  }
0x2: {  	s1 =	srdreg.scid;
	s22 =	smul.u32 $0x380000, s10  }
0x3: {  	s1 =	sand.u32 $0x1, s1;
	s5 =	sshll.u32 s10, $0x1;
	s10 =	smul.u32 $0x70000, s10  }
0x4: {  	s2 =	rddreg [dreg:$0x1];
	s25 =	smul.u32 $0x1C0000, s1  }
0x5: {  	s5 =	sor.u32 s1, s5;
	s6 =	ssub.s32 $0x2, s1;
	s1 =	smul.u32 $0x38000, s1  }
0x6: {  	s4 =	rddreg [dreg:$0x2];
	s3 =	simm.s32 $0x0;
	s7 =	smul.u32 $0x1C0000, s5  }
0x7: {  	s4 =	sadd.s32 $0x400, s4;
	s9 =	smul.u32 $0x38000, s5;
	s5 =	sshll.u32 s5, $0xB  }
0x8: {  	[smem:$0x7FF] =	sst s3;
	s13 =	sadd.s32 s10, s4;
	s0 =	sadd.s32 s0, s5  }
0x9: {  	_ =	strace $0x80000047;
	s1 =	sadd.s32 s1, s13;
	[dreg:$0xc] =	wrdreg s0  }
0xa: {  	s7 =	sshrl.u32 s7, $0x3;
	s14 =	sadd.s32 s4, s9;
	[dreg:$0x4] =	wrdreg s1  }
0xb: {  	s7 =	sadd.s32 s4, s7;
	[dreg:$0xb] =	wrdreg s14;
	s15 =	sadd.s32 $0x600, s14  }
0xc: {  	[dreg:$0xd] =	wrdreg s15;
	s16 =	sadd.s32 $0x34F00, s7  }
0xd: {  	s17 =	sadd.s32 $0x35500, s7;
	[dreg:$0xe] =	wrdreg s16  }
0xe: {  	s28 =	simm.s32 $0xE000;
	s18 =	sadd.s32 $0x35600, s7;
	[dreg:$0xf] =	wrdreg s17  }
0xf: {  	s31 =	simm.s32 $0x10800;
	s19 =	sadd.s32 $0x35C00, s7;
	[dreg:$0x10] =	wrdreg s18  }
0x10: {  	s30 =	simm.s32 $0x14000;
	s20 =	sadd.s32 $0x35D00, s7;
	[dreg:$0x11] =	wrdreg s19  }
0x11: {  	s29 =	simm.s32 $0xA;
	s21 =	sadd.s32 $0x36300, s7;
	[dreg:$0x12] =	wrdreg s20  }
0x12: {  	s8 =	sshrl.u32 s6, $0x1;
	s23 =	sadd.s32 $0x36400, s7;
	[dreg:$0x13] =	wrdreg s21  }
0x13: {  	s10 =	simm.s32 $0xC800;
	s24 =	sadd.s32 $0x36A00, s7;
	[dreg:$0x14] =	wrdreg s23  }
0x14: {  	s6 =	ssub.s32 s6, s8;
	s26 =	sadd.s32 $0x36B00, s7;
	[dreg:$0x15] =	wrdreg s24  }
0x15: {  	s8 =	simm.s32 $0xC000;
	s9 =	sadd.s32 $0x37100, s7;
	[dreg:$0x16] =	wrdreg s26  }
0x16: {  	s13 =	simm.s32 $0x10000;
	s11 =	sadd.s32 $0x37200, s7;
	[dreg:$0x17] =	wrdreg s9  }
0x17: {  	s0 =	sadd.s32 s25, s22;
	s12 =	sadd.s32 $0x37800, s7;
	[dreg:$0x18] =	wrdreg s11  }
0x18: {  	s14 =	sor.u32 $0x18000, s0;
	s15 =	sadd.s32 $0x37900, s7;
	[dreg:$0x19] =	wrdreg s12  }
0x19: {  	s22 =	sor.u32 $0xD800, s0;
	s7 =	sadd.s32 $0x37F00, s7;
	[dreg:$0x1a] =	wrdreg s15  }
0x1a: {  	s16 =	sshrl.u32 s14, $0x3;
	s18 =	sor.u32 $0x6800, s0;
	s20 =	sor.u32 $0xA000, s0  }
0x1b: {  	[dreg:$0x1b] =	wrdreg s7;
	s23 =	sshrl.u32 s22, $0x3;
	s24 =	sor.u32 $0x11000, s0  }
0x1c: {  	s0 =	sor.u32 $0x14800, s0;
	s26 =	smax.u32 s6, $0x1;
	s12 =	simm.s32 $0xD000  }
0x1d: {  	s11 =	simm.s32 $0xD800;
	s9 =	simm.s32 $0x11000;
	s22 =	simm.s32 $0x13000  }
0x1e: {  	s15 =	simm.s32 $0x9;
	s14 =	simm.s32 $0xB;
	s7 =	simm.s32 $0xC  }
0x1f: {  	s6 =	simm.s32 $0x0;
	s17 =	sadd.s32 s16, s4;
	s19 =	sshrl.u32 s18, $0x3  }
0x20: {  	s5 =	sshrl.u32 s20, $0x3;
	s0 =	sshrl.u32 s0, $0x3;
	[dreg:$0x1c] =	wrdreg s26  }
0x21: {  	s20 =	simm.s32 $0xF000;
	s26 =	simm.s32 $0x1B000;
	s16 =	simm.s32 $0x2  }
0x22: {  	s18 =	simm.s32 $0x7;
	[dreg:$0x5] =	wrdreg s17;
	s1 =	sadd.s32 s19, s4  }
0x23: {  	s21 =	sadd.s32 s5, s4;
	s5 =	sshrl.u32 s24, $0x3;
	s0 =	sadd.s32 s0, s4  }
0x24: {  	s19 =	simm.s32 $0x11800;
	s17 =	simm.s32 $0x18000;
	[dreg:$0x6] =	wrdreg s1  }
0x25: {  	s24 =	simm.s32 $0x8;
	[dreg:$0x7] =	wrdreg s21;
	s1 =	sadd.s32 s23, s4  }
0x26: {  	v2 =	vlaneseq.u32;
	s25 =	sadd.s32 s5, s4;
	[dreg:$0xa] =	wrdreg s0;
	s23 =	simm.s32 $0x8000  }
0x27: {  	vm0 =	vmmov $0xffff;
	v1 =	vshrl.u32 v2, $0x3;
	s4 =	simm.s32 $0xE800;
	s5 =	simm.s32 $0x1B800;
	[dreg:$0x8] =	wrdreg s1  }
0x28: {  	v0 =	vand.u32 $0x7, v2;
	v2 =	vor.u32 $0x8, v2;
	v1 =	vmul.u32 $0x8, v1;
	[dreg:$0x9] =	wrdreg s25;
	s1 =	simm.s32 $0xF800;
	s25 =	simm.s32 $0x17000  }
.LBB2_1:
0x29: {  	[dreg:$0x1d] =	wrdreg s6  }
0x2a: {  	s0 =	rddreg [dreg:$0xc];
	s6 =	simm.s32 $0xD  }
0x2b: {  	[tilespmem:s3], [sflag:$0xD] =	stream.linear.gather [hbm4b:s0+s3], $0x4000, $0x38;
	[tilespmem:$0x1C000] =	vst v63  }
0x2c: {  	_ =	swait.ge [sflag:s6], $0x4000  }
0x2d: {  	[sflag:s6] =	ssyncset.done $0x0  }
0x2e: {  	[sflag:s6] =	ssyncadd.s32 $0xFFFFC000  }
0x2f: {  	v3 =	vld [tilespmem:$0x0];
	_ =	sdelay $0x4  }
0x30: {  	v4 =	vshll.u32 v3, $0x1  }
0x31: {  	v3 =	vand.u32 $0x7, v3;
	v4 =	vand.u32 $0xFFFFFFF0, v4  }
0x32: {  	v3 =	vor.u32 v3, v4  }
0x33: {  	v4 =	vperm.xlane v3, v0;
	_ =	sdelay $0x1  }
0x34: {  	v3 =	vperm.xlane v3, v2;
	v4 =	vadd.s32 v1, v4;
	_ =	sdelay $0x1  }
0x35: {  	v3 =	vadd.s32 v1, v3;
	_ =	sdelay $0x1  }
0x36: {  	s6 =	simm.s32 $0x4000  }
0x37: {  	[tilespmem:s6], [sflag:$0x1] =	stream.indirect_vreg.gather [hbm4b:s2+s3], $0x80, v4, vm0, $0xb8;
	[tilespmem:$0x1C000] =	vst v63  }
0x38: {  	s21 =	simm.s32 $0x4800  }
0x39: {  	[tilespmem:s21], [sflag:$0x1] =	stream.indirect_vreg.gather [hbm4b:s2+s3], $0x80, v3, vm0, $0xb8;
	[tilespmem:$0x1C000] =	vst v63  }
0x3a: {  	v3 =	vld [tilespmem:$0x10];
	_ =	sdelay $0x4  }
0x3b: {  	v41 =	vshll.u32 v3, $0x1  }
0x3c: {  	v3 =	vand.u32 $0x7, v3;
	v4 =	vand.u32 $0xFFFFFFF0, v41  }
0x3d: {  	v3 =	vor.u32 v3, v4  }
0x3e: {  	v4 =	vperm.xlane v3, v0;
	_ =	sdelay $0x1  }
0x3f: {  	v3 =	vperm.xlane v3, v2;
	v4 =	vadd.s32 v1, v4;
	_ =	sdelay $0x1  }
0x40: {  	v3 =	vadd.s32 v1, v3;
	_ =	sdelay $0x1  }
0x41: {  	s21 =	simm.s32 $0x5000  }
0x42: {  	[tilespmem:s21], [sflag:$0x1] =	stream.indirect_vreg.gather [hbm4b:s2+s3], $0x80, v4, vm0, $0xb8;
	[tilespmem:$0x1C000] =	vst v63  }
0x43: {  	s21 =	simm.s32 $0x5800  }
0x44: {  	[tilespmem:s21], [sflag:$0x1] =	stream.indirect_vreg.gather [hbm4b:s2+s3], $0x80, v3, vm0, $0xb8;
	[tilespmem:$0x1C000] =	vst v63  }
0x45: {  	v3 =	vld [tilespmem:$0x20];
	_ =	sdelay $0x4  }
0x46: {  	v42 =	vshll.u32 v3, $0x1  }
0x47: {  	v3 =	vand.u32 $0x7, v3;
	v4 =	vand.u32 $0xFFFFFFF0, v42  }
0x48: {  	v3 =	vor.u32 v3, v4  }
0x49: {  	v4 =	vperm.xlane v3, v0;
	_ =	sdelay $0x1  }
0x4a: {  	v3 =	vperm.xlane v3, v2;
	v4 =	vadd.s32 v1, v4;
	_ =	sdelay $0x1  }
0x4b: {  	v3 =	vadd.s32 v1, v3;
	_ =	sdelay $0x1  }
0x4c: {  	s21 =	simm.s32 $0x6000  }
0x4d: {  	[tilespmem:s21], [sflag:$0x1] =	stream.indirect_vreg.gather [hbm4b:s2+s3], $0x80, v4, vm0, $0xb8;
	[tilespmem:$0x1C000] =	vst v63  }
0x4e: {  	s21 =	simm.s32 $0x6800  }
0x4f: {  	[tilespmem:s21], [sflag:$0x1] =	stream.indirect_vreg.gather [hbm4b:s2+s3], $0x80, v3, vm0, $0xb8;
	[tilespmem:$0x1C000] =	vst v63  }
0x50: {  	v3 =	vld [tilespmem:$0x30];
	_ =	sdelay $0x4  }
0x51: {  	v43 =	vshll.u32 v3, $0x1  }
0x52: {  	v3 =	vand.u32 $0x7, v3;
	v4 =	vand.u32 $0xFFFFFFF0, v43  }
0x53: {  	v3 =	vor.u32 v3, v4  }
0x54: {  	v4 =	vperm.xlane v3, v0;
	_ =	sdelay $0x1  }
0x55: {  	v3 =	vperm.xlane v3, v2;
	v4 =	vadd.s32 v1, v4;
	_ =	sdelay $0x1  }
0x56: {  	v3 =	vadd.s32 v1, v3;
	_ =	sdelay $0x1  }
0x57: {  	s21 =	simm.s32 $0x7000  }
0x58: {  	[tilespmem:s21], [sflag:$0x1] =	stream.indirect_vreg.gather [hbm4b:s2+s3], $0x80, v4, vm0, $0xb8;
	[tilespmem:$0x1C000] =	vst v63  }
0x59: {  	s0 =	simm.s32 $0x7800  }
0x5a: {  	[tilespmem:s0], [sflag:$0x1] =	stream.indirect_vreg.gather [hbm4b:s2+s3], $0x80, v3, vm0, $0xb8;
	[tilespmem:$0x1C000] =	vst v63  }
0x5b: {  	v3 =	vld [tilespmem:$0x80];
	_ =	sdelay $0x4  }
0x5c: {  	v44 =	vshll.u32 v3, $0x1  }
0x5d: {  	v3 =	vand.u32 $0x7, v3;
	v4 =	vand.u32 $0xFFFFFFF0, v44  }
0x5e: {  	v3 =	vor.u32 v3, v4  }
0x5f: {  	v4 =	vperm.xlane v3, v0;
	_ =	sdelay $0x1  }
0x60: {  	v3 =	vperm.xlane v3, v2;
	v4 =	vadd.s32 v1, v4;
	_ =	sdelay $0x1  }
0x61: {  	v3 =	vadd.s32 v1, v3;
	_ =	sdelay $0x2  }
0x62: {  	[tilespmem:s23], [sflag:$0x2] =	stream.indirect_vreg.gather [hbm4b:s2+s3], $0x80, v4, vm0, $0xb8;
	[tilespmem:$0x1C000] =	vst v63  }
0x63: {  	s23 =	simm.s32 $0x8800  }
0x64: {  	[tilespmem:s23], [sflag:$0x2] =	stream.indirect_vreg.gather [hbm4b:s2+s3], $0x80, v3, vm0, $0xb8;
	[tilespmem:$0x1C000] =	vst v63  }
0x65: {  	v3 =	vld [tilespmem:$0x90];
	_ =	sdelay $0x4  }
0x66: {  	v45 =	vshll.u32 v3, $0x1  }
0x67: {  	v3 =	vand.u32 $0x7, v3;
	v4 =	vand.u32 $0xFFFFFFF0, v45  }
0x68: {  	v3 =	vor.u32 v3, v4  }
0x69: {  	v4 =	vperm.xlane v3, v0;
	_ =	sdelay $0x1  }
0x6a: {  	v3 =	vperm.xlane v3, v2;
	v4 =	vadd.s32 v1, v4;
	_ =	sdelay $0x1  }
0x6b: {  	v3 =	vadd.s32 v1, v3;
	_ =	sdelay $0x1  }
0x6c: {  	s23 =	simm.s32 $0x9000  }
0x6d: {  	[tilespmem:s23], [sflag:$0x2] =	stream.indirect_vreg.gather [hbm4b:s2+s3], $0x80, v4, vm0, $0xb8;
	[tilespmem:$0x1C000] =	vst v63  }
0x6e: {  	s23 =	simm.s32 $0x9800  }
0x6f: {  	[tilespmem:s23], [sflag:$0x2] =	stream.indirect_vreg.gather [hbm4b:s2+s3], $0x80, v3, vm0, $0xb8;
	[tilespmem:$0x1C000] =	vst v63  }
0x70: {  	v3 =	vld [tilespmem:$0xA0];
	_ =	sdelay $0x4  }
0x71: {  	v46 =	vshll.u32 v3, $0x1  }
0x72: {  	v3 =	vand.u32 $0x7, v3;
	v4 =	vand.u32 $0xFFFFFFF0, v46  }
0x73: {  	v3 =	vor.u32 v3, v4  }
0x74: {  	v4 =	vperm.xlane v3, v0;
	_ =	sdelay $0x1  }
0x75: {  	v3 =	vperm.xlane v3, v2;
	v4 =	vadd.s32 v1, v4;
	_ =	sdelay $0x1  }
0x76: {  	v3 =	vadd.s32 v1, v3;
	_ =	sdelay $0x1  }
0x77: {  	s23 =	simm.s32 $0xA000  }
0x78: {  	[tilespmem:s23], [sflag:$0x2] =	stream.indirect_vreg.gather [hbm4b:s2+s3], $0x80, v4, vm0, $0xb8;
	[tilespmem:$0x1C000] =	vst v63  }
0x79: {  	s23 =	simm.s32 $0xA800  }
0x7a: {  	[tilespmem:s23], [sflag:$0x2] =	stream.indirect_vreg.gather [hbm4b:s2+s3], $0x80, v3, vm0, $0xb8;
	[tilespmem:$0x1C000] =	vst v63  }
0x7b: {  	v3 =	vld [tilespmem:$0xB0];
	_ =	sdelay $0x4  }
0x7c: {  	v47 =	vshll.u32 v3, $0x1  }
0x7d: {  	v3 =	vand.u32 $0x7, v3;
	v4 =	vand.u32 $0xFFFFFFF0, v47  }
0x7e: {  	v3 =	vor.u32 v3, v4  }
0x7f: {  	v4 =	vperm.xlane v3, v0;
	_ =	sdelay $0x1  }
0x80: {  	v3 =	vperm.xlane v3, v2;
	v4 =	vadd.s32 v1, v4;
	_ =	sdelay $0x1  }
0x81: {  	v3 =	vadd.s32 v1, v3;
	_ =	sdelay $0x1  }
0x82: {  	s23 =	simm.s32 $0xB000  }
0x83: {  	[tilespmem:s23], [sflag:$0x2] =	stream.indirect_vreg.gather [hbm4b:s2+s3], $0x80, v4, vm0, $0xb8;
	[tilespmem:$0x1C000] =	vst v63  }
0x84: {  	s23 =	simm.s32 $0xB800  }
0x85: {  	[tilespmem:s23], [sflag:$0x2] =	stream.indirect_vreg.gather [hbm4b:s2+s3], $0x80, v3, vm0, $0xb8;
	[tilespmem:$0x1C000] =	vst v63  }
0x86: {  	v3 =	vld [tilespmem:$0x100];
	_ =	sdelay $0x4  }
0x87: {  	v48 =	vshll.u32 v3, $0x1  }
0x88: {  	v3 =	vand.u32 $0x7, v3;
	v4 =	vand.u32 $0xFFFFFFF0, v48  }
0x89: {  	v3 =	vor.u32 v3, v4  }
0x8a: {  	v4 =	vperm.xlane v3, v0;
	_ =	sdelay $0x1  }
0x8b: {  	v3 =	vperm.xlane v3, v2;
	v4 =	vadd.s32 v1, v4;
	_ =	sdelay $0x1  }
0x8c: {  	v3 =	vadd.s32 v1, v3;
	_ =	sdelay $0x2  }
0x8d: {  	[tilespmem:s8], [sflag:$0x3] =	stream.indirect_vreg.gather [hbm4b:s2+s3], $0x80, v4, vm0, $0xb8;
	[tilespmem:$0x1C000] =	vst v63  }
0x8e: {  	_ = 	snop  }
0x8f: {  	[tilespmem:s10], [sflag:$0x3] =	stream.indirect_vreg.gather [hbm4b:s2+s3], $0x80, v3, vm0, $0xb8;
	[tilespmem:$0x1C000] =	vst v63  }
0x90: {  	v3 =	vld [tilespmem:$0x110];
	_ =	sdelay $0x4  }
0x91: {  	v49 =	vshll.u32 v3, $0x1  }
0x92: {  	v3 =	vand.u32 $0x7, v3;
	v4 =	vand.u32 $0xFFFFFFF0, v49  }
0x93: {  	v3 =	vor.u32 v3, v4  }
0x94: {  	v4 =	vperm.xlane v3, v0;
	_ =	sdelay $0x1  }
0x95: {  	v3 =	vperm.xlane v3, v2;
	v4 =	vadd.s32 v1, v4;
	_ =	sdelay $0x1  }
0x96: {  	v3 =	vadd.s32 v1, v3;
	_ =	sdelay $0x2  }
0x97: {  	[tilespmem:s12], [sflag:$0x3] =	stream.indirect_vreg.gather [hbm4b:s2+s3], $0x80, v4, vm0, $0xb8;
	[tilespmem:$0x1C000] =	vst v63  }
0x98: {  	_ = 	snop  }
0x99: {  	[tilespmem:s11], [sflag:$0x3] =	stream.indirect_vreg.gather [hbm4b:s2+s3], $0x80, v3, vm0, $0xb8;
	[tilespmem:$0x1C000] =	vst v63  }
0x9a: {  	v3 =	vld [tilespmem:$0x120];
	_ =	sdelay $0x4  }
0x9b: {  	v50 =	vshll.u32 v3, $0x1  }
0x9c: {  	v3 =	vand.u32 $0x7, v3;
	v4 =	vand.u32 $0xFFFFFFF0, v50  }
0x9d: {  	v3 =	vor.u32 v3, v4  }
0x9e: {  	v4 =	vperm.xlane v3, v0;
	_ =	sdelay $0x1  }
0x9f: {  	v3 =	vperm.xlane v3, v2;
	v4 =	vadd.s32 v1, v4;
	_ =	sdelay $0x1  }
0xa0: {  	v3 =	vadd.s32 v1, v3;
	_ =	sdelay $0x2  }
0xa1: {  	[tilespmem:s28], [sflag:$0x3] =	stream.indirect_vreg.gather [hbm4b:s2+s3], $0x80, v4, vm0, $0xb8;
	[tilespmem:$0x1C000] =	vst v63  }
0xa2: {  	_ = 	snop  }
0xa3: {  	[tilespmem:s4], [sflag:$0x3] =	stream.indirect_vreg.gather [hbm4b:s2+s3], $0x80, v3, vm0, $0xb8;
	[tilespmem:$0x1C000] =	vst v63  }
0xa4: {  	v3 =	vld [tilespmem:$0x130];
	_ =	sdelay $0x4  }
0xa5: {  	v51 =	vshll.u32 v3, $0x1  }
0xa6: {  	v3 =	vand.u32 $0x7, v3;
	v4 =	vand.u32 $0xFFFFFFF0, v51  }
0xa7: {  	v3 =	vor.u32 v3, v4  }
0xa8: {  	v4 =	vperm.xlane v3, v0;
	_ =	sdelay $0x1  }
0xa9: {  	v3 =	vperm.xlane v3, v2;
	v4 =	vadd.s32 v1, v4;
	_ =	sdelay $0x1  }
0xaa: {  	v3 =	vadd.s32 v1, v3;
	_ =	sdelay $0x2  }
0xab: {  	[tilespmem:s20], [sflag:$0x3] =	stream.indirect_vreg.gather [hbm4b:s2+s3], $0x80, v4, vm0, $0xb8;
	[tilespmem:$0x1C000] =	vst v63  }
0xac: {  	_ = 	snop  }
0xad: {  	[tilespmem:s1], [sflag:$0x3] =	stream.indirect_vreg.gather [hbm4b:s2+s3], $0x80, v3, vm0, $0xb8;
	[tilespmem:$0x1C000] =	vst v63  }
0xae: {  	v3 =	vld [tilespmem:$0x180];
	_ =	sdelay $0x4  }
0xaf: {  	v52 =	vshll.u32 v3, $0x1  }
0xb0: {  	v3 =	vand.u32 $0x7, v3;
	v4 =	vand.u32 $0xFFFFFFF0, v52  }
0xb1: {  	v3 =	vor.u32 v3, v4  }
0xb2: {  	v4 =	vperm.xlane v3, v0;
	_ =	sdelay $0x1  }
0xb3: {  	v3 =	vperm.xlane v3, v2;
	v4 =	vadd.s32 v1, v4;
	_ =	sdelay $0x1  }
0xb4: {  	v3 =	vadd.s32 v1, v3;
	_ =	sdelay $0x2  }
0xb5: {  	[tilespmem:s13], [sflag:$0x4] =	stream.indirect_vreg.gather [hbm4b:s2+s3], $0x80, v4, vm0, $0xb8;
	[tilespmem:$0x1C000] =	vst v63  }
0xb6: {  	_ = 	snop  }
0xb7: {  	[tilespmem:s31], [sflag:$0x4] =	stream.indirect_vreg.gather [hbm4b:s2+s3], $0x80, v3, vm0, $0xb8;
	[tilespmem:$0x1C000] =	vst v63  }
0xb8: {  	v3 =	vld [tilespmem:$0x190];
	_ =	sdelay $0x4  }
0xb9: {  	v53 =	vshll.u32 v3, $0x1  }
0xba: {  	v3 =	vand.u32 $0x7, v3;
	v4 =	vand.u32 $0xFFFFFFF0, v53  }
0xbb: {  	v3 =	vor.u32 v3, v4  }
0xbc: {  	v4 =	vperm.xlane v3, v0;
	_ =	sdelay $0x1  }
0xbd: {  	v3 =	vperm.xlane v3, v2;
	v4 =	vadd.s32 v1, v4;
	_ =	sdelay $0x1  }
0xbe: {  	v3 =	vadd.s32 v1, v3;
	_ =	sdelay $0x2  }
0xbf: {  	[tilespmem:s9], [sflag:$0x4] =	stream.indirect_vreg.gather [hbm4b:s2+s3], $0x80, v4, vm0, $0xb8;
	[tilespmem:$0x1C000] =	vst v63  }
0xc0: {  	_ = 	snop  }
0xc1: {  	[tilespmem:s19], [sflag:$0x4] =	stream.indirect_vreg.gather [hbm4b:s2+s3], $0x80, v3, vm0, $0xb8;
	[tilespmem:$0x1C000] =	vst v63  }
0xc2: {  	v3 =	vld [tilespmem:$0x1A0];
	_ =	sdelay $0x4  }
0xc3: {  	v54 =	vshll.u32 v3, $0x1  }
0xc4: {  	v3 =	vand.u32 $0x7, v3;
	v4 =	vand.u32 $0xFFFFFFF0, v54  }
0xc5: {  	v3 =	vor.u32 v3, v4  }
0xc6: {  	v4 =	vperm.xlane v3, v0;
	_ =	sdelay $0x1  }
0xc7: {  	v3 =	vperm.xlane v3, v2;
	v4 =	vadd.s32 v1, v4;
	_ =	sdelay $0x1  }
0xc8: {  	v3 =	vadd.s32 v1, v3;
	_ =	sdelay $0x1  }
0xc9: {  	s20 =	simm.s32 $0x12000  }
0xca: {  	[tilespmem:s20], [sflag:$0x4] =	stream.indirect_vreg.gather [hbm4b:s2+s3], $0x80, v4, vm0, $0xb8;
	[tilespmem:$0x1C000] =	vst v63  }
0xcb: {  	s23 =	simm.s32 $0x12800  }
0xcc: {  	[tilespmem:s23], [sflag:$0x4] =	stream.indirect_vreg.gather [hbm4b:s2+s3], $0x80, v3, vm0, $0xb8;
	[tilespmem:$0x1C000] =	vst v63  }
0xcd: {  	v3 =	vld [tilespmem:$0x1B0];
	_ =	sdelay $0x4  }
0xce: {  	v55 =	vshll.u32 v3, $0x1  }
0xcf: {  	v3 =	vand.u32 $0x7, v3;
	v4 =	vand.u32 $0xFFFFFFF0, v55  }
0xd0: {  	v3 =	vor.u32 v3, v4  }
0xd1: {  	v4 =	vperm.xlane v3, v0;
	_ =	sdelay $0x1  }
0xd2: {  	v3 =	vperm.xlane v3, v2;
	v4 =	vadd.s32 v1, v4;
	_ =	sdelay $0x1  }
0xd3: {  	v3 =	vadd.s32 v1, v3;
	_ =	sdelay $0x2  }
0xd4: {  	[tilespmem:s22], [sflag:$0x4] =	stream.indirect_vreg.gather [hbm4b:s2+s3], $0x80, v4, vm0, $0xb8;
	[tilespmem:$0x1C000] =	vst v63  }
0xd5: {  	s31 =	simm.s32 $0x13800  }
0xd6: {  	[tilespmem:s31], [sflag:$0x4] =	stream.indirect_vreg.gather [hbm4b:s2+s3], $0x80, v3, vm0, $0xb8;
	[tilespmem:$0x1C000] =	vst v63  }
0xd7: {  	v3 =	vld [tilespmem:$0x200];
	_ =	sdelay $0x4  }
0xd8: {  	v56 =	vshll.u32 v3, $0x1  }
0xd9: {  	v3 =	vand.u32 $0x7, v3;
	v4 =	vand.u32 $0xFFFFFFF0, v56  }
0xda: {  	v3 =	vor.u32 v3, v4  }
0xdb: {  	v4 =	vperm.xlane v3, v0;
	_ =	sdelay $0x1  }
0xdc: {  	v3 =	vperm.xlane v3, v2;
	v4 =	vadd.s32 v1, v4;
	_ =	sdelay $0x1  }
0xdd: {  	v3 =	vadd.s32 v1, v3;
	_ =	sdelay $0x2  }
0xde: {  	[tilespmem:s30], [sflag:$0x5] =	stream.indirect_vreg.gather [hbm4b:s2+s3], $0x80, v4, vm0, $0xb8;
	[tilespmem:$0x1C000] =	vst v63  }
0xdf: {  	s1 =	simm.s32 $0x14800  }
0xe0: {  	[tilespmem:s1], [sflag:$0x5] =	stream.indirect_vreg.gather [hbm4b:s2+s3], $0x80, v3, vm0, $0xb8;
	[tilespmem:$0x1C000] =	vst v63  }
0xe1: {  	v3 =	vld [tilespmem:$0x210];
	_ =	sdelay $0x4  }
0xe2: {  	v57 =	vshll.u32 v3, $0x1  }
0xe3: {  	v3 =	vand.u32 $0x7, v3;
	v4 =	vand.u32 $0xFFFFFFF0, v57  }
0xe4: {  	v3 =	vor.u32 v3, v4  }
0xe5: {  	v4 =	vperm.xlane v3, v0;
	_ =	sdelay $0x1  }
0xe6: {  	v3 =	vperm.xlane v3, v2;
	v4 =	vadd.s32 v1, v4;
	_ =	sdelay $0x1  }
0xe7: {  	v3 =	vadd.s32 v1, v3;
	_ =	sdelay $0x1  }
0xe8: {  	s4 =	simm.s32 $0x15000  }
0xe9: {  	[tilespmem:s4], [sflag:$0x5] =	stream.indirect_vreg.gather [hbm4b:s2+s3], $0x80, v4, vm0, $0xb8;
	[tilespmem:$0x1C000] =	vst v63  }
0xea: {  	s8 =	simm.s32 $0x15800  }
0xeb: {  	[tilespmem:s8], [sflag:$0x5] =	stream.indirect_vreg.gather [hbm4b:s2+s3], $0x80, v3, vm0, $0xb8;
	[tilespmem:$0x1C000] =	vst v63  }
0xec: {  	v3 =	vld [tilespmem:$0x220];
	_ =	sdelay $0x4  }
0xed: {  	v58 =	vshll.u32 v3, $0x1  }
0xee: {  	v3 =	vand.u32 $0x7, v3;
	v4 =	vand.u32 $0xFFFFFFF0, v58  }
0xef: {  	v3 =	vor.u32 v3, v4  }
0xf0: {  	v4 =	vperm.xlane v3, v0;
	_ =	sdelay $0x1  }
0xf1: {  	v3 =	vperm.xlane v3, v2;
	v4 =	vadd.s32 v1, v4;
	_ =	sdelay $0x1  }
0xf2: {  	v3 =	vadd.s32 v1, v3;
	_ =	sdelay $0x1  }
0xf3: {  	s9 =	simm.s32 $0x16000  }
0xf4: {  	[tilespmem:s9], [sflag:$0x5] =	stream.indirect_vreg.gather [hbm4b:s2+s3], $0x80, v4, vm0, $0xb8;
	[tilespmem:$0x1C000] =	vst v63  }
0xf5: {  	s10 =	simm.s32 $0x16800  }
0xf6: {  	[tilespmem:s10], [sflag:$0x5] =	stream.indirect_vreg.gather [hbm4b:s2+s3], $0x80, v3, vm0, $0xb8;
	[tilespmem:$0x1C000] =	vst v63  }
0xf7: {  	v3 =	vld [tilespmem:$0x230];
	_ =	sdelay $0x4  }
0xf8: {  	v59 =	vshll.u32 v3, $0x1  }
0xf9: {  	v3 =	vand.u32 $0x7, v3;
	v4 =	vand.u32 $0xFFFFFFF0, v59  }
0xfa: {  	v3 =	vor.u32 v3, v4  }
0xfb: {  	v4 =	vperm.xlane v3, v0;
	_ =	sdelay $0x1  }
0xfc: {  	v3 =	vperm.xlane v3, v2;
	v4 =	vadd.s32 v1, v4;
	_ =	sdelay $0x1  }
0xfd: {  	v3 =	vadd.s32 v1, v3;
	_ =	sdelay $0x2  }
0xfe: {  	[tilespmem:s25], [sflag:$0x5] =	stream.indirect_vreg.gather [hbm4b:s2+s3], $0x80, v4, vm0, $0xb8;
	[tilespmem:$0x1C000] =	vst v63  }
0xff: {  	s12 =	simm.s32 $0x1;
	s11 =	simm.s32 $0x17800  }
0x100: {  	[tilespmem:s11], [sflag:$0x5] =	stream.indirect_vreg.gather [hbm4b:s2+s3], $0x80, v3, vm0, $0xb8;
	[tilespmem:$0x1C000] =	vst v63  }
0x101: {  	_ =	swait.ge [sflag:s12], $0x4000  }
0x102: {  	[sflag:s12] =	ssyncset.done $0x0  }
0x103: {  	s13 =	rddreg [dreg:$0xb];
	[sflag:s12] =	ssyncadd.s32 $0xFFFFC000  }
0x104: {  	[hbm4b:s13+s3] =	stream.linear.scatter [tilespmem:s6], [sflag:$0x7], $0x3000, $0x38;
	[tilespmem:$0x1C000] =	vst v63  }
0x105: {  	s19 =	rddreg [dreg:$0xd]  }
0x106: {  	[hbm4b:s19+s3] =	stream.linear.scatter [tilespmem:s21], [sflag:$0x7], $0x100, $0x38;
	[tilespmem:$0x1C000] =	vst v63  }
0x107: {  	s20 =	sadd.s32 $0x80, s19;
	s21 =	simm.s32 $0x7400  }
0x108: {  	[hbm4b:s20+s3] =	stream.linear.scatter [tilespmem:s21], [sflag:$0x7], $0x100, $0x38;
	[tilespmem:$0x1C000] =	vst v63  }
0x109: {  	v3 =	vld [tilespmem:$0x280];
	_ =	sdelay $0x4  }
0x10a: {  	v60 =	vshll.u32 v3, $0x1  }
0x10b: {  	v3 =	vand.u32 $0x7, v3;
	v4 =	vand.u32 $0xFFFFFFF0, v60  }
0x10c: {  	v3 =	vor.u32 v3, v4  }
0x10d: {  	v4 =	vperm.xlane v3, v0;
	_ =	sdelay $0x1  }
0x10e: {  	v3 =	vperm.xlane v3, v2;
	v4 =	vadd.s32 v1, v4;
	_ =	sdelay $0x1  }
0x10f: {  	v3 =	vadd.s32 v1, v3;
	_ =	sdelay $0x2  }
0x110: {  	[tilespmem:s17], [sflag:$0x6] =	stream.indirect_vreg.gather [hbm4b:s2+s3], $0x80, v4, vm0, $0xb8;
	[tilespmem:$0x1C000] =	vst v63  }
0x111: {  	s22 =	simm.s32 $0x18800  }
0x112: {  	[tilespmem:s22], [sflag:$0x6] =	stream.indirect_vreg.gather [hbm4b:s2+s3], $0x80, v3, vm0, $0xb8;
	[tilespmem:$0x1C000] =	vst v63  }
0x113: {  	v3 =	vld [tilespmem:$0x290];
	_ =	sdelay $0x4  }
0x114: {  	v61 =	vshll.u32 v3, $0x1  }
0x115: {  	v3 =	vand.u32 $0x7, v3;
	v4 =	vand.u32 $0xFFFFFFF0, v61  }
0x116: {  	v3 =	vor.u32 v3, v4  }
0x117: {  	v4 =	vperm.xlane v3, v0;
	_ =	sdelay $0x1  }
0x118: {  	v3 =	vperm.xlane v3, v2;
	v4 =	vadd.s32 v1, v4;
	_ =	sdelay $0x1  }
0x119: {  	v3 =	vadd.s32 v1, v3;
	_ =	sdelay $0x1  }
0x11a: {  	s23 =	simm.s32 $0x19000  }
0x11b: {  	[tilespmem:s23], [sflag:$0x6] =	stream.indirect_vreg.gather [hbm4b:s2+s3], $0x80, v4, vm0, $0xb8;
	[tilespmem:$0x1C000] =	vst v63  }
0x11c: {  	s25 =	simm.s32 $0x19800  }
0x11d: {  	[tilespmem:s25], [sflag:$0x6] =	stream.indirect_vreg.gather [hbm4b:s2+s3], $0x80, v3, vm0, $0xb8;
	[tilespmem:$0x1C000] =	vst v63  }
0x11e: {  	v3 =	vld [tilespmem:$0x2A0];
	_ =	sdelay $0x4  }
0x11f: {  	v62 =	vshll.u32 v3, $0x1  }
0x120: {  	v3 =	vand.u32 $0x7, v3;
	v4 =	vand.u32 $0xFFFFFFF0, v62  }
0x121: {  	v3 =	vor.u32 v3, v4  }
0x122: {  	v4 =	vperm.xlane v3, v0;
	_ =	sdelay $0x1  }
0x123: {  	v3 =	vperm.xlane v3, v2;
	v4 =	vadd.s32 v1, v4;
	_ =	sdelay $0x1  }
0x124: {  	v3 =	vadd.s32 v1, v3;
	_ =	sdelay $0x1  }
0x125: {  	s30 =	simm.s32 $0x1A000  }
0x126: {  	[tilespmem:s30], [sflag:$0x6] =	stream.indirect_vreg.gather [hbm4b:s2+s3], $0x80, v4, vm0, $0xb8;
	[tilespmem:$0x1C000] =	vst v63  }
0x127: {  	s31 =	simm.s32 $0x1A800  }
0x128: {  	[tilespmem:s31], [sflag:$0x6] =	stream.indirect_vreg.gather [hbm4b:s2+s3], $0x80, v3, vm0, $0xb8;
	[tilespmem:$0x1C000] =	vst v63  }
0x129: {  	v3 =	vld [tilespmem:$0x2B0];
	_ =	sdelay $0x4  }
0x12a: {  	v63 =	vshll.u32 v3, $0x1  }
0x12b: {  	v3 =	vand.u32 $0x7, v3;
	v4 =	vand.u32 $0xFFFFFFF0, v63  }
0x12c: {  	v3 =	vor.u32 v3, v4  }
0x12d: {  	v4 =	vperm.xlane v3, v0;
	_ =	sdelay $0x1  }
0x12e: {  	v3 =	vperm.xlane v3, v2;
	v4 =	vadd.s32 v1, v4;
	_ =	sdelay $0x1  }
0x12f: {  	v3 =	vadd.s32 v1, v3;
	_ =	sdelay $0x1  }
0x130: {  	s28 =	simm.s32 $0x0;
	s9 =	simm.s32 $0x3;
	s11 =	simm.s32 $0x5B0  }
0x131: {  	[tilespmem:s26], [sflag:$0x6] =	stream.indirect_vreg.gather [hbm4b:s2+s3], $0x80, v4, vm0, $0xb8;
	[tilespmem:$0x1C000] =	vst v63  }
0x132: {  	s6 =	simm.s32 $0x5;
	s19 =	simm.s32 $0x6;
	s21 =	simm.s32 $0x4  }
0x133: {  	[tilespmem:s5], [sflag:$0x6] =	stream.indirect_vreg.gather [hbm4b:s2+s3], $0x80, v3, vm0, $0xb8;
	[tilespmem:$0x1C000] =	vst v63  }
.LBB2_2:
0x134: {  	_ =	swait.ge [sflag:s16], $0x4000  }
0x135: {  	s10 =	rddreg [dreg:$0x4]  }
0x136: {  	s8 =	simm.s32 $0x8000;
	[sflag:s16] =	ssyncset.done $0x0;
	s10 =	sadd.s32 s28, s10  }
0x137: {  	s25 =	rddreg [dreg:$0x6];
	[sflag:s16] =	ssyncadd.s32 $0xFFFFC000;
	s0 =	sadd.s32 $0x700, s10  }
0x138: {  	[hbm4b:s0+s3] =	stream.linear.scatter [tilespmem:s8], [sflag:$0x8], $0x3000, $0x38;
	[tilespmem:$0x1C000] =	vst v63  }
0x139: {  	s20 =	simm.s32 $0xB000;
	s22 =	sadd.s32 s28, s25  }
0x13a: {  	[hbm4b:s22+s3] =	stream.linear.scatter [tilespmem:s20], [sflag:$0x8], $0x100, $0x38;
	[tilespmem:$0x1C000] =	vst v63  }
0x13b: {  	s1 =	simm.s32 $0xB400;
	s0 =	sadd.s32 $0x80, s22  }
0x13c: {  	[hbm4b:s0+s3] =	stream.linear.scatter [tilespmem:s1], [sflag:$0x8], $0x100, $0x38;
	[tilespmem:$0x1C000] =	vst v63  }
0x13d: {  	_ =	swait.ge [sflag:s18], $0x3000  }
0x13e: {  	[sflag:s18] =	ssyncset.done $0x0  }
0x13f: {  	[sflag:s18] =	ssyncadd.s32 $0xFFFFD000  }
0x140: {  	_ =	swait.ge [sflag:s18], $0x200  }
0x141: {  	[sflag:s18] =	ssyncset.done $0x0  }
0x142: {  	[sflag:s18] =	ssyncadd.s32 $0xFFFFFE00  }
0x143: {  	v3 =	vld [tilespmem:s11+$0xFFFFFD50];
	_ =	sdelay $0x4  }
0x144: {  	v4 =	vshll.u32 v3, $0x1  }
0x145: {  	v3 =	vand.u32 $0x7, v3;
	v4 =	vand.u32 $0xFFFFFFF0, v4  }
0x146: {  	v3 =	vor.u32 v3, v4  }
0x147: {  	v4 =	vperm.xlane v3, v0;
	_ =	sdelay $0x1  }
0x148: {  	v3 =	vperm.xlane v3, v2;
	v4 =	vadd.s32 v1, v4;
	_ =	sdelay $0x1  }
0x149: {  	v3 =	vadd.s32 v1, v3;
	_ =	sdelay $0x1  }
0x14a: {  	s4 =	simm.s32 $0x4000  }
0x14b: {  	[tilespmem:s4], [sflag:$0x1] =	stream.indirect_vreg.gather [hbm4b:s2+s3], $0x80, v4, vm0, $0xb8;
	[tilespmem:$0x1C000] =	vst v63  }
0x14c: {  	s23 =	simm.s32 $0x4800  }
0x14d: {  	[tilespmem:s23], [sflag:$0x1] =	stream.indirect_vreg.gather [hbm4b:s2+s3], $0x80, v3, vm0, $0xb8;
	[tilespmem:$0x1C000] =	vst v63  }
0x14e: {  	v3 =	vld [tilespmem:s11+$0xFFFFFD60];
	_ =	sdelay $0x4  }
0x14f: {  	v41 =	vshll.u32 v3, $0x1  }
0x150: {  	v3 =	vand.u32 $0x7, v3;
	v4 =	vand.u32 $0xFFFFFFF0, v41  }
0x151: {  	v3 =	vor.u32 v3, v4  }
0x152: {  	v4 =	vperm.xlane v3, v0;
	_ =	sdelay $0x1  }
0x153: {  	v3 =	vperm.xlane v3, v2;
	v4 =	vadd.s32 v1, v4;
	_ =	sdelay $0x1  }
0x154: {  	v3 =	vadd.s32 v1, v3;
	_ =	sdelay $0x1  }
0x155: {  	s25 =	simm.s32 $0x5000  }
0x156: {  	[tilespmem:s25], [sflag:$0x1] =	stream.indirect_vreg.gather [hbm4b:s2+s3], $0x80, v4, vm0, $0xb8;
	[tilespmem:$0x1C000] =	vst v63  }
0x157: {  	s26 =	simm.s32 $0x5800  }
0x158: {  	[tilespmem:s26], [sflag:$0x1] =	stream.indirect_vreg.gather [hbm4b:s2+s3], $0x80, v3, vm0, $0xb8;
	[tilespmem:$0x1C000] =	vst v63  }
0x159: {  	v3 =	vld [tilespmem:s11+$0xFFFFFD70];
	_ =	sdelay $0x4  }
0x15a: {  	v42 =	vshll.u32 v3, $0x1  }
0x15b: {  	v3 =	vand.u32 $0x7, v3;
	v4 =	vand.u32 $0xFFFFFFF0, v42  }
0x15c: {  	v3 =	vor.u32 v3, v4  }
0x15d: {  	v4 =	vperm.xlane v3, v0;
	_ =	sdelay $0x1  }
0x15e: {  	v3 =	vperm.xlane v3, v2;
	v4 =	vadd.s32 v1, v4;
	_ =	sdelay $0x1  }
0x15f: {  	v3 =	vadd.s32 v1, v3;
	_ =	sdelay $0x1  }
0x160: {  	s1 =	simm.s32 $0x6000  }
0x161: {  	[tilespmem:s1], [sflag:$0x1] =	stream.indirect_vreg.gather [hbm4b:s2+s3], $0x80, v4, vm0, $0xb8;
	[tilespmem:$0x1C000] =	vst v63  }
0x162: {  	s5 =	simm.s32 $0x6800  }
0x163: {  	[tilespmem:s5], [sflag:$0x1] =	stream.indirect_vreg.gather [hbm4b:s2+s3], $0x80, v3, vm0, $0xb8;
	[tilespmem:$0x1C000] =	vst v63  }
0x164: {  	v3 =	vld [tilespmem:s11+$0xFFFFFD80];
	_ =	sdelay $0x4  }
0x165: {  	v43 =	vshll.u32 v3, $0x1  }
0x166: {  	v3 =	vand.u32 $0x7, v3;
	v4 =	vand.u32 $0xFFFFFFF0, v43  }
0x167: {  	v3 =	vor.u32 v3, v4  }
0x168: {  	v4 =	vperm.xlane v3, v0;
	_ =	sdelay $0x1  }
0x169: {  	v3 =	vperm.xlane v3, v2;
	v4 =	vadd.s32 v1, v4;
	_ =	sdelay $0x1  }
0x16a: {  	v3 =	vadd.s32 v1, v3;
	_ =	sdelay $0x1  }
0x16b: {  	s1 =	simm.s32 $0x7000  }
0x16c: {  	[tilespmem:s1], [sflag:$0x1] =	stream.indirect_vreg.gather [hbm4b:s2+s3], $0x80, v4, vm0, $0xb8;
	[tilespmem:$0x1C000] =	vst v63  }
0x16d: {  	s12 =	simm.s32 $0x7800  }
0x16e: {  	[tilespmem:s12], [sflag:$0x1] =	stream.indirect_vreg.gather [hbm4b:s2+s3], $0x80, v3, vm0, $0xb8;
	[tilespmem:$0x1C000] =	vst v63  }
0x16f: {  	_ =	swait.ge [sflag:s9], $0x4000  }
0x170: {  	s17 =	sadd.s32 $0xE00, s10;
	[sflag:s9] =	ssyncset.done $0x0  }
0x171: {  	s12 =	simm.s32 $0xC000;
	s13 =	rddreg [dreg:$0x7];
	[sflag:s9] =	ssyncadd.s32 $0xFFFFC000  }
0x172: {  	[hbm4b:s17+s3] =	stream.linear.scatter [tilespmem:s12], [sflag:$0x9], $0x3000, $0x38;
	[tilespmem:$0x1C000] =	vst v63  }
0x173: {  	s0 =	sadd.s32 s28, s13;
	s13 =	simm.s32 $0xF000  }
0x174: {  	[hbm4b:s0+s3] =	stream.linear.scatter [tilespmem:s13], [sflag:$0x9], $0x100, $0x38;
	[tilespmem:$0x1C000] =	vst v63  }
0x175: {  	s5 =	simm.s32 $0xF400;
	s0 =	sadd.s32 $0x80, s0  }
0x176: {  	[hbm4b:s0+s3] =	stream.linear.scatter [tilespmem:s5], [sflag:$0x9], $0x100, $0x38;
	[tilespmem:$0x1C000] =	vst v63  }
0x177: {  	_ =	swait.ge [sflag:s24], $0x3000  }
0x178: {  	[sflag:s24] =	ssyncset.done $0x0  }
0x179: {  	[sflag:s24] =	ssyncadd.s32 $0xFFFFD000  }
0x17a: {  	_ =	swait.ge [sflag:s24], $0x200  }
0x17b: {  	[sflag:s24] =	ssyncset.done $0x0  }
0x17c: {  	[sflag:s24] =	ssyncadd.s32 $0xFFFFFE00  }
0x17d: {  	v3 =	vld [tilespmem:s11+$0xFFFFFDD0];
	_ =	sdelay $0x4  }
0x17e: {  	v44 =	vshll.u32 v3, $0x1  }
0x17f: {  	v3 =	vand.u32 $0x7, v3;
	v4 =	vand.u32 $0xFFFFFFF0, v44  }
0x180: {  	v3 =	vor.u32 v3, v4  }
0x181: {  	v4 =	vperm.xlane v3, v0;
	_ =	sdelay $0x1  }
0x182: {  	v3 =	vperm.xlane v3, v2;
	v4 =	vadd.s32 v1, v4;
	_ =	sdelay $0x1  }
0x183: {  	v3 =	vadd.s32 v1, v3;
	_ =	sdelay $0x2  }
0x184: {  	[tilespmem:s8], [sflag:$0x2] =	stream.indirect_vreg.gather [hbm4b:s2+s3], $0x80, v4, vm0, $0xb8;
	[tilespmem:$0x1C000] =	vst v63  }
0x185: {  	s22 =	simm.s32 $0x8800  }
0x186: {  	[tilespmem:s22], [sflag:$0x2] =	stream.indirect_vreg.gather [hbm4b:s2+s3], $0x80, v3, vm0, $0xb8;
	[tilespmem:$0x1C000] =	vst v63  }
0x187: {  	v3 =	vld [tilespmem:s11+$0xFFFFFDE0];
	_ =	sdelay $0x4  }
0x188: {  	v45 =	vshll.u32 v3, $0x1  }
0x189: {  	v3 =	vand.u32 $0x7, v3;
	v4 =	vand.u32 $0xFFFFFFF0, v45  }
0x18a: {  	v3 =	vor.u32 v3, v4  }
0x18b: {  	v4 =	vperm.xlane v3, v0;
	_ =	sdelay $0x1  }
0x18c: {  	v3 =	vperm.xlane v3, v2;
	v4 =	vadd.s32 v1, v4;
	_ =	sdelay $0x1  }
0x18d: {  	v3 =	vadd.s32 v1, v3;
	_ =	sdelay $0x1  }
0x18e: {  	s23 =	simm.s32 $0x9000  }
0x18f: {  	[tilespmem:s23], [sflag:$0x2] =	stream.indirect_vreg.gather [hbm4b:s2+s3], $0x80, v4, vm0, $0xb8;
	[tilespmem:$0x1C000] =	vst v63  }
0x190: {  	s25 =	simm.s32 $0x9800  }
0x191: {  	[tilespmem:s25], [sflag:$0x2] =	stream.indirect_vreg.gather [hbm4b:s2+s3], $0x80, v3, vm0, $0xb8;
	[tilespmem:$0x1C000] =	vst v63  }
0x192: {  	v3 =	vld [tilespmem:s11+$0xFFFFFDF0];
	_ =	sdelay $0x4  }
0x193: {  	v46 =	vshll.u32 v3, $0x1  }
0x194: {  	v3 =	vand.u32 $0x7, v3;
	v4 =	vand.u32 $0xFFFFFFF0, v46  }
0x195: {  	v3 =	vor.u32 v3, v4  }
0x196: {  	v4 =	vperm.xlane v3, v0;
	_ =	sdelay $0x1  }
0x197: {  	v3 =	vperm.xlane v3, v2;
	v4 =	vadd.s32 v1, v4;
	_ =	sdelay $0x1  }
0x198: {  	v3 =	vadd.s32 v1, v3;
	_ =	sdelay $0x1  }
0x199: {  	s26 =	simm.s32 $0xA000  }
0x19a: {  	[tilespmem:s26], [sflag:$0x2] =	stream.indirect_vreg.gather [hbm4b:s2+s3], $0x80, v4, vm0, $0xb8;
	[tilespmem:$0x1C000] =	vst v63  }
0x19b: {  	s5 =	simm.s32 $0xA800  }
0x19c: {  	[tilespmem:s5], [sflag:$0x2] =	stream.indirect_vreg.gather [hbm4b:s2+s3], $0x80, v3, vm0, $0xb8;
	[tilespmem:$0x1C000] =	vst v63  }
0x19d: {  	v3 =	vld [tilespmem:s11+$0xFFFFFE00];
	_ =	sdelay $0x4  }
0x19e: {  	v47 =	vshll.u32 v3, $0x1  }
0x19f: {  	v3 =	vand.u32 $0x7, v3;
	v4 =	vand.u32 $0xFFFFFFF0, v47  }
0x1a0: {  	v3 =	vor.u32 v3, v4  }
0x1a1: {  	v4 =	vperm.xlane v3, v0;
	_ =	sdelay $0x1  }
0x1a2: {  	v3 =	vperm.xlane v3, v2;
	v4 =	vadd.s32 v1, v4;
	_ =	sdelay $0x1  }
0x1a3: {  	v3 =	vadd.s32 v1, v3;
	_ =	sdelay $0x2  }
0x1a4: {  	[tilespmem:s20], [sflag:$0x2] =	stream.indirect_vreg.gather [hbm4b:s2+s3], $0x80, v4, vm0, $0xb8;
	[tilespmem:$0x1C000] =	vst v63  }
0x1a5: {  	s8 =	simm.s32 $0xB800  }
0x1a6: {  	[tilespmem:s8], [sflag:$0x2] =	stream.indirect_vreg.gather [hbm4b:s2+s3], $0x80, v3, vm0, $0xb8;
	[tilespmem:$0x1C000] =	vst v63  }
0x1a7: {  	_ =	swait.ge [sflag:s21], $0x4000  }
0x1a8: {  	s31 =	simm.s32 $0x10000;
	[sflag:s21] =	ssyncset.done $0x0  }
0x1a9: {  	s20 =	sadd.s32 $0x1500, s10;
	s17 =	rddreg [dreg:$0x8];
	[sflag:s21] =	ssyncadd.s32 $0xFFFFC000  }
0x1aa: {  	[hbm4b:s20+s3] =	stream.linear.scatter [tilespmem:s31], [sflag:$0xA], $0x3000, $0x38;
	[tilespmem:$0x1C000] =	vst v63  }
0x1ab: {  	s30 =	simm.s32 $0x13000;
	s0 =	sadd.s32 s28, s17  }
0x1ac: {  	[hbm4b:s0+s3] =	stream.linear.scatter [tilespmem:s30], [sflag:$0xA], $0x100, $0x38;
	[tilespmem:$0x1C000] =	vst v63  }
0x1ad: {  	s22 =	simm.s32 $0x13400;
	s0 =	sadd.s32 $0x80, s0  }
0x1ae: {  	[hbm4b:s0+s3] =	stream.linear.scatter [tilespmem:s22], [sflag:$0xA], $0x100, $0x38;
	[tilespmem:$0x1C000] =	vst v63  }
0x1af: {  	_ =	swait.ge [sflag:s15], $0x3000  }
0x1b0: {  	[sflag:s15] =	ssyncset.done $0x0  }
0x1b1: {  	[sflag:s15] =	ssyncadd.s32 $0xFFFFD000  }
0x1b2: {  	_ =	swait.ge [sflag:s15], $0x200  }
0x1b3: {  	[sflag:s15] =	ssyncset.done $0x0  }
0x1b4: {  	[sflag:s15] =	ssyncadd.s32 $0xFFFFFE00  }
0x1b5: {  	v3 =	vld [tilespmem:s11+$0xFFFFFE50];
	_ =	sdelay $0x4  }
0x1b6: {  	v48 =	vshll.u32 v3, $0x1  }
0x1b7: {  	v3 =	vand.u32 $0x7, v3;
	v4 =	vand.u32 $0xFFFFFFF0, v48  }
0x1b8: {  	v3 =	vor.u32 v3, v4  }
0x1b9: {  	v4 =	vperm.xlane v3, v0;
	_ =	sdelay $0x1  }
0x1ba: {  	v3 =	vperm.xlane v3, v2;
	v4 =	vadd.s32 v1, v4;
	_ =	sdelay $0x1  }
0x1bb: {  	v3 =	vadd.s32 v1, v3;
	_ =	sdelay $0x2  }
0x1bc: {  	[tilespmem:s12], [sflag:$0x3] =	stream.indirect_vreg.gather [hbm4b:s2+s3], $0x80, v4, vm0, $0xb8;
	[tilespmem:$0x1C000] =	vst v63  }
0x1bd: {  	s23 =	simm.s32 $0xC800  }
0x1be: {  	[tilespmem:s23], [sflag:$0x3] =	stream.indirect_vreg.gather [hbm4b:s2+s3], $0x80, v3, vm0, $0xb8;
	[tilespmem:$0x1C000] =	vst v63  }
0x1bf: {  	v3 =	vld [tilespmem:s11+$0xFFFFFE60];
	_ =	sdelay $0x4  }
0x1c0: {  	v49 =	vshll.u32 v3, $0x1  }
0x1c1: {  	v3 =	vand.u32 $0x7, v3;
	v4 =	vand.u32 $0xFFFFFFF0, v49  }
0x1c2: {  	v3 =	vor.u32 v3, v4  }
0x1c3: {  	v4 =	vperm.xlane v3, v0;
	_ =	sdelay $0x1  }
0x1c4: {  	v3 =	vperm.xlane v3, v2;
	v4 =	vadd.s32 v1, v4;
	_ =	sdelay $0x1  }
0x1c5: {  	v3 =	vadd.s32 v1, v3;
	_ =	sdelay $0x1  }
0x1c6: {  	s12 =	simm.s32 $0xD000  }
0x1c7: {  	[tilespmem:s12], [sflag:$0x3] =	stream.indirect_vreg.gather [hbm4b:s2+s3], $0x80, v4, vm0, $0xb8;
	[tilespmem:$0x1C000] =	vst v63  }
0x1c8: {  	s25 =	simm.s32 $0xD800  }
0x1c9: {  	[tilespmem:s25], [sflag:$0x3] =	stream.indirect_vreg.gather [hbm4b:s2+s3], $0x80, v3, vm0, $0xb8;
	[tilespmem:$0x1C000] =	vst v63  }
0x1ca: {  	v3 =	vld [tilespmem:s11+$0xFFFFFE70];
	_ =	sdelay $0x4  }
0x1cb: {  	v50 =	vshll.u32 v3, $0x1  }
0x1cc: {  	v3 =	vand.u32 $0x7, v3;
	v4 =	vand.u32 $0xFFFFFFF0, v50  }
0x1cd: {  	v3 =	vor.u32 v3, v4  }
0x1ce: {  	v4 =	vperm.xlane v3, v0;
	_ =	sdelay $0x1  }
0x1cf: {  	v3 =	vperm.xlane v3, v2;
	v4 =	vadd.s32 v1, v4;
	_ =	sdelay $0x1  }
0x1d0: {  	v3 =	vadd.s32 v1, v3;
	_ =	sdelay $0x1  }
0x1d1: {  	s26 =	simm.s32 $0xE000  }
0x1d2: {  	[tilespmem:s26], [sflag:$0x3] =	stream.indirect_vreg.gather [hbm4b:s2+s3], $0x80, v4, vm0, $0xb8;
	[tilespmem:$0x1C000] =	vst v63  }
0x1d3: {  	s5 =	simm.s32 $0xE800  }
0x1d4: {  	[tilespmem:s5], [sflag:$0x3] =	stream.indirect_vreg.gather [hbm4b:s2+s3], $0x80, v3, vm0, $0xb8;
	[tilespmem:$0x1C000] =	vst v63  }
0x1d5: {  	v3 =	vld [tilespmem:s11+$0xFFFFFE80];
	_ =	sdelay $0x4  }
0x1d6: {  	v51 =	vshll.u32 v3, $0x1  }
0x1d7: {  	v3 =	vand.u32 $0x7, v3;
	v4 =	vand.u32 $0xFFFFFFF0, v51  }
0x1d8: {  	v3 =	vor.u32 v3, v4  }
0x1d9: {  	v4 =	vperm.xlane v3, v0;
	_ =	sdelay $0x1  }
0x1da: {  	v3 =	vperm.xlane v3, v2;
	v4 =	vadd.s32 v1, v4;
	_ =	sdelay $0x1  }
0x1db: {  	v3 =	vadd.s32 v1, v3;
	_ =	sdelay $0x2  }
0x1dc: {  	[tilespmem:s13], [sflag:$0x3] =	stream.indirect_vreg.gather [hbm4b:s2+s3], $0x80, v4, vm0, $0xb8;
	[tilespmem:$0x1C000] =	vst v63  }
0x1dd: {  	s13 =	simm.s32 $0xF800  }
0x1de: {  	[tilespmem:s13], [sflag:$0x3] =	stream.indirect_vreg.gather [hbm4b:s2+s3], $0x80, v3, vm0, $0xb8;
	[tilespmem:$0x1C000] =	vst v63  }
0x1df: {  	_ =	swait.ge [sflag:s6], $0x4000  }
0x1e0: {  	s22 =	sadd.s32 $0x1C00, s10;
	[sflag:s6] =	ssyncset.done $0x0  }
0x1e1: {  	s23 =	simm.s32 $0x14000;
	s17 =	rddreg [dreg:$0x9];
	[sflag:s6] =	ssyncadd.s32 $0xFFFFC000  }
0x1e2: {  	[hbm4b:s22+s3] =	stream.linear.scatter [tilespmem:s23], [sflag:$0xB], $0x3000, $0x38;
	[tilespmem:$0x1C000] =	vst v63  }
0x1e3: {  	s0 =	sadd.s32 s28, s17;
	s17 =	simm.s32 $0x17000  }
0x1e4: {  	[hbm4b:s0+s3] =	stream.linear.scatter [tilespmem:s17], [sflag:$0xB], $0x100, $0x38;
	[tilespmem:$0x1C000] =	vst v63  }
0x1e5: {  	s25 =	simm.s32 $0x17400;
	s0 =	sadd.s32 $0x80, s0  }
0x1e6: {  	[hbm4b:s0+s3] =	stream.linear.scatter [tilespmem:s25], [sflag:$0xB], $0x100, $0x38;
	[tilespmem:$0x1C000] =	vst v63  }
0x1e7: {  	_ =	swait.ge [sflag:s29], $0x3000  }
0x1e8: {  	[sflag:s29] =	ssyncset.done $0x0  }
0x1e9: {  	[sflag:s29] =	ssyncadd.s32 $0xFFFFD000  }
0x1ea: {  	_ =	swait.ge [sflag:s29], $0x200  }
0x1eb: {  	[sflag:s29] =	ssyncset.done $0x0  }
0x1ec: {  	[sflag:s29] =	ssyncadd.s32 $0xFFFFFE00  }
0x1ed: {  	v3 =	vld [tilespmem:s11+$0xFFFFFED0];
	_ =	sdelay $0x4  }
0x1ee: {  	v52 =	vshll.u32 v3, $0x1  }
0x1ef: {  	v3 =	vand.u32 $0x7, v3;
	v4 =	vand.u32 $0xFFFFFFF0, v52  }
0x1f0: {  	v3 =	vor.u32 v3, v4  }
0x1f1: {  	v4 =	vperm.xlane v3, v0;
	_ =	sdelay $0x1  }
0x1f2: {  	v3 =	vperm.xlane v3, v2;
	v4 =	vadd.s32 v1, v4;
	_ =	sdelay $0x1  }
0x1f3: {  	v3 =	vadd.s32 v1, v3;
	_ =	sdelay $0x2  }
0x1f4: {  	[tilespmem:s31], [sflag:$0x4] =	stream.indirect_vreg.gather [hbm4b:s2+s3], $0x80, v4, vm0, $0xb8;
	[tilespmem:$0x1C000] =	vst v63  }
0x1f5: {  	s31 =	simm.s32 $0x10800  }
0x1f6: {  	[tilespmem:s31], [sflag:$0x4] =	stream.indirect_vreg.gather [hbm4b:s2+s3], $0x80, v3, vm0, $0xb8;
	[tilespmem:$0x1C000] =	vst v63  }
0x1f7: {  	v3 =	vld [tilespmem:s11+$0xFFFFFEE0];
	_ =	sdelay $0x4  }
0x1f8: {  	v53 =	vshll.u32 v3, $0x1  }
0x1f9: {  	v3 =	vand.u32 $0x7, v3;
	v4 =	vand.u32 $0xFFFFFFF0, v53  }
0x1fa: {  	v3 =	vor.u32 v3, v4  }
0x1fb: {  	v4 =	vperm.xlane v3, v0;
	_ =	sdelay $0x1  }
0x1fc: {  	v3 =	vperm.xlane v3, v2;
	v4 =	vadd.s32 v1, v4;
	_ =	sdelay $0x1  }
0x1fd: {  	v3 =	vadd.s32 v1, v3;
	_ =	sdelay $0x1  }
0x1fe: {  	s26 =	simm.s32 $0x11000  }
0x1ff: {  	[tilespmem:s26], [sflag:$0x4] =	stream.indirect_vreg.gather [hbm4b:s2+s3], $0x80, v4, vm0, $0xb8;
	[tilespmem:$0x1C000] =	vst v63  }
0x200: {  	s5 =	simm.s32 $0x11800  }
0x201: {  	[tilespmem:s5], [sflag:$0x4] =	stream.indirect_vreg.gather [hbm4b:s2+s3], $0x80, v3, vm0, $0xb8;
	[tilespmem:$0x1C000] =	vst v63  }
0x202: {  	v3 =	vld [tilespmem:s11+$0xFFFFFEF0];
	_ =	sdelay $0x4  }
0x203: {  	v54 =	vshll.u32 v3, $0x1  }
0x204: {  	v3 =	vand.u32 $0x7, v3;
	v4 =	vand.u32 $0xFFFFFFF0, v54  }
0x205: {  	v3 =	vor.u32 v3, v4  }
0x206: {  	v4 =	vperm.xlane v3, v0;
	_ =	sdelay $0x1  }
0x207: {  	v3 =	vperm.xlane v3, v2;
	v4 =	vadd.s32 v1, v4;
	_ =	sdelay $0x1  }
0x208: {  	v3 =	vadd.s32 v1, v3;
	_ =	sdelay $0x1  }
0x209: {  	s22 =	simm.s32 $0x12000  }
0x20a: {  	[tilespmem:s22], [sflag:$0x4] =	stream.indirect_vreg.gather [hbm4b:s2+s3], $0x80, v4, vm0, $0xb8;
	[tilespmem:$0x1C000] =	vst v63  }
0x20b: {  	s25 =	simm.s32 $0x12800  }
0x20c: {  	[tilespmem:s25], [sflag:$0x4] =	stream.indirect_vreg.gather [hbm4b:s2+s3], $0x80, v3, vm0, $0xb8;
	[tilespmem:$0x1C000] =	vst v63  }
0x20d: {  	v3 =	vld [tilespmem:s11+$0xFFFFFF00];
	_ =	sdelay $0x4  }
0x20e: {  	v55 =	vshll.u32 v3, $0x1  }
0x20f: {  	v3 =	vand.u32 $0x7, v3;
	v4 =	vand.u32 $0xFFFFFFF0, v55  }
0x210: {  	v3 =	vor.u32 v3, v4  }
0x211: {  	v4 =	vperm.xlane v3, v0;
	_ =	sdelay $0x1  }
0x212: {  	v3 =	vperm.xlane v3, v2;
	v4 =	vadd.s32 v1, v4;
	_ =	sdelay $0x1  }
0x213: {  	v3 =	vadd.s32 v1, v3;
	_ =	sdelay $0x2  }
0x214: {  	[tilespmem:s30], [sflag:$0x4] =	stream.indirect_vreg.gather [hbm4b:s2+s3], $0x80, v4, vm0, $0xb8;
	[tilespmem:$0x1C000] =	vst v63  }
0x215: {  	s26 =	simm.s32 $0x13800  }
0x216: {  	[tilespmem:s26], [sflag:$0x4] =	stream.indirect_vreg.gather [hbm4b:s2+s3], $0x80, v3, vm0, $0xb8;
	[tilespmem:$0x1C000] =	vst v63  }
0x217: {  	_ =	swait.ge [sflag:s19], $0x4000  }
0x218: {  	s5 =	sadd.s32 $0x2300, s10;
	[sflag:s19] =	ssyncset.done $0x0  }
0x219: {  	s26 =	simm.s32 $0x18000;
	s0 =	rddreg [dreg:$0xa];
	[sflag:s19] =	ssyncadd.s32 $0xFFFFC000  }
0x21a: {  	[hbm4b:s5+s3] =	stream.linear.scatter [tilespmem:s26], [sflag:$0xC], $0x3000, $0x38;
	[tilespmem:$0x1C000] =	vst v63  }
0x21b: {  	s0 =	sadd.s32 s28, s0;
	s5 =	simm.s32 $0x1B000  }
0x21c: {  	[hbm4b:s0+s3] =	stream.linear.scatter [tilespmem:s5], [sflag:$0xC], $0x100, $0x38;
	[tilespmem:$0x1C000] =	vst v63  }
0x21d: {  	s25 =	simm.s32 $0x1B400;
	s0 =	sadd.s32 $0x80, s0  }
0x21e: {  	[hbm4b:s0+s3] =	stream.linear.scatter [tilespmem:s25], [sflag:$0xC], $0x100, $0x38;
	[tilespmem:$0x1C000] =	vst v63  }
0x21f: {  	_ =	swait.ge [sflag:s14], $0x3000  }
0x220: {  	[sflag:s14] =	ssyncset.done $0x0  }
0x221: {  	[sflag:s14] =	ssyncadd.s32 $0xFFFFD000  }
0x222: {  	_ =	swait.ge [sflag:s14], $0x200  }
0x223: {  	[sflag:s14] =	ssyncset.done $0x0  }
0x224: {  	[sflag:s14] =	ssyncadd.s32 $0xFFFFFE00  }
0x225: {  	v3 =	vld [tilespmem:s11+$0xFFFFFF50];
	_ =	sdelay $0x4  }
0x226: {  	v56 =	vshll.u32 v3, $0x1  }
0x227: {  	v3 =	vand.u32 $0x7, v3;
	v4 =	vand.u32 $0xFFFFFFF0, v56  }
0x228: {  	v3 =	vor.u32 v3, v4  }
0x229: {  	v4 =	vperm.xlane v3, v0;
	_ =	sdelay $0x1  }
0x22a: {  	v3 =	vperm.xlane v3, v2;
	v4 =	vadd.s32 v1, v4;
	_ =	sdelay $0x1  }
0x22b: {  	v3 =	vadd.s32 v1, v3;
	_ =	sdelay $0x2  }
0x22c: {  	[tilespmem:s23], [sflag:$0x5] =	stream.indirect_vreg.gather [hbm4b:s2+s3], $0x80, v4, vm0, $0xb8;
	[tilespmem:$0x1C000] =	vst v63  }
0x22d: {  	s25 =	simm.s32 $0x14800  }
0x22e: {  	[tilespmem:s25], [sflag:$0x5] =	stream.indirect_vreg.gather [hbm4b:s2+s3], $0x80, v3, vm0, $0xb8;
	[tilespmem:$0x1C000] =	vst v63  }
0x22f: {  	v3 =	vld [tilespmem:s11+$0xFFFFFF60];
	_ =	sdelay $0x4  }
0x230: {  	v57 =	vshll.u32 v3, $0x1  }
0x231: {  	v3 =	vand.u32 $0x7, v3;
	v4 =	vand.u32 $0xFFFFFFF0, v57  }
0x232: {  	v3 =	vor.u32 v3, v4  }
0x233: {  	v4 =	vperm.xlane v3, v0;
	_ =	sdelay $0x1  }
0x234: {  	v3 =	vperm.xlane v3, v2;
	v4 =	vadd.s32 v1, v4;
	_ =	sdelay $0x1  }
0x235: {  	v3 =	vadd.s32 v1, v3;
	_ =	sdelay $0x1  }
0x236: {  	s23 =	simm.s32 $0x15000  }
0x237: {  	[tilespmem:s23], [sflag:$0x5] =	stream.indirect_vreg.gather [hbm4b:s2+s3], $0x80, v4, vm0, $0xb8;
	[tilespmem:$0x1C000] =	vst v63  }
0x238: {  	s25 =	simm.s32 $0x15800  }
0x239: {  	[tilespmem:s25], [sflag:$0x5] =	stream.indirect_vreg.gather [hbm4b:s2+s3], $0x80, v3, vm0, $0xb8;
	[tilespmem:$0x1C000] =	vst v63  }
0x23a: {  	v3 =	vld [tilespmem:s11+$0xFFFFFF70];
	_ =	sdelay $0x4  }
0x23b: {  	v58 =	vshll.u32 v3, $0x1  }
0x23c: {  	v3 =	vand.u32 $0x7, v3;
	v4 =	vand.u32 $0xFFFFFFF0, v58  }
0x23d: {  	v3 =	vor.u32 v3, v4  }
0x23e: {  	v4 =	vperm.xlane v3, v0;
	_ =	sdelay $0x1  }
0x23f: {  	v3 =	vperm.xlane v3, v2;
	v4 =	vadd.s32 v1, v4;
	_ =	sdelay $0x1  }
0x240: {  	v3 =	vadd.s32 v1, v3;
	_ =	sdelay $0x1  }
0x241: {  	s23 =	simm.s32 $0x16000  }
0x242: {  	[tilespmem:s23], [sflag:$0x5] =	stream.indirect_vreg.gather [hbm4b:s2+s3], $0x80, v4, vm0, $0xb8;
	[tilespmem:$0x1C000] =	vst v63  }
0x243: {  	s25 =	simm.s32 $0x16800  }
0x244: {  	[tilespmem:s25], [sflag:$0x5] =	stream.indirect_vreg.gather [hbm4b:s2+s3], $0x80, v3, vm0, $0xb8;
	[tilespmem:$0x1C000] =	vst v63  }
0x245: {  	v3 =	vld [tilespmem:s11+$0xFFFFFF80];
	_ =	sdelay $0x4  }
0x246: {  	v59 =	vshll.u32 v3, $0x1  }
0x247: {  	v3 =	vand.u32 $0x7, v3;
	v4 =	vand.u32 $0xFFFFFFF0, v59  }
0x248: {  	v3 =	vor.u32 v3, v4  }
0x249: {  	v4 =	vperm.xlane v3, v0;
	_ =	sdelay $0x1  }
0x24a: {  	v3 =	vperm.xlane v3, v2;
	v4 =	vadd.s32 v1, v4;
	_ =	sdelay $0x1  }
0x24b: {  	v3 =	vadd.s32 v1, v3;
	_ =	sdelay $0x2  }
0x24c: {  	[tilespmem:s17], [sflag:$0x5] =	stream.indirect_vreg.gather [hbm4b:s2+s3], $0x80, v4, vm0, $0xb8;
	[tilespmem:$0x1C000] =	vst v63  }
0x24d: {  	s0 =	simm.s32 $0x1;
	s23 =	simm.s32 $0x17800  }
0x24e: {  	[tilespmem:s23], [sflag:$0x5] =	stream.indirect_vreg.gather [hbm4b:s2+s3], $0x80, v3, vm0, $0xb8;
	[tilespmem:$0x1C000] =	vst v63  }
0x24f: {  	_ =	swait.ge [sflag:s0], $0x4000  }
0x250: {  	[sflag:s0] =	ssyncset.done $0x0  }
0x251: {  	s10 =	sadd.s32 $0x2A00, s10;
	s23 =	rddreg [dreg:$0x5];
	[sflag:s0] =	ssyncadd.s32 $0xFFFFC000  }
0x252: {  	[hbm4b:s10+s3] =	stream.linear.scatter [tilespmem:s4], [sflag:$0x7], $0x3000, $0x38;
	[tilespmem:$0x1C000] =	vst v63  }
0x253: {  	s0 =	sadd.s32 s28, s23  }
0x254: {  	[hbm4b:s0+s3] =	stream.linear.scatter [tilespmem:s1], [sflag:$0x7], $0x100, $0x38;
	[tilespmem:$0x1C000] =	vst v63  }
0x255: {  	s23 =	simm.s32 $0x7400;
	s0 =	sadd.s32 $0x80, s0  }
0x256: {  	[hbm4b:s0+s3] =	stream.linear.scatter [tilespmem:s23], [sflag:$0x7], $0x100, $0x38;
	[tilespmem:$0x1C000] =	vst v63  }
0x257: {  	_ =	swait.ge [sflag:s7], $0x3000  }
0x258: {  	[sflag:s7] =	ssyncset.done $0x0  }
0x259: {  	[sflag:s7] =	ssyncadd.s32 $0xFFFFD000  }
0x25a: {  	_ =	swait.ge [sflag:s7], $0x200  }
0x25b: {  	[sflag:s7] =	ssyncset.done $0x0  }
0x25c: {  	[sflag:s7] =	ssyncadd.s32 $0xFFFFFE00  }
0x25d: {  	v3 =	vld [tilespmem:s11+$0xFFFFFFD0];
	_ =	sdelay $0x4  }
0x25e: {  	v60 =	vshll.u32 v3, $0x1  }
0x25f: {  	v3 =	vand.u32 $0x7, v3;
	v4 =	vand.u32 $0xFFFFFFF0, v60  }
0x260: {  	v3 =	vor.u32 v3, v4  }
0x261: {  	v4 =	vperm.xlane v3, v0;
	_ =	sdelay $0x1  }
0x262: {  	v3 =	vperm.xlane v3, v2;
	v4 =	vadd.s32 v1, v4;
	_ =	sdelay $0x1  }
0x263: {  	v3 =	vadd.s32 v1, v3;
	_ =	sdelay $0x2  }
0x264: {  	[tilespmem:s26], [sflag:$0x6] =	stream.indirect_vreg.gather [hbm4b:s2+s3], $0x80, v4, vm0, $0xb8;
	[tilespmem:$0x1C000] =	vst v63  }
0x265: {  	s1 =	simm.s32 $0x18800  }
0x266: {  	[tilespmem:s1], [sflag:$0x6] =	stream.indirect_vreg.gather [hbm4b:s2+s3], $0x80, v3, vm0, $0xb8;
	[tilespmem:$0x1C000] =	vst v63  }
0x267: {  	v3 =	vld [tilespmem:s11+$0xFFFFFFE0];
	_ =	sdelay $0x4  }
0x268: {  	v61 =	vshll.u32 v3, $0x1  }
0x269: {  	v3 =	vand.u32 $0x7, v3;
	v4 =	vand.u32 $0xFFFFFFF0, v61  }
0x26a: {  	v3 =	vor.u32 v3, v4  }
0x26b: {  	v4 =	vperm.xlane v3, v0;
	_ =	sdelay $0x1  }
0x26c: {  	v3 =	vperm.xlane v3, v2;
	v4 =	vadd.s32 v1, v4;
	_ =	sdelay $0x1  }
0x26d: {  	v3 =	vadd.s32 v1, v3;
	_ =	sdelay $0x1  }
0x26e: {  	s4 =	simm.s32 $0x19000  }
0x26f: {  	[tilespmem:s4], [sflag:$0x6] =	stream.indirect_vreg.gather [hbm4b:s2+s3], $0x80, v4, vm0, $0xb8;
	[tilespmem:$0x1C000] =	vst v63  }
0x270: {  	s10 =	simm.s32 $0x19800  }
0x271: {  	[tilespmem:s10], [sflag:$0x6] =	stream.indirect_vreg.gather [hbm4b:s2+s3], $0x80, v3, vm0, $0xb8;
	[tilespmem:$0x1C000] =	vst v63  }
0x272: {  	v3 =	vld [tilespmem:s11+$0xFFFFFFF0];
	_ =	sdelay $0x4  }
0x273: {  	v62 =	vshll.u32 v3, $0x1  }
0x274: {  	v3 =	vand.u32 $0x7, v3;
	v4 =	vand.u32 $0xFFFFFFF0, v62  }
0x275: {  	v3 =	vor.u32 v3, v4  }
0x276: {  	v4 =	vperm.xlane v3, v0;
	_ =	sdelay $0x1  }
0x277: {  	v3 =	vperm.xlane v3, v2;
	v4 =	vadd.s32 v1, v4;
	_ =	sdelay $0x1  }
0x278: {  	v3 =	vadd.s32 v1, v3;
	_ =	sdelay $0x1  }
0x279: {  	s23 =	simm.s32 $0x1A000  }
0x27a: {  	[tilespmem:s23], [sflag:$0x6] =	stream.indirect_vreg.gather [hbm4b:s2+s3], $0x80, v4, vm0, $0xb8;
	[tilespmem:$0x1C000] =	vst v63  }
0x27b: {  	s26 =	simm.s32 $0x1A800  }
0x27c: {  	[tilespmem:s26], [sflag:$0x6] =	stream.indirect_vreg.gather [hbm4b:s2+s3], $0x80, v3, vm0, $0xb8;
	[tilespmem:$0x1C000] =	vst v63  }
0x27d: {  	v3 =	vld [tilespmem:s11+$0x0];
	_ =	sdelay $0x4  }
0x27e: {  	v63 =	vshll.u32 v3, $0x1  }
0x27f: {  	v3 =	vand.u32 $0x7, v3;
	v4 =	vand.u32 $0xFFFFFFF0, v63  }
0x280: {  	v3 =	vor.u32 v3, v4  }
0x281: {  	v4 =	vperm.xlane v3, v0;
	_ =	sdelay $0x1  }
0x282: {  	v3 =	vperm.xlane v3, v2;
	v4 =	vadd.s32 v1, v4  }
0x283: {  	p0 =	sne.s32 s28, $0x31E00  }
0x284: {  	s8 =	simm.s32 $0xC000;
	s20 =	simm.s32 $0xF000;
	s13 =	simm.s32 $0x10000;
	v3 =	vadd.s32 v1, v3  }
.Ltmp0:
0x285: {  	s22 =	simm.s32 $0x13000;
	s30 =	simm.s32 $0x14000;
	(pc) =	sbr.rel @p0 .LBB2_2-.Ltmp0, $4  }
0x286: {  	s25 =	simm.s32 $0x17000;
	s17 =	simm.s32 $0x18000;
	s28 =	sadd.s32 $0x2A00, s28  }
0x287: {  	[tilespmem:s5], [sflag:$0x6] =	stream.indirect_vreg.gather [hbm4b:s2+s3], $0x80, v4, vm0, $0xb8;
	[tilespmem:$0x1C000] =	vst v63  }
0x288: {  	s26 =	simm.s32 $0x1B000;
	s11 =	sadd.s32 $0x300, s11;
	s5 =	simm.s32 $0x1B800  }
0x289: {  	[tilespmem:s5], [sflag:$0x6] =	stream.indirect_vreg.gather [hbm4b:s2+s3], $0x80, v3, vm0, $0xb8;
	[tilespmem:$0x1C000] =	vst v63  }
0x28a: {  	_ =	swait.ge [sflag:s16], $0x4000  }
0x28b: {  	[sflag:s16] =	ssyncset.done $0x0  }
0x28c: {  	s10 =	simm.s32 $0x8000;
	s0 =	rddreg [dreg:$0xe];
	[sflag:s16] =	ssyncadd.s32 $0xFFFFC000  }
0x28d: {  	[hbm4b:s0+s3] =	stream.linear.scatter [tilespmem:s10], [sflag:$0x8], $0x3000, $0x38;
	[tilespmem:$0x1C000] =	vst v63  }
0x28e: {  	s11 =	simm.s32 $0xB000;
	s23 =	rddreg [dreg:$0xf]  }
0x28f: {  	[hbm4b:s23+s3] =	stream.linear.scatter [tilespmem:s11], [sflag:$0x8], $0x100, $0x38;
	[tilespmem:$0x1C000] =	vst v63  }
0x290: {  	s28 =	simm.s32 $0xB400;
	s0 =	sadd.s32 $0x80, s23  }
0x291: {  	[hbm4b:s0+s3] =	stream.linear.scatter [tilespmem:s28], [sflag:$0x8], $0x100, $0x38;
	[tilespmem:$0x1C000] =	vst v63  }
0x292: {  	_ =	swait.ge [sflag:s18], $0x3000  }
0x293: {  	[sflag:s18] =	ssyncset.done $0x0  }
0x294: {  	[sflag:s18] =	ssyncadd.s32 $0xFFFFD000  }
0x295: {  	_ =	swait.ge [sflag:s18], $0x200  }
0x296: {  	[sflag:s18] =	ssyncset.done $0x0  }
0x297: {  	[sflag:s18] =	ssyncadd.s32 $0xFFFFFE00  }
0x298: {  	v3 =	vld [tilespmem:$0x3F00];
	_ =	sdelay $0x4  }
0x299: {  	v4 =	vshll.u32 v3, $0x1  }
0x29a: {  	v3 =	vand.u32 $0x7, v3;
	v4 =	vand.u32 $0xFFFFFFF0, v4  }
0x29b: {  	v3 =	vor.u32 v3, v4  }
0x29c: {  	v4 =	vperm.xlane v3, v0;
	_ =	sdelay $0x1  }
0x29d: {  	v3 =	vperm.xlane v3, v2;
	v4 =	vadd.s32 v1, v4;
	_ =	sdelay $0x1  }
0x29e: {  	v3 =	vadd.s32 v1, v3;
	_ =	sdelay $0x1  }
0x29f: {  	s4 =	simm.s32 $0x4000  }
0x2a0: {  	[tilespmem:s4], [sflag:$0x1] =	stream.indirect_vreg.gather [hbm4b:s2+s3], $0x80, v4, vm0, $0xb8;
	[tilespmem:$0x1C000] =	vst v63  }
0x2a1: {  	s1 =	simm.s32 $0x4800  }
0x2a2: {  	[tilespmem:s1], [sflag:$0x1] =	stream.indirect_vreg.gather [hbm4b:s2+s3], $0x80, v3, vm0, $0xb8;
	[tilespmem:$0x1C000] =	vst v63  }
0x2a3: {  	v3 =	vld [tilespmem:$0x3F10];
	_ =	sdelay $0x4  }
0x2a4: {  	v57 =	vshll.u32 v3, $0x1  }
0x2a5: {  	v3 =	vand.u32 $0x7, v3;
	v4 =	vand.u32 $0xFFFFFFF0, v57  }
0x2a6: {  	v3 =	vor.u32 v3, v4  }
0x2a7: {  	v4 =	vperm.xlane v3, v0;
	_ =	sdelay $0x1  }
0x2a8: {  	v3 =	vperm.xlane v3, v2;
	v4 =	vadd.s32 v1, v4;
	_ =	sdelay $0x1  }
0x2a9: {  	v3 =	vadd.s32 v1, v3;
	_ =	sdelay $0x1  }
0x2aa: {  	s23 =	simm.s32 $0x5000  }
0x2ab: {  	[tilespmem:s23], [sflag:$0x1] =	stream.indirect_vreg.gather [hbm4b:s2+s3], $0x80, v4, vm0, $0xb8;
	[tilespmem:$0x1C000] =	vst v63  }
0x2ac: {  	s1 =	simm.s32 $0x5800  }
0x2ad: {  	[tilespmem:s1], [sflag:$0x1] =	stream.indirect_vreg.gather [hbm4b:s2+s3], $0x80, v3, vm0, $0xb8;
	[tilespmem:$0x1C000] =	vst v63  }
0x2ae: {  	v3 =	vld [tilespmem:$0x3F20];
	_ =	sdelay $0x4  }
0x2af: {  	v58 =	vshll.u32 v3, $0x1  }
0x2b0: {  	v3 =	vand.u32 $0x7, v3;
	v4 =	vand.u32 $0xFFFFFFF0, v58  }
0x2b1: {  	v3 =	vor.u32 v3, v4  }
0x2b2: {  	v4 =	vperm.xlane v3, v0;
	_ =	sdelay $0x1  }
0x2b3: {  	v3 =	vperm.xlane v3, v2;
	v4 =	vadd.s32 v1, v4;
	_ =	sdelay $0x1  }
0x2b4: {  	v3 =	vadd.s32 v1, v3;
	_ =	sdelay $0x1  }
0x2b5: {  	s23 =	simm.s32 $0x6000  }
0x2b6: {  	[tilespmem:s23], [sflag:$0x1] =	stream.indirect_vreg.gather [hbm4b:s2+s3], $0x80, v4, vm0, $0xb8;
	[tilespmem:$0x1C000] =	vst v63  }
0x2b7: {  	s1 =	simm.s32 $0x6800  }
0x2b8: {  	[tilespmem:s1], [sflag:$0x1] =	stream.indirect_vreg.gather [hbm4b:s2+s3], $0x80, v3, vm0, $0xb8;
	[tilespmem:$0x1C000] =	vst v63  }
0x2b9: {  	v3 =	vld [tilespmem:$0x3F30];
	_ =	sdelay $0x4  }
0x2ba: {  	v59 =	vshll.u32 v3, $0x1  }
0x2bb: {  	v3 =	vand.u32 $0x7, v3;
	v4 =	vand.u32 $0xFFFFFFF0, v59  }
0x2bc: {  	v3 =	vor.u32 v3, v4  }
0x2bd: {  	v4 =	vperm.xlane v3, v0;
	_ =	sdelay $0x1  }
0x2be: {  	v3 =	vperm.xlane v3, v2;
	v4 =	vadd.s32 v1, v4;
	_ =	sdelay $0x1  }
0x2bf: {  	v3 =	vadd.s32 v1, v3;
	_ =	sdelay $0x1  }
0x2c0: {  	s1 =	simm.s32 $0x7000  }
0x2c1: {  	[tilespmem:s1], [sflag:$0x1] =	stream.indirect_vreg.gather [hbm4b:s2+s3], $0x80, v4, vm0, $0xb8;
	[tilespmem:$0x1C000] =	vst v63  }
0x2c2: {  	s23 =	simm.s32 $0x7800  }
0x2c3: {  	[tilespmem:s23], [sflag:$0x1] =	stream.indirect_vreg.gather [hbm4b:s2+s3], $0x80, v3, vm0, $0xb8;
	[tilespmem:$0x1C000] =	vst v63  }
0x2c4: {  	_ =	swait.ge [sflag:s9], $0x4000  }
0x2c5: {  	[sflag:s9] =	ssyncset.done $0x0  }
0x2c6: {  	s23 =	rddreg [dreg:$0x10];
	[sflag:s9] =	ssyncadd.s32 $0xFFFFC000  }
0x2c7: {  	[hbm4b:s23+s3] =	stream.linear.scatter [tilespmem:s8], [sflag:$0x9], $0x3000, $0x38;
	[tilespmem:$0x1C000] =	vst v63  }
0x2c8: {  	s9 =	rddreg [dreg:$0x11]  }
0x2c9: {  	[hbm4b:s9+s3] =	stream.linear.scatter [tilespmem:s20], [sflag:$0x9], $0x100, $0x38;
	[tilespmem:$0x1C000] =	vst v63  }
0x2ca: {  	s0 =	sadd.s32 $0x80, s9;
	s23 =	simm.s32 $0xF400  }
0x2cb: {  	[hbm4b:s0+s3] =	stream.linear.scatter [tilespmem:s23], [sflag:$0x9], $0x100, $0x38;
	[tilespmem:$0x1C000] =	vst v63  }
0x2cc: {  	_ =	swait.ge [sflag:s24], $0x3000  }
0x2cd: {  	[sflag:s24] =	ssyncset.done $0x0  }
0x2ce: {  	[sflag:s24] =	ssyncadd.s32 $0xFFFFD000  }
0x2cf: {  	_ =	swait.ge [sflag:s24], $0x200  }
0x2d0: {  	[sflag:s24] =	ssyncset.done $0x0  }
0x2d1: {  	[sflag:s24] =	ssyncadd.s32 $0xFFFFFE00  }
0x2d2: {  	v3 =	vld [tilespmem:$0x3F80];
	_ =	sdelay $0x4  }
0x2d3: {  	v60 =	vshll.u32 v3, $0x1  }
0x2d4: {  	v3 =	vand.u32 $0x7, v3;
	v4 =	vand.u32 $0xFFFFFFF0, v60  }
0x2d5: {  	v3 =	vor.u32 v3, v4  }
0x2d6: {  	v4 =	vperm.xlane v3, v0;
	_ =	sdelay $0x1  }
0x2d7: {  	v3 =	vperm.xlane v3, v2;
	v4 =	vadd.s32 v1, v4;
	_ =	sdelay $0x1  }
0x2d8: {  	v3 =	vadd.s32 v1, v3;
	_ =	sdelay $0x2  }
0x2d9: {  	[tilespmem:s10], [sflag:$0x2] =	stream.indirect_vreg.gather [hbm4b:s2+s3], $0x80, v4, vm0, $0xb8;
	[tilespmem:$0x1C000] =	vst v63  }
0x2da: {  	s9 =	simm.s32 $0x8800  }
0x2db: {  	[tilespmem:s9], [sflag:$0x2] =	stream.indirect_vreg.gather [hbm4b:s2+s3], $0x80, v3, vm0, $0xb8;
	[tilespmem:$0x1C000] =	vst v63  }
0x2dc: {  	v3 =	vld [tilespmem:$0x3F90];
	_ =	sdelay $0x4  }
0x2dd: {  	v61 =	vshll.u32 v3, $0x1  }
0x2de: {  	v3 =	vand.u32 $0x7, v3;
	v4 =	vand.u32 $0xFFFFFFF0, v61  }
0x2df: {  	v3 =	vor.u32 v3, v4  }
0x2e0: {  	v4 =	vperm.xlane v3, v0;
	_ =	sdelay $0x1  }
0x2e1: {  	v3 =	vperm.xlane v3, v2;
	v4 =	vadd.s32 v1, v4;
	_ =	sdelay $0x1  }
0x2e2: {  	v3 =	vadd.s32 v1, v3;
	_ =	sdelay $0x1  }
0x2e3: {  	s23 =	simm.s32 $0x9000  }
0x2e4: {  	[tilespmem:s23], [sflag:$0x2] =	stream.indirect_vreg.gather [hbm4b:s2+s3], $0x80, v4, vm0, $0xb8;
	[tilespmem:$0x1C000] =	vst v63  }
0x2e5: {  	s9 =	simm.s32 $0x9800  }
0x2e6: {  	[tilespmem:s9], [sflag:$0x2] =	stream.indirect_vreg.gather [hbm4b:s2+s3], $0x80, v3, vm0, $0xb8;
	[tilespmem:$0x1C000] =	vst v63  }
0x2e7: {  	v3 =	vld [tilespmem:$0x3FA0];
	_ =	sdelay $0x4  }
0x2e8: {  	v62 =	vshll.u32 v3, $0x1  }
0x2e9: {  	v3 =	vand.u32 $0x7, v3;
	v4 =	vand.u32 $0xFFFFFFF0, v62  }
0x2ea: {  	v3 =	vor.u32 v3, v4  }
0x2eb: {  	v4 =	vperm.xlane v3, v0;
	_ =	sdelay $0x1  }
0x2ec: {  	v3 =	vperm.xlane v3, v2;
	v4 =	vadd.s32 v1, v4;
	_ =	sdelay $0x1  }
0x2ed: {  	v3 =	vadd.s32 v1, v3;
	_ =	sdelay $0x1  }
0x2ee: {  	s23 =	simm.s32 $0xA000  }
0x2ef: {  	[tilespmem:s23], [sflag:$0x2] =	stream.indirect_vreg.gather [hbm4b:s2+s3], $0x80, v4, vm0, $0xb8;
	[tilespmem:$0x1C000] =	vst v63  }
0x2f0: {  	s9 =	simm.s32 $0xA800  }
0x2f1: {  	[tilespmem:s9], [sflag:$0x2] =	stream.indirect_vreg.gather [hbm4b:s2+s3], $0x80, v3, vm0, $0xb8;
	[tilespmem:$0x1C000] =	vst v63  }
0x2f2: {  	v3 =	vld [tilespmem:$0x3FB0];
	_ =	sdelay $0x4  }
0x2f3: {  	v63 =	vshll.u32 v3, $0x1  }
0x2f4: {  	v3 =	vand.u32 $0x7, v3;
	v4 =	vand.u32 $0xFFFFFFF0, v63  }
0x2f5: {  	v3 =	vor.u32 v3, v4  }
0x2f6: {  	v4 =	vperm.xlane v3, v0;
	_ =	sdelay $0x1  }
0x2f7: {  	v3 =	vperm.xlane v3, v2;
	v4 =	vadd.s32 v1, v4;
	_ =	sdelay $0x1  }
0x2f8: {  	v3 =	vadd.s32 v1, v3;
	_ =	sdelay $0x2  }
0x2f9: {  	[tilespmem:s11], [sflag:$0x2] =	stream.indirect_vreg.gather [hbm4b:s2+s3], $0x80, v4, vm0, $0xb8;
	[tilespmem:$0x1C000] =	vst v63  }
0x2fa: {  	s23 =	simm.s32 $0xB800  }
0x2fb: {  	[tilespmem:s23], [sflag:$0x2] =	stream.indirect_vreg.gather [hbm4b:s2+s3], $0x80, v3, vm0, $0xb8;
	[tilespmem:$0x1C000] =	vst v63  }
0x2fc: {  	_ =	swait.ge [sflag:s21], $0x4000  }
0x2fd: {  	[sflag:s21] =	ssyncset.done $0x0  }
0x2fe: {  	s9 =	rddreg [dreg:$0x12];
	[sflag:s21] =	ssyncadd.s32 $0xFFFFC000  }
0x2ff: {  	[hbm4b:s9+s3] =	stream.linear.scatter [tilespmem:s13], [sflag:$0xA], $0x3000, $0x38;
	[tilespmem:$0x1C000] =	vst v63  }
0x300: {  	s21 =	rddreg [dreg:$0x13]  }
0x301: {  	[hbm4b:s21+s3] =	stream.linear.scatter [tilespmem:s22], [sflag:$0xA], $0x100, $0x38;
	[tilespmem:$0x1C000] =	vst v63  }
0x302: {  	s23 =	simm.s32 $0x13400;
	s0 =	sadd.s32 $0x80, s21  }
0x303: {  	[hbm4b:s0+s3] =	stream.linear.scatter [tilespmem:s23], [sflag:$0xA], $0x100, $0x38;
	[tilespmem:$0x1C000] =	vst v63  }
0x304: {  	_ =	swait.ge [sflag:s6], $0x4000  }
0x305: {  	[sflag:s6] =	ssyncset.done $0x0  }
0x306: {  	s9 =	rddreg [dreg:$0x14];
	[sflag:s6] =	ssyncadd.s32 $0xFFFFC000  }
0x307: {  	[hbm4b:s9+s3] =	stream.linear.scatter [tilespmem:s30], [sflag:$0xB], $0x3000, $0x38;
	[tilespmem:$0x1C000] =	vst v63  }
0x308: {  	s21 =	rddreg [dreg:$0x15]  }
0x309: {  	[hbm4b:s21+s3] =	stream.linear.scatter [tilespmem:s25], [sflag:$0xB], $0x100, $0x38;
	[tilespmem:$0x1C000] =	vst v63  }
0x30a: {  	s23 =	simm.s32 $0x17400;
	s0 =	sadd.s32 $0x80, s21  }
0x30b: {  	[hbm4b:s0+s3] =	stream.linear.scatter [tilespmem:s23], [sflag:$0xB], $0x100, $0x38;
	[tilespmem:$0x1C000] =	vst v63  }
0x30c: {  	_ =	swait.ge [sflag:s19], $0x4000  }
0x30d: {  	[sflag:s19] =	ssyncset.done $0x0  }
0x30e: {  	s6 =	rddreg [dreg:$0x16];
	[sflag:s19] =	ssyncadd.s32 $0xFFFFC000  }
0x30f: {  	[hbm4b:s6+s3] =	stream.linear.scatter [tilespmem:s17], [sflag:$0xC], $0x3000, $0x38;
	[tilespmem:$0x1C000] =	vst v63  }
0x310: {  	s9 =	rddreg [dreg:$0x17]  }
0x311: {  	[hbm4b:s9+s3] =	stream.linear.scatter [tilespmem:s26], [sflag:$0xC], $0x100, $0x38;
	[tilespmem:$0x1C000] =	vst v63  }
0x312: {  	s21 =	simm.s32 $0x1;
	s0 =	sadd.s32 $0x80, s9;
	s19 =	simm.s32 $0x1B400  }
0x313: {  	[hbm4b:s0+s3] =	stream.linear.scatter [tilespmem:s19], [sflag:$0xC], $0x100, $0x38;
	[tilespmem:$0x1C000] =	vst v63  }
0x314: {  	_ =	swait.ge [sflag:s21], $0x4000  }
0x315: {  	[sflag:s21] =	ssyncset.done $0x0  }
0x316: {  	s23 =	rddreg [dreg:$0x18];
	[sflag:s21] =	ssyncadd.s32 $0xFFFFC000  }
0x317: {  	[hbm4b:s23+s3] =	stream.linear.scatter [tilespmem:s4], [sflag:$0x7], $0x3000, $0x38;
	[tilespmem:$0x1C000] =	vst v63  }
0x318: {  	s4 =	rddreg [dreg:$0x19]  }
0x319: {  	[hbm4b:s4+s3] =	stream.linear.scatter [tilespmem:s1], [sflag:$0x7], $0x100, $0x38;
	[tilespmem:$0x1C000] =	vst v63  }
0x31a: {  	s6 =	simm.s32 $0x7400;
	s0 =	sadd.s32 $0x80, s4  }
0x31b: {  	[hbm4b:s0+s3] =	stream.linear.scatter [tilespmem:s6], [sflag:$0x7], $0x100, $0x38;
	[tilespmem:$0x1C000] =	vst v63  }
0x31c: {  	_ =	swait.ge [sflag:s16], $0x4000  }
0x31d: {  	[sflag:s16] =	ssyncset.done $0x0  }
0x31e: {  	s9 =	rddreg [dreg:$0x1a];
	[sflag:s16] =	ssyncadd.s32 $0xFFFFC000  }
0x31f: {  	[hbm4b:s9+s3] =	stream.linear.scatter [tilespmem:s10], [sflag:$0x8], $0x3000, $0x38;
	[tilespmem:$0x1C000] =	vst v63  }
0x320: {  	s10 =	rddreg [dreg:$0x1b]  }
0x321: {  	[hbm4b:s10+s3] =	stream.linear.scatter [tilespmem:s11], [sflag:$0x8], $0x100, $0x38;
	[tilespmem:$0x1C000] =	vst v63  }
0x322: {  	s0 =	sadd.s32 $0x80, s10  }
0x323: {  	[hbm4b:s0+s3] =	stream.linear.scatter [tilespmem:s28], [sflag:$0x8], $0x100, $0x38;
	[tilespmem:$0x1C000] =	vst v63  }
0x324: {  	_ =	swait.ge [sflag:s18], $0x3000  }
0x325: {  	[sflag:s18] =	ssyncset.done $0x0  }
0x326: {  	[sflag:s18] =	ssyncadd.s32 $0xFFFFD000  }
0x327: {  	_ =	swait.ge [sflag:s18], $0x200  }
0x328: {  	[sflag:s18] =	ssyncset.done $0x0  }
0x329: {  	[sflag:s18] =	ssyncadd.s32 $0xFFFFFE00  }
0x32a: {  	_ =	swait.ge [sflag:s24], $0x3000  }
0x32b: {  	[sflag:s24] =	ssyncset.done $0x0  }
0x32c: {  	[sflag:s24] =	ssyncadd.s32 $0xFFFFD000  }
0x32d: {  	_ =	swait.ge [sflag:s24], $0x200  }
0x32e: {  	[sflag:s24] =	ssyncset.done $0x0  }
0x32f: {  	[sflag:s24] =	ssyncadd.s32 $0xFFFFFE00  }
0x330: {  	_ =	swait.ge [sflag:s15], $0x3000  }
0x331: {  	[sflag:s15] =	ssyncset.done $0x0  }
0x332: {  	[sflag:s15] =	ssyncadd.s32 $0xFFFFD000  }
0x333: {  	_ =	swait.ge [sflag:s15], $0x200  }
0x334: {  	[sflag:s15] =	ssyncset.done $0x0  }
0x335: {  	[sflag:s15] =	ssyncadd.s32 $0xFFFFFE00  }
0x336: {  	_ =	swait.ge [sflag:s29], $0x3000  }
0x337: {  	[sflag:s29] =	ssyncset.done $0x0  }
0x338: {  	[sflag:s29] =	ssyncadd.s32 $0xFFFFD000  }
0x339: {  	_ =	swait.ge [sflag:s29], $0x200  }
0x33a: {  	[sflag:s29] =	ssyncset.done $0x0  }
0x33b: {  	[sflag:s29] =	ssyncadd.s32 $0xFFFFFE00  }
0x33c: {  	_ =	swait.ge [sflag:s14], $0x3000  }
0x33d: {  	[sflag:s14] =	ssyncset.done $0x0  }
0x33e: {  	[sflag:s14] =	ssyncadd.s32 $0xFFFFD000  }
0x33f: {  	_ =	swait.ge [sflag:s14], $0x200  }
0x340: {  	[sflag:s14] =	ssyncset.done $0x0  }
0x341: {  	[sflag:s14] =	ssyncadd.s32 $0xFFFFFE00  }
0x342: {  	_ =	swait.ge [sflag:s7], $0x3000  }
0x343: {  	[sflag:s7] =	ssyncset.done $0x0  }
0x344: {  	[sflag:s7] =	ssyncadd.s32 $0xFFFFD000  }
0x345: {  	_ =	swait.ge [sflag:s7], $0x200  }
0x346: {  	s19 =	rddreg [dreg:$0x1d]  }
0x347: {  	s21 =	rddreg [dreg:$0x1c];
	s6 =	sadd.s32 $0x1, s19  }
0x348: {  	p0 =	sne.s32 s6, s21  }
.Ltmp1:
0x349: {  	_ = 	snop;
	(pc) =	sbr.rel @p0 .LBB2_1-.Ltmp1, $4  }
0x34a: {  	s23 =	simm.s32 $0x8000  }
0x34b: {  	s4 =	simm.s32 $0xE800;
	s1 =	simm.s32 $0xF800;
	s9 =	simm.s32 $0x11000  }
0x34c: {  	s10 =	simm.s32 $0xC800;
	s11 =	simm.s32 $0xD800;
	[sflag:s7] =	ssyncset.done $0x0  }
0x34d: {  	s28 =	simm.s32 $0xE000;
	[sflag:s7] =	ssyncadd.s32 $0xFFFFFE00;
	s19 =	simm.s32 $0x11800  }
0x34e: {  	_ =	sfence.sel $0x180000  }
0x34f: {  	[bflag:$0x0] =	sbarrier.arrive $0xFFFF  }
0x350: {  	_ =	strace $0x90000047  }
0x351: {  	s0 =	stileid.u32;
	[bflag:$0x2] =	sbarrier.arrive $0xFFFF  }
0x352: {  	p0 =	sne.s32 s0, $0x0;
	s0 =	rddreg [dreg:$0x3]  }
0x353: {  	s0 =	sadd.s32 @!p0 $0x100000, s0  }
0x354: {  	[sflag:s0] =	ssyncadd.tile.s32 @!p0 $0x1;
	_ =	shalt  }
.Lfunc_end2:
_tile_overlayer_lowered:
.L_overlay_start_2:
0x355: {  	(tag) =	ssettag $0x2  }
0x356: {  	s0 =	rddreg [dreg:$0x0];
	s2 =	stileid.u32  }
0x357: {  	s1 =	rddreg [dreg:$0x1];
	p0 =	sne.s32 s2, $0x0  }
0x358: {  	s3 =	rddreg [dreg:$0x2];
	[bflag:$0x3] =	sbarrier.arrive $0xFFFF;
	s2 =	simm.s32 @!p0 $0x1C0D  }
0x359: {  	[timem:s3], [sflag:s2] =	dma.local @!p0 [hbm:s0], s1  }
0x35a: {  	s0 =	simm.s32 @!p0 $0xD  }
0x35b: {  	_ =	swait.ge @!p0 [sflag:s0], s1  }
0x35c: {  	s1 =	ssub.s32 @!p0 $0x0, s1;
	[sflag:s0] =	ssyncset.done @!p0 $0x0  }
0x35d: {  	[sflag:s0] =	ssyncadd.s32 @!p0 s1  }
0x35e: {  	[bflag:$0x3] =	sbarrier.arrive $0xFFFF  }
0x35f: {  	_ =	shalt  }

</sc_bundles>
